<compile_context>
chip_gen: v7x
topology: tpu7x:2x2x1
jax: 0.10.2.dev20260603
libtpu: 0.0.44.dev20260713+nightly
codegen_flags: <defaults>
</compile_context>

<pallas_src>
import functools

import jax
import jax.numpy as jnp
from jax import lax
from jax.experimental import pallas as pl
from jax.experimental.pallas import tpu as pltpu
from jax.experimental.pallas import tpu_sc as plsc

N = 1_000_000
D = 20
NB = 2_304
NFULL = N // NB
NT = N - NFULL * NB
NW = 32
VECS = NB // 16
VECS_T = NT // 16
BPT = 14


def _compute(xv, ov, cols, nvec):
    @plsc.parallel_loop(0, nvec, 1, unroll=6)
    def do_vec(v):
        x16 = xv[pl.ds(v * 16, 16)]
        idx = jnp.minimum(x16, 5)
        idx = idx + jnp.minimum(x16 >> 3, 1)
        idx = idx + jnp.minimum(x16 >> 4, 1)
        idx = idx + jnp.minimum(x16 >> 5, 1)
        idx = idx + jnp.minimum(x16 >> 6, 1)
        for d in range(D):
            ov[d, pl.ds(v * 16, 16)] = jnp.take_along_axis(cols[d], idx,
                                                           axis=0)


def _body(x_hbm, table_hbm, out_hbm, xa, xb, table_v, outa, outb, outt,
          sxa, sxb, soa, sob):
    wid = lax.axis_index("s") * 2 + lax.axis_index("c")
    pltpu.sync_copy(table_hbm, table_v)
    ridx = jnp.minimum(lax.iota(jnp.int32, 16), 9) * D
    cols = [plsc.load_gather(table_v, [ridx + d]) for d in range(D)]

    def base(t):
        return jnp.minimum(wid + t * NW, NFULL - 1) * NB

    def start_x(t, xv, sem):
        pltpu.async_copy(x_hbm.at[pl.ds(base(t), NB)], xv, sem)

    def wait_x(t, xv, sem):
        pltpu.make_async_copy(x_hbm.at[pl.ds(base(t), NB)], xv, sem).wait()

    def start_out(t, ov, sem):
        pltpu.async_copy(ov, out_hbm.at[:, pl.ds(base(t), NB)], sem)

    def wait_out(t, ov, sem):
        pltpu.make_async_copy(ov, out_hbm.at[:, pl.ds(base(t), NB)],
                              sem).wait()

    start_x(0, xa, sxa)
    start_x(1, xb, sxb)

    def do_pair(i, _):
        tA = 2 * i
        tB = 2 * i + 1
        wait_x(tA, xa, sxa)

        @pl.when(i > 0)
        def _():
            wait_out(tA, outa, soa)

        _compute(xa, outa, cols, VECS)
        start_out(tA, outa, soa)

        @pl.when(tA + 2 < BPT)
        def _():
            start_x(tA + 2, xa, sxa)

        wait_x(tB, xb, sxb)

        @pl.when(i > 0)
        def _():
            wait_out(tB, outb, sob)

        _compute(xb, outb, cols, VECS)
        start_out(tB, outb, sob)

        @pl.when(tB + 2 < BPT)
        def _():
            start_x(tB + 2, xb, sxb)

        return 0

    lax.fori_loop(0, BPT // 2, do_pair, 0)
    wait_out(BPT - 2, outa, soa)
    wait_out(BPT - 1, outb, sob)

    @pl.when(wid == NW - 1)
    def _():
        pltpu.sync_copy(x_hbm.at[pl.ds(NFULL * NB, NT)], xa.at[pl.ds(0, NT)])
        _compute(xa, outt, cols, VECS_T)
        pltpu.sync_copy(outt, out_hbm.at[:, pl.ds(NFULL * NB, NT)])


def kernel(x, table):
    mesh = plsc.VectorSubcoreMesh(core_axis_name="c", subcore_axis_name="s")
    f = functools.partial(
        pl.kernel,
        mesh=mesh,
        compiler_params=pltpu.CompilerParams(needs_layout_passes=False),
        out_type=jax.ShapeDtypeStruct((D, N), jnp.float32),
        scratch_types=[
            pltpu.VMEM((NB,), jnp.int32),
            pltpu.VMEM((NB,), jnp.int32),
            pltpu.VMEM((10 * D,), jnp.float32),
            pltpu.VMEM((D, NB), jnp.float32),
            pltpu.VMEM((D, NB), jnp.float32),
            pltpu.VMEM((D, NT), jnp.float32),
            pltpu.SemaphoreType.DMA,
            pltpu.SemaphoreType.DMA,
            pltpu.SemaphoreType.DMA,
            pltpu.SemaphoreType.DMA,
        ],
    )(_body)
    out = f(x, table.reshape(10 * D))
    return out.T

# --- scband reference (transcript-rebuilt; emitter-appended) ---
"""Pipeline reference for scband-distance-embed-13280038879331 (READ-ONLY COPY).

The authoritative reference and input builder live on the scoring server;
editing this copy changes nothing except your own understanding.
"""

import jax, jax.numpy as jnp
import numpy as np

BUCKETS = jnp.array([1, 2, 3, 4, 5, 8, 16, 32, 64], dtype=jnp.int32)


def setup_inputs(seed: int = 0) -> dict:
    key = jax.random.key(seed)
    k1, k2 = jax.random.split(key)
    x = jax.random.randint(k1, (1000000,), 0, 128, dtype=jnp.int32)
    # Embedding table: num_embeddings = len(buckets) + 1 = 10, dimension = 20
    table = jax.random.normal(k2, (10, 20), dtype=jnp.float32)
    return {"x": x, "table": table}


def reference(x, table):
    # _bs: for each value, count buckets b with value >= b  == searchsorted(buckets, x, side='right')
    idx = jnp.searchsorted(BUCKETS, x, side='right')
    # Embedding lookup
    return jnp.take(table, idx, axis=0)

if __name__ == "__main__":
    import jax
    _d = setup_inputs()
    print(jax.jit(kernel)(*tuple(_d.values())))

</pallas_src>

<mosaic_0001>
#map = affine_map<(d0, d1) -> (0)>
#map1 = affine_map<(d0, d1) -> (0, 0)>
module attributes {stable_mosaic.version = 14 : i64} {
  func.func @_body(%arg0: i32, %arg1: i32, %arg2: memref<1000000xi32, #tpu.memory_space<hbm>>, %arg3: memref<200xf32, #tpu.memory_space<hbm>>, %arg4: memref<20x1000000xf32, #tpu.memory_space<hbm>>, %arg5: memref<2304xi32, #tpu.memory_space<vmem>>, %arg6: memref<2304xi32, #tpu.memory_space<vmem>>, %arg7: memref<200xf32, #tpu.memory_space<vmem>>, %arg8: memref<20x2304xf32, #tpu.memory_space<vmem>>, %arg9: memref<20x2304xf32, #tpu.memory_space<vmem>>, %arg10: memref<20x64xf32, #tpu.memory_space<vmem>>, %arg11: memref<!tpu.dma_semaphore, #tpu.memory_space<semaphore_mem>>, %arg12: memref<!tpu.dma_semaphore, #tpu.memory_space<semaphore_mem>>, %arg13: memref<!tpu.dma_semaphore, #tpu.memory_space<semaphore_mem>>, %arg14: memref<!tpu.dma_semaphore, #tpu.memory_space<semaphore_mem>>) attributes {dimension_semantics = [#tpu.dimension_semantics<core_parallel>, #tpu.dimension_semantics<subcore_parallel>], iteration_bounds = array<i64: 2, 16>, scalar_prefetch = 0 : i64, scratch_operands = 10 : i64, tpu.core_type = #tpu.core_type<sc_vector_subcore>, window_params = [{transform_indices = #map}, {transform_indices = #map}, {transform_indices = #map1}]} {
    %mul3A = arith.constant 2 : i32
    %mul3A_0 = arith.muli %arg1, %mul3A : i32
    %add3A = arith.addi %mul3A_0, %arg0 : i32
    "tpu.region"() ({
      %run_scoped3A = tpu.sem_alloc : memref<!tpu.dma_semaphore, #tpu.memory_space<semaphore_mem>>
      tpu.enqueue_dma source(%arg3 : memref<200xf32, #tpu.memory_space<hbm>>) target(%arg7 : memref<200xf32, #tpu.memory_space<vmem>>) target_semaphore(%run_scoped3A : memref<!tpu.dma_semaphore, #tpu.memory_space<semaphore_mem>>)
      tpu.wait_dma2 semaphore(%run_scoped3A : memref<!tpu.dma_semaphore, #tpu.memory_space<semaphore_mem>>) src(%arg3 : memref<200xf32, #tpu.memory_space<hbm>>) dst(%arg7 : memref<200xf32, #tpu.memory_space<vmem>>)
      tpu.yield
    }) : () -> ()
    %iota3A = tpu.iota {dimensions = array<i32: 0>} : vector<16xi32>
    %min3A = arith.constant 9 : i32
    %min3A_1 = vector.broadcast %min3A : i32 to vector<16xi32>
    %min3A_2 = arith.minsi %iota3A, %min3A_1 : vector<16xi32>
    %mul3A_3 = arith.constant 20 : i32
    %mul3A_4 = vector.broadcast %mul3A_3 : i32 to vector<16xi32>
    %mul3A_5 = arith.muli %min3A_2, %mul3A_4 : vector<16xi32>
    %add3A_6 = arith.constant 0 : i32
    %add3A_7 = vector.broadcast %add3A_6 : i32 to vector<16xi32>
    %add3A_8 = arith.addi %mul3A_5, %add3A_7 : vector<16xi32>
    %gather3A = tpu.vector_load_idx %arg7[%add3A_8] : memref<200xf32, #tpu.memory_space<vmem>>[vector<16xi32>], vector<16xf32>,
    %add3A_9 = arith.constant 1 : i32
    %add3A_10 = vector.broadcast %add3A_9 : i32 to vector<16xi32>
    %add3A_11 = arith.addi %mul3A_5, %add3A_10 : vector<16xi32>
    %gather3A_12 = tpu.vector_load_idx %arg7[%add3A_11] : memref<200xf32, #tpu.memory_space<vmem>>[vector<16xi32>], vector<16xf32>,
    %add3A_13 = arith.constant 2 : i32
    %add3A_14 = vector.broadcast %add3A_13 : i32 to vector<16xi32>
    %add3A_15 = arith.addi %mul3A_5, %add3A_14 : vector<16xi32>
    %gather3A_16 = tpu.vector_load_idx %arg7[%add3A_15] : memref<200xf32, #tpu.memory_space<vmem>>[vector<16xi32>], vector<16xf32>,
    %add3A_17 = arith.constant 3 : i32
    %add3A_18 = vector.broadcast %add3A_17 : i32 to vector<16xi32>
    %add3A_19 = arith.addi %mul3A_5, %add3A_18 : vector<16xi32>
    %gather3A_20 = tpu.vector_load_idx %arg7[%add3A_19] : memref<200xf32, #tpu.memory_space<vmem>>[vector<16xi32>], vector<16xf32>,
    %add3A_21 = arith.constant 4 : i32
    %add3A_22 = vector.broadcast %add3A_21 : i32 to vector<16xi32>
    %add3A_23 = arith.addi %mul3A_5, %add3A_22 : vector<16xi32>
    %gather3A_24 = tpu.vector_load_idx %arg7[%add3A_23] : memref<200xf32, #tpu.memory_space<vmem>>[vector<16xi32>], vector<16xf32>,
    %add3A_25 = arith.constant 5 : i32
    %add3A_26 = vector.broadcast %add3A_25 : i32 to vector<16xi32>
    %add3A_27 = arith.addi %mul3A_5, %add3A_26 : vector<16xi32>
    %gather3A_28 = tpu.vector_load_idx %arg7[%add3A_27] : memref<200xf32, #tpu.memory_space<vmem>>[vector<16xi32>], vector<16xf32>,
    %add3A_29 = arith.constant 6 : i32
    %add3A_30 = vector.broadcast %add3A_29 : i32 to vector<16xi32>
    %add3A_31 = arith.addi %mul3A_5, %add3A_30 : vector<16xi32>
    %gather3A_32 = tpu.vector_load_idx %arg7[%add3A_31] : memref<200xf32, #tpu.memory_space<vmem>>[vector<16xi32>], vector<16xf32>,
    %add3A_33 = arith.constant 7 : i32
    %add3A_34 = vector.broadcast %add3A_33 : i32 to vector<16xi32>
    %add3A_35 = arith.addi %mul3A_5, %add3A_34 : vector<16xi32>
    %gather3A_36 = tpu.vector_load_idx %arg7[%add3A_35] : memref<200xf32, #tpu.memory_space<vmem>>[vector<16xi32>], vector<16xf32>,
    %add3A_37 = arith.constant 8 : i32
    %add3A_38 = vector.broadcast %add3A_37 : i32 to vector<16xi32>
    %add3A_39 = arith.addi %mul3A_5, %add3A_38 : vector<16xi32>
    %gather3A_40 = tpu.vector_load_idx %arg7[%add3A_39] : memref<200xf32, #tpu.memory_space<vmem>>[vector<16xi32>], vector<16xf32>,
    %add3A_41 = arith.constant 9 : i32
    %add3A_42 = vector.broadcast %add3A_41 : i32 to vector<16xi32>
    %add3A_43 = arith.addi %mul3A_5, %add3A_42 : vector<16xi32>
    %gather3A_44 = tpu.vector_load_idx %arg7[%add3A_43] : memref<200xf32, #tpu.memory_space<vmem>>[vector<16xi32>], vector<16xf32>,
    %add3A_45 = arith.constant 10 : i32
    %add3A_46 = vector.broadcast %add3A_45 : i32 to vector<16xi32>
    %add3A_47 = arith.addi %mul3A_5, %add3A_46 : vector<16xi32>
    %gather3A_48 = tpu.vector_load_idx %arg7[%add3A_47] : memref<200xf32, #tpu.memory_space<vmem>>[vector<16xi32>], vector<16xf32>,
    %add3A_49 = arith.constant 11 : i32
    %add3A_50 = vector.broadcast %add3A_49 : i32 to vector<16xi32>
    %add3A_51 = arith.addi %mul3A_5, %add3A_50 : vector<16xi32>
    %gather3A_52 = tpu.vector_load_idx %arg7[%add3A_51] : memref<200xf32, #tpu.memory_space<vmem>>[vector<16xi32>], vector<16xf32>,
    %add3A_53 = arith.constant 12 : i32
    %add3A_54 = vector.broadcast %add3A_53 : i32 to vector<16xi32>
    %add3A_55 = arith.addi %mul3A_5, %add3A_54 : vector<16xi32>
    %gather3A_56 = tpu.vector_load_idx %arg7[%add3A_55] : memref<200xf32, #tpu.memory_space<vmem>>[vector<16xi32>], vector<16xf32>,
    %add3A_57 = arith.constant 13 : i32
    %add3A_58 = vector.broadcast %add3A_57 : i32 to vector<16xi32>
    %add3A_59 = arith.addi %mul3A_5, %add3A_58 : vector<16xi32>
    %gather3A_60 = tpu.vector_load_idx %arg7[%add3A_59] : memref<200xf32, #tpu.memory_space<vmem>>[vector<16xi32>], vector<16xf32>,
    %add3A_61 = arith.constant 14 : i32
    %add3A_62 = vector.broadcast %add3A_61 : i32 to vector<16xi32>
    %add3A_63 = arith.addi %mul3A_5, %add3A_62 : vector<16xi32>
    %gather3A_64 = tpu.vector_load_idx %arg7[%add3A_63] : memref<200xf32, #tpu.memory_space<vmem>>[vector<16xi32>], vector<16xf32>,
    %add3A_65 = arith.constant 15 : i32
    %add3A_66 = vector.broadcast %add3A_65 : i32 to vector<16xi32>
    %add3A_67 = arith.addi %mul3A_5, %add3A_66 : vector<16xi32>
    %gather3A_68 = tpu.vector_load_idx %arg7[%add3A_67] : memref<200xf32, #tpu.memory_space<vmem>>[vector<16xi32>], vector<16xf32>,
    %add3A_69 = arith.constant 16 : i32
    %add3A_70 = vector.broadcast %add3A_69 : i32 to vector<16xi32>
    %add3A_71 = arith.addi %mul3A_5, %add3A_70 : vector<16xi32>
    %gather3A_72 = tpu.vector_load_idx %arg7[%add3A_71] : memref<200xf32, #tpu.memory_space<vmem>>[vector<16xi32>], vector<16xf32>,
    %add3A_73 = arith.constant 17 : i32
    %add3A_74 = vector.broadcast %add3A_73 : i32 to vector<16xi32>
    %add3A_75 = arith.addi %mul3A_5, %add3A_74 : vector<16xi32>
    %gather3A_76 = tpu.vector_load_idx %arg7[%add3A_75] : memref<200xf32, #tpu.memory_space<vmem>>[vector<16xi32>], vector<16xf32>,
    %add3A_77 = arith.constant 18 : i32
    %add3A_78 = vector.broadcast %add3A_77 : i32 to vector<16xi32>
    %add3A_79 = arith.addi %mul3A_5, %add3A_78 : vector<16xi32>
    %gather3A_80 = tpu.vector_load_idx %arg7[%add3A_79] : memref<200xf32, #tpu.memory_space<vmem>>[vector<16xi32>], vector<16xf32>,
    %add3A_81 = arith.constant 19 : i32
    %add3A_82 = vector.broadcast %add3A_81 : i32 to vector<16xi32>
    %add3A_83 = arith.addi %mul3A_5, %add3A_82 : vector<16xi32>
    %gather3A_84 = tpu.vector_load_idx %arg7[%add3A_83] : memref<200xf32, #tpu.memory_space<vmem>>[vector<16xi32>], vector<16xf32>,
    %add3A_85 = arith.constant 0 : i32
    %add3A_86 = arith.addi %add3A, %add3A_85 : i32
    %min3A_87 = arith.constant 433 : i32
    %min3A_88 = arith.minsi %add3A_86, %min3A_87 : i32
    %mul3A_89 = arith.constant 2304 : i32
    %mul3A_90 = arith.muli %min3A_88, %mul3A_89 : i32
    %dma_start3A = tpu.memref_slice %arg2[%mul3A_90] : memref<1000000xi32, #tpu.memory_space<hbm>> -> memref<2304xi32, #tpu.memory_space<hbm>>
    %dma_start3A_91 = tpu.memref_slice %arg2[%mul3A_90] : memref<1000000xi32, #tpu.memory_space<hbm>> -> memref<2304xi32, #tpu.memory_space<hbm>>
    tpu.enqueue_dma source(%dma_start3A_91 : memref<2304xi32, #tpu.memory_space<hbm>>) target(%arg5 : memref<2304xi32, #tpu.memory_space<vmem>>) target_semaphore(%arg11 : memref<!tpu.dma_semaphore, #tpu.memory_space<semaphore_mem>>)
    %add3A_92 = arith.constant 32 : i32
    %add3A_93 = arith.addi %add3A, %add3A_92 : i32
    %min3A_94 = arith.constant 433 : i32
    %min3A_95 = arith.minsi %add3A_93, %min3A_94 : i32
    %mul3A_96 = arith.constant 2304 : i32
    %mul3A_97 = arith.muli %min3A_95, %mul3A_96 : i32
    %dma_start3A_98 = tpu.memref_slice %arg2[%mul3A_97] : memref<1000000xi32, #tpu.memory_space<hbm>> -> memref<2304xi32, #tpu.memory_space<hbm>>
    %dma_start3A_99 = tpu.memref_slice %arg2[%mul3A_97] : memref<1000000xi32, #tpu.memory_space<hbm>> -> memref<2304xi32, #tpu.memory_space<hbm>>
    tpu.enqueue_dma source(%dma_start3A_99 : memref<2304xi32, #tpu.memory_space<hbm>>) target(%arg6 : memref<2304xi32, #tpu.memory_space<vmem>>) target_semaphore(%arg12 : memref<!tpu.dma_semaphore, #tpu.memory_space<semaphore_mem>>)
    %scan3A = arith.constant 0 : i32
    %scan3A_100 = arith.constant 0 : i32
    %scan3A_101 = arith.constant 7 : i32
    %scan3A_102 = arith.addi %scan3A_100, %scan3A_101 : i32
    %scan3A_103 = arith.constant 1 : i32
    %scan3A_104 = scf.for %scan3A_127 = %scan3A_100 to %scan3A_102 step %scan3A_103 iter_args(%scan3A_128 = %scan3A) -> (i32)  : i32 {
      %mul3A_129 = arith.constant 2 : i32
      %mul3A_130 = arith.muli %mul3A_129, %scan3A_127 : i32
      %mul3A_131 = arith.constant 2 : i32
      %mul3A_132 = arith.muli %mul3A_131, %scan3A_127 : i32
      %add3A_133 = arith.constant 1 : i32
      %add3A_134 = arith.addi %mul3A_132, %add3A_133 : i32
      %mul3A_135 = arith.constant 32 : i32
      %mul3A_136 = arith.muli %mul3A_130, %mul3A_135 : i32
      %add3A_137 = arith.addi %add3A, %mul3A_136 : i32
      %min3A_138 = arith.constant 433 : i32
      %min3A_139 = arith.minsi %add3A_137, %min3A_138 : i32
      %mul3A_140 = arith.constant 2304 : i32
      %mul3A_141 = arith.muli %min3A_139, %mul3A_140 : i32
      %dma_wait3A_142 = tpu.memref_slice %arg2[%mul3A_141] : memref<1000000xi32, #tpu.memory_space<hbm>> -> memref<2304xi32, #tpu.memory_space<hbm>>
      %dma_wait3A_143 = tpu.memref_slice %arg2[%mul3A_141] : memref<1000000xi32, #tpu.memory_space<hbm>> -> memref<2304xi32, #tpu.memory_space<hbm>>
      tpu.wait_dma2 semaphore(%arg11 : memref<!tpu.dma_semaphore, #tpu.memory_space<semaphore_mem>>) src(%dma_wait3A_143 : memref<2304xi32, #tpu.memory_space<hbm>>) dst(%arg5 : memref<2304xi32, #tpu.memory_space<vmem>>)
      %gt3A = arith.constant 0 : i32
      %gt3A_144 = arith.cmpi sgt, %scan3A_127, %gt3A : i32
      %convert_element_type3A_145 = arith.extui %gt3A_144 : i1 to i32
      %cond3A_146 = arith.constant 0 : i32
      %cond3A_147 = arith.cmpi ne, %convert_element_type3A_145, %cond3A_146 : i32
      scf.if %cond3A_147 {
        %mul3A_203 = arith.constant 32 : i32
        %mul3A_204 = arith.muli %mul3A_130, %mul3A_203 : i32
        %add3A_205 = arith.addi %add3A, %mul3A_204 : i32
        %min3A_206 = arith.constant 433 : i32
        %min3A_207 = arith.minsi %add3A_205, %min3A_206 : i32
        %mul3A_208 = arith.constant 2304 : i32
        %mul3A_209 = arith.muli %min3A_207, %mul3A_208 : i32
        %dma_wait3A_210 = arith.constant 0 : i32
        %dma_wait3A_211 = tpu.memref_slice %arg4[%dma_wait3A_210, %mul3A_209] : memref<20x1000000xf32, #tpu.memory_space<hbm>> -> memref<20x2304xf32, #tpu.memory_space<hbm>>
        %dma_wait3A_212 = arith.constant 0 : i32
        %dma_wait3A_213 = tpu.memref_slice %arg4[%dma_wait3A_212, %mul3A_209] : memref<20x1000000xf32, #tpu.memory_space<hbm>> -> memref<20x2304xf32, #tpu.memory_space<hbm>>
        tpu.wait_dma2 semaphore(%arg13 : memref<!tpu.dma_semaphore, #tpu.memory_space<semaphore_mem>>) src(%arg8 : memref<20x2304xf32, #tpu.memory_space<vmem>>) dst(%dma_wait3A_213 : memref<20x2304xf32, #tpu.memory_space<hbm>>)
      } else {
      }
      %parallel_loop3A = arith.constant 0 : i32
      %parallel_loop3A_148 = arith.constant 144 : i32
      %parallel_loop3A_149 = arith.constant 1 : i32
      scf.for %parallel_loop3A_203 = %parallel_loop3A to %parallel_loop3A_148 step %parallel_loop3A_149  : i32 {
        %parallel_loop3A_204 = arith.constant 16 : i32
        %parallel_loop3A_205 = arith.muli %parallel_loop3A_203, %parallel_loop3A_204 : i32
        %parallel_loop3A_206 = arith.index_cast %parallel_loop3A_205 : i32 to index
        %parallel_loop3A_207 = tpu.vector_load %arg5[%parallel_loop3A_206] {strides = array<i32>} : memref<2304xi32, #tpu.memory_space<vmem>>, vector<16xi32>,
        %parallel_loop3A_208 = arith.constant 5 : i32
        %parallel_loop3A_209 = vector.broadcast %parallel_loop3A_208 : i32 to vector<16xi32>
        %parallel_loop3A_210 = arith.minsi %parallel_loop3A_207, %parallel_loop3A_209 : vector<16xi32>
        %parallel_loop3A_211 = arith.constant 3 : i32
        %parallel_loop3A_212 = vector.broadcast %parallel_loop3A_211 : i32 to vector<16xi32>
        %parallel_loop3A_213 = arith.shrsi %parallel_loop3A_207, %parallel_loop3A_212 : vector<16xi32>
        %parallel_loop3A_214 = arith.constant 1 : i32
        %parallel_loop3A_215 = vector.broadcast %parallel_loop3A_214 : i32 to vector<16xi32>
        %parallel_loop3A_216 = arith.minsi %parallel_loop3A_213, %parallel_loop3A_215 : vector<16xi32>
        %parallel_loop3A_217 = arith.addi %parallel_loop3A_210, %parallel_loop3A_216 : vector<16xi32>
        %parallel_loop3A_218 = arith.constant 4 : i32
        %parallel_loop3A_219 = vector.broadcast %parallel_loop3A_218 : i32 to vector<16xi32>
        %parallel_loop3A_220 = arith.shrsi %parallel_loop3A_207, %parallel_loop3A_219 : vector<16xi32>
        %parallel_loop3A_221 = arith.constant 1 : i32
        %parallel_loop3A_222 = vector.broadcast %parallel_loop3A_221 : i32 to vector<16xi32>
        %parallel_loop3A_223 = arith.minsi %parallel_loop3A_220, %parallel_loop3A_222 : vector<16xi32>
        %parallel_loop3A_224 = arith.addi %parallel_loop3A_217, %parallel_loop3A_223 : vector<16xi32>
        %parallel_loop3A_225 = arith.constant 5 : i32
        %parallel_loop3A_226 = vector.broadcast %parallel_loop3A_225 : i32 to vector<16xi32>
        %parallel_loop3A_227 = arith.shrsi %parallel_loop3A_207, %parallel_loop3A_226 : vector<16xi32>
        %parallel_loop3A_228 = arith.constant 1 : i32
        %parallel_loop3A_229 = vector.broadcast %parallel_loop3A_228 : i32 to vector<16xi32>
        %parallel_loop3A_230 = arith.minsi %parallel_loop3A_227, %parallel_loop3A_229 : vector<16xi32>
        %parallel_loop3A_231 = arith.addi %parallel_loop3A_224, %parallel_loop3A_230 : vector<16xi32>
        %parallel_loop3A_232 = arith.constant 6 : i32
        %parallel_loop3A_233 = vector.broadcast %parallel_loop3A_232 : i32 to vector<16xi32>
        %parallel_loop3A_234 = arith.shrsi %parallel_loop3A_207, %parallel_loop3A_233 : vector<16xi32>
        %parallel_loop3A_235 = arith.constant 1 : i32
        %parallel_loop3A_236 = vector.broadcast %parallel_loop3A_235 : i32 to vector<16xi32>
        %parallel_loop3A_237 = arith.minsi %parallel_loop3A_234, %parallel_loop3A_236 : vector<16xi32>
        %parallel_loop3A_238 = arith.addi %parallel_loop3A_231, %parallel_loop3A_237 : vector<16xi32>
        %parallel_loop3A_239 = arith.constant 0 : i32
        %parallel_loop3A_240 = vector.broadcast %parallel_loop3A_239 : i32 to vector<16xi32>
        %parallel_loop3A_241 = arith.cmpi slt, %parallel_loop3A_238, %parallel_loop3A_240 : vector<16xi32>
        %parallel_loop3A_242 = arith.constant 16 : i32
        %parallel_loop3A_243 = vector.broadcast %parallel_loop3A_242 : i32 to vector<16xi32>
        %parallel_loop3A_244 = arith.addi %parallel_loop3A_238, %parallel_loop3A_243 : vector<16xi32>
        %parallel_loop3A_245 = arith.select %parallel_loop3A_241, %parallel_loop3A_244, %parallel_loop3A_238 : vector<16xi1>, vector<16xi32>
        %parallel_loop3A_246 = vector.shape_cast %parallel_loop3A_245 : vector<16xi32> to vector<16x1xi32>
        %parallel_loop3A_247 = vector.shape_cast %parallel_loop3A_246 : vector<16x1xi32> to vector<16xi32>
        %parallel_loop3A_248 = tpu.dynamic_gather %gather3A[%parallel_loop3A_247] in [0] : vector<16xf32>, vector<16xi32> -> vector<16xf32>
        %parallel_loop3A_249 = arith.constant 16 : i32
        %parallel_loop3A_250 = arith.muli %parallel_loop3A_203, %parallel_loop3A_249 : i32
        %parallel_loop3A_251 = arith.constant 0 : i32
        %parallel_loop3A_252 = arith.index_cast %parallel_loop3A_251 : i32 to index
        %parallel_loop3A_253 = arith.index_cast %parallel_loop3A_250 : i32 to index
        %parallel_loop3A_254 = tpu.vector_load %arg8[%parallel_loop3A_252, %parallel_loop3A_253] {strides = array<i32>} : memref<20x2304xf32, #tpu.memory_space<vmem>>, vector<16xf32>,
        tpu.vector_store %arg8[%parallel_loop3A_252, %parallel_loop3A_253], %parallel_loop3A_248 {strides = array<i32>} : memref<20x2304xf32, #tpu.memory_space<vmem>>, vector<16xf32>,
        %parallel_loop3A_255 = arith.constant 0 : i32
        %parallel_loop3A_256 = vector.broadcast %parallel_loop3A_255 : i32 to vector<16xi32>
        %parallel_loop3A_257 = arith.cmpi slt, %parallel_loop3A_238, %parallel_loop3A_256 : vector<16xi32>
        %parallel_loop3A_258 = arith.constant 16 : i32
        %parallel_loop3A_259 = vector.broadcast %parallel_loop3A_258 : i32 to vector<16xi32>
        %parallel_loop3A_260 = arith.addi %parallel_loop3A_238, %parallel_loop3A_259 : vector<16xi32>
        %parallel_loop3A_261 = arith.select %parallel_loop3A_257, %parallel_loop3A_260, %parallel_loop3A_238 : vector<16xi1>, vector<16xi32>
        %parallel_loop3A_262 = vector.shape_cast %parallel_loop3A_261 : vector<16xi32> to vector<16x1xi32>
        %parallel_loop3A_263 = vector.shape_cast %parallel_loop3A_262 : vector<16x1xi32> to vector<16xi32>
        %parallel_loop3A_264 = tpu.dynamic_gather %gather3A_12[%parallel_loop3A_263] in [0] : vector<16xf32>, vector<16xi32> -> vector<16xf32>
        %parallel_loop3A_265 = arith.constant 16 : i32
        %parallel_loop3A_266 = arith.muli %parallel_loop3A_203, %parallel_loop3A_265 : i32
        %parallel_loop3A_267 = arith.constant 1 : i32
        %parallel_loop3A_268 = arith.index_cast %parallel_loop3A_267 : i32 to index
        %parallel_loop3A_269 = arith.index_cast %parallel_loop3A_266 : i32 to index
        %parallel_loop3A_270 = tpu.vector_load %arg8[%parallel_loop3A_268, %parallel_loop3A_269] {strides = array<i32>} : memref<20x2304xf32, #tpu.memory_space<vmem>>, vector<16xf32>,
        tpu.vector_store %arg8[%parallel_loop3A_268, %parallel_loop3A_269], %parallel_loop3A_264 {strides = array<i32>} : memref<20x2304xf32, #tpu.memory_space<vmem>>, vector<16xf32>,
        %parallel_loop3A_271 = arith.constant 0 : i32
        %parallel_loop3A_272 = vector.broadcast %parallel_loop3A_271 : i32 to vector<16xi32>
        %parallel_loop3A_273 = arith.cmpi slt, %parallel_loop3A_238, %parallel_loop3A_272 : vector<16xi32>
        %parallel_loop3A_274 = arith.constant 16 : i32
        %parallel_loop3A_275 = vector.broadcast %parallel_loop3A_274 : i32 to vector<16xi32>
        %parallel_loop3A_276 = arith.addi %parallel_loop3A_238, %parallel_loop3A_275 : vector<16xi32>
        %parallel_loop3A_277 = arith.select %parallel_loop3A_273, %parallel_loop3A_276, %parallel_loop3A_238 : vector<16xi1>, vector<16xi32>
        %parallel_loop3A_278 = vector.shape_cast %parallel_loop3A_277 : vector<16xi32> to vector<16x1xi32>
        %parallel_loop3A_279 = vector.shape_cast %parallel_loop3A_278 : vector<16x1xi32> to vector<16xi32>
        %parallel_loop3A_280 = tpu.dynamic_gather %gather3A_16[%parallel_loop3A_279] in [0] : vector<16xf32>, vector<16xi32> -> vector<16xf32>
        %parallel_loop3A_281 = arith.constant 16 : i32
        %parallel_loop3A_282 = arith.muli %parallel_loop3A_203, %parallel_loop3A_281 : i32
        %parallel_loop3A_283 = arith.constant 2 : i32
        %parallel_loop3A_284 = arith.index_cast %parallel_loop3A_283 : i32 to index
        %parallel_loop3A_285 = arith.index_cast %parallel_loop3A_282 : i32 to index
        %parallel_loop3A_286 = tpu.vector_load %arg8[%parallel_loop3A_284, %parallel_loop3A_285] {strides = array<i32>} : memref<20x2304xf32, #tpu.memory_space<vmem>>, vector<16xf32>,
        tpu.vector_store %arg8[%parallel_loop3A_284, %parallel_loop3A_285], %parallel_loop3A_280 {strides = array<i32>} : memref<20x2304xf32, #tpu.memory_space<vmem>>, vector<16xf32>,
        %parallel_loop3A_287 = arith.constant 0 : i32
        %parallel_loop3A_288 = vector.broadcast %parallel_loop3A_287 : i32 to vector<16xi32>
        %parallel_loop3A_289 = arith.cmpi slt, %parallel_loop3A_238, %parallel_loop3A_288 : vector<16xi32>
        %parallel_loop3A_290 = arith.constant 16 : i32
        %parallel_loop3A_291 = vector.broadcast %parallel_loop3A_290 : i32 to vector<16xi32>
        %parallel_loop3A_292 = arith.addi %parallel_loop3A_238, %parallel_loop3A_291 : vector<16xi32>
        %parallel_loop3A_293 = arith.select %parallel_loop3A_289, %parallel_loop3A_292, %parallel_loop3A_238 : vector<16xi1>, vector<16xi32>
        %parallel_loop3A_294 = vector.shape_cast %parallel_loop3A_293 : vector<16xi32> to vector<16x1xi32>
        %parallel_loop3A_295 = vector.shape_cast %parallel_loop3A_294 : vector<16x1xi32> to vector<16xi32>
        %parallel_loop3A_296 = tpu.dynamic_gather %gather3A_20[%parallel_loop3A_295] in [0] : vector<16xf32>, vector<16xi32> -> vector<16xf32>
        %parallel_loop3A_297 = arith.constant 16 : i32
        %parallel_loop3A_298 = arith.muli %parallel_loop3A_203, %parallel_loop3A_297 : i32
        %parallel_loop3A_299 = arith.constant 3 : i32
        %parallel_loop3A_300 = arith.index_cast %parallel_loop3A_299 : i32 to index
        %parallel_loop3A_301 = arith.index_cast %parallel_loop3A_298 : i32 to index
        %parallel_loop3A_302 = tpu.vector_load %arg8[%parallel_loop3A_300, %parallel_loop3A_301] {strides = array<i32>} : memref<20x2304xf32, #tpu.memory_space<vmem>>, vector<16xf32>,
        tpu.vector_store %arg8[%parallel_loop3A_300, %parallel_loop3A_301], %parallel_loop3A_296 {strides = array<i32>} : memref<20x2304xf32, #tpu.memory_space<vmem>>, vector<16xf32>,
        %parallel_loop3A_303 = arith.constant 0 : i32
        %parallel_loop3A_304 = vector.broadcast %parallel_loop3A_303 : i32 to vector<16xi32>
        %parallel_loop3A_305 = arith.cmpi slt, %parallel_loop3A_238, %parallel_loop3A_304 : vector<16xi32>
        %parallel_loop3A_306 = arith.constant 16 : i32
        %parallel_loop3A_307 = vector.broadcast %parallel_loop3A_306 : i32 to vector<16xi32>
        %parallel_loop3A_308 = arith.addi %parallel_loop3A_238, %parallel_loop3A_307 : vector<16xi32>
        %parallel_loop3A_309 = arith.select %parallel_loop3A_305, %parallel_loop3A_308, %parallel_loop3A_238 : vector<16xi1>, vector<16xi32>
        %parallel_loop3A_310 = vector.shape_cast %parallel_loop3A_309 : vector<16xi32> to vector<16x1xi32>
        %parallel_loop3A_311 = vector.shape_cast %parallel_loop3A_310 : vector<16x1xi32> to vector<16xi32>
        %parallel_loop3A_312 = tpu.dynamic_gather %gather3A_24[%parallel_loop3A_311] in [0] : vector<16xf32>, vector<16xi32> -> vector<16xf32>
        %parallel_loop3A_313 = arith.constant 16 : i32
        %parallel_loop3A_314 = arith.muli %parallel_loop3A_203, %parallel_loop3A_313 : i32
        %parallel_loop3A_315 = arith.constant 4 : i32
        %parallel_loop3A_316 = arith.index_cast %parallel_loop3A_315 : i32 to index
        %parallel_loop3A_317 = arith.index_cast %parallel_loop3A_314 : i32 to index
        %parallel_loop3A_318 = tpu.vector_load %arg8[%parallel_loop3A_316, %parallel_loop3A_317] {strides = array<i32>} : memref<20x2304xf32, #tpu.memory_space<vmem>>, vector<16xf32>,
        tpu.vector_store %arg8[%parallel_loop3A_316, %parallel_loop3A_317], %parallel_loop3A_312 {strides = array<i32>} : memref<20x2304xf32, #tpu.memory_space<vmem>>, vector<16xf32>,
        %parallel_loop3A_319 = arith.constant 0 : i32
        %parallel_loop3A_320 = vector.broadcast %parallel_loop3A_319 : i32 to vector<16xi32>
        %parallel_loop3A_321 = arith.cmpi slt, %parallel_loop3A_238, %parallel_loop3A_320 : vector<16xi32>
        %parallel_loop3A_322 = arith.constant 16 : i32
        %parallel_loop3A_323 = vector.broadcast %parallel_loop3A_322 : i32 to vector<16xi32>
        %parallel_loop3A_324 = arith.addi %parallel_loop3A_238, %parallel_loop3A_323 : vector<16xi32>
        %parallel_loop3A_325 = arith.select %parallel_loop3A_321, %parallel_loop3A_324, %parallel_loop3A_238 : vector<16xi1>, vector<16xi32>
        %parallel_loop3A_326 = vector.shape_cast %parallel_loop3A_325 : vector<16xi32> to vector<16x1xi32>
        %parallel_loop3A_327 = vector.shape_cast %parallel_loop3A_326 : vector<16x1xi32> to vector<16xi32>
        %parallel_loop3A_328 = tpu.dynamic_gather %gather3A_28[%parallel_loop3A_327] in [0] : vector<16xf32>, vector<16xi32> -> vector<16xf32>
        %parallel_loop3A_329 = arith.constant 16 : i32
        %parallel_loop3A_330 = arith.muli %parallel_loop3A_203, %parallel_loop3A_329 : i32
        %parallel_loop3A_331 = arith.constant 5 : i32
        %parallel_loop3A_332 = arith.index_cast %parallel_loop3A_331 : i32 to index
        %parallel_loop3A_333 = arith.index_cast %parallel_loop3A_330 : i32 to index
        %parallel_loop3A_334 = tpu.vector_load %arg8[%parallel_loop3A_332, %parallel_loop3A_333] {strides = array<i32>} : memref<20x2304xf32, #tpu.memory_space<vmem>>, vector<16xf32>,
        tpu.vector_store %arg8[%parallel_loop3A_332, %parallel_loop3A_333], %parallel_loop3A_328 {strides = array<i32>} : memref<20x2304xf32, #tpu.memory_space<vmem>>, vector<16xf32>,
        %parallel_loop3A_335 = arith.constant 0 : i32
        %parallel_loop3A_336 = vector.broadcast %parallel_loop3A_335 : i32 to vector<16xi32>
        %parallel_loop3A_337 = arith.cmpi slt, %parallel_loop3A_238, %parallel_loop3A_336 : vector<16xi32>
        %parallel_loop3A_338 = arith.constant 16 : i32
        %parallel_loop3A_339 = vector.broadcast %parallel_loop3A_338 : i32 to vector<16xi32>
        %parallel_loop3A_340 = arith.addi %parallel_loop3A_238, %parallel_loop3A_339 : vector<16xi32>
        %parallel_loop3A_341 = arith.select %parallel_loop3A_337, %parallel_loop3A_340, %parallel_loop3A_238 : vector<16xi1>, vector<16xi32>
        %parallel_loop3A_342 = vector.shape_cast %parallel_loop3A_341 : vector<16xi32> to vector<16x1xi32>
        %parallel_loop3A_343 = vector.shape_cast %parallel_loop3A_342 : vector<16x1xi32> to vector<16xi32>
        %parallel_loop3A_344 = tpu.dynamic_gather %gather3A_32[%parallel_loop3A_343] in [0] : vector<16xf32>, vector<16xi32> -> vector<16xf32>
        %parallel_loop3A_345 = arith.constant 16 : i32
        %parallel_loop3A_346 = arith.muli %parallel_loop3A_203, %parallel_loop3A_345 : i32
        %parallel_loop3A_347 = arith.constant 6 : i32
        %parallel_loop3A_348 = arith.index_cast %parallel_loop3A_347 : i32 to index
        %parallel_loop3A_349 = arith.index_cast %parallel_loop3A_346 : i32 to index
        %parallel_loop3A_350 = tpu.vector_load %arg8[%parallel_loop3A_348, %parallel_loop3A_349] {strides = array<i32>} : memref<20x2304xf32, #tpu.memory_space<vmem>>, vector<16xf32>,
        tpu.vector_store %arg8[%parallel_loop3A_348, %parallel_loop3A_349], %parallel_loop3A_344 {strides = array<i32>} : memref<20x2304xf32, #tpu.memory_space<vmem>>, vector<16xf32>,
        %parallel_loop3A_351 = arith.constant 0 : i32
        %parallel_loop3A_352 = vector.broadcast %parallel_loop3A_351 : i32 to vector<16xi32>
        %parallel_loop3A_353 = arith.cmpi slt, %parallel_loop3A_238, %parallel_loop3A_352 : vector<16xi32>
        %parallel_loop3A_354 = arith.constant 16 : i32
        %parallel_loop3A_355 = vector.broadcast %parallel_loop3A_354 : i32 to vector<16xi32>
        %parallel_loop3A_356 = arith.addi %parallel_loop3A_238, %parallel_loop3A_355 : vector<16xi32>
        %parallel_loop3A_357 = arith.select %parallel_loop3A_353, %parallel_loop3A_356, %parallel_loop3A_238 : vector<16xi1>, vector<16xi32>
        %parallel_loop3A_358 = vector.shape_cast %parallel_loop3A_357 : vector<16xi32> to vector<16x1xi32>
        %parallel_loop3A_359 = vector.shape_cast %parallel_loop3A_358 : vector<16x1xi32> to vector<16xi32>
        %parallel_loop3A_360 = tpu.dynamic_gather %gather3A_36[%parallel_loop3A_359] in [0] : vector<16xf32>, vector<16xi32> -> vector<16xf32>
        %parallel_loop3A_361 = arith.constant 16 : i32
        %parallel_loop3A_362 = arith.muli %parallel_loop3A_203, %parallel_loop3A_361 : i32
        %parallel_loop3A_363 = arith.constant 7 : i32
        %parallel_loop3A_364 = arith.index_cast %parallel_loop3A_363 : i32 to index
        %parallel_loop3A_365 = arith.index_cast %parallel_loop3A_362 : i32 to index
        %parallel_loop3A_366 = tpu.vector_load %arg8[%parallel_loop3A_364, %parallel_loop3A_365] {strides = array<i32>} : memref<20x2304xf32, #tpu.memory_space<vmem>>, vector<16xf32>,
        tpu.vector_store %arg8[%parallel_loop3A_364, %parallel_loop3A_365], %parallel_loop3A_360 {strides = array<i32>} : memref<20x2304xf32, #tpu.memory_space<vmem>>, vector<16xf32>,
        %parallel_loop3A_367 = arith.constant 0 : i32
        %parallel_loop3A_368 = vector.broadcast %parallel_loop3A_367 : i32 to vector<16xi32>
        %parallel_loop3A_369 = arith.cmpi slt, %parallel_loop3A_238, %parallel_loop3A_368 : vector<16xi32>
        %parallel_loop3A_370 = arith.constant 16 : i32
        %parallel_loop3A_371 = vector.broadcast %parallel_loop3A_370 : i32 to vector<16xi32>
        %parallel_loop3A_372 = arith.addi %parallel_loop3A_238, %parallel_loop3A_371 : vector<16xi32>
        %parallel_loop3A_373 = arith.select %parallel_loop3A_369, %parallel_loop3A_372, %parallel_loop3A_238 : vector<16xi1>, vector<16xi32>
        %parallel_loop3A_374 = vector.shape_cast %parallel_loop3A_373 : vector<16xi32> to vector<16x1xi32>
        %parallel_loop3A_375 = vector.shape_cast %parallel_loop3A_374 : vector<16x1xi32> to vector<16xi32>
        %parallel_loop3A_376 = tpu.dynamic_gather %gather3A_40[%parallel_loop3A_375] in [0] : vector<16xf32>, vector<16xi32> -> vector<16xf32>
        %parallel_loop3A_377 = arith.constant 16 : i32
        %parallel_loop3A_378 = arith.muli %parallel_loop3A_203, %parallel_loop3A_377 : i32
        %parallel_loop3A_379 = arith.constant 8 : i32
        %parallel_loop3A_380 = arith.index_cast %parallel_loop3A_379 : i32 to index
        %parallel_loop3A_381 = arith.index_cast %parallel_loop3A_378 : i32 to index
        %parallel_loop3A_382 = tpu.vector_load %arg8[%parallel_loop3A_380, %parallel_loop3A_381] {strides = array<i32>} : memref<20x2304xf32, #tpu.memory_space<vmem>>, vector<16xf32>,
        tpu.vector_store %arg8[%parallel_loop3A_380, %parallel_loop3A_381], %parallel_loop3A_376 {strides = array<i32>} : memref<20x2304xf32, #tpu.memory_space<vmem>>, vector<16xf32>,
        %parallel_loop3A_383 = arith.constant 0 : i32
        %parallel_loop3A_384 = vector.broadcast %parallel_loop3A_383 : i32 to vector<16xi32>
        %parallel_loop3A_385 = arith.cmpi slt, %parallel_loop3A_238, %parallel_loop3A_384 : vector<16xi32>
        %parallel_loop3A_386 = arith.constant 16 : i32
        %parallel_loop3A_387 = vector.broadcast %parallel_loop3A_386 : i32 to vector<16xi32>
        %parallel_loop3A_388 = arith.addi %parallel_loop3A_238, %parallel_loop3A_387 : vector<16xi32>
        %parallel_loop3A_389 = arith.select %parallel_loop3A_385, %parallel_loop3A_388, %parallel_loop3A_238 : vector<16xi1>, vector<16xi32>
        %parallel_loop3A_390 = vector.shape_cast %parallel_loop3A_389 : vector<16xi32> to vector<16x1xi32>
        %parallel_loop3A_391 = vector.shape_cast %parallel_loop3A_390 : vector<16x1xi32> to vector<16xi32>
        %parallel_loop3A_392 = tpu.dynamic_gather %gather3A_44[%parallel_loop3A_391] in [0] : vector<16xf32>, vector<16xi32> -> vector<16xf32>
        %parallel_loop3A_393 = arith.constant 16 : i32
        %parallel_loop3A_394 = arith.muli %parallel_loop3A_203, %parallel_loop3A_393 : i32
        %parallel_loop3A_395 = arith.constant 9 : i32
        %parallel_loop3A_396 = arith.index_cast %parallel_loop3A_395 : i32 to index
        %parallel_loop3A_397 = arith.index_cast %parallel_loop3A_394 : i32 to index
        %parallel_loop3A_398 = tpu.vector_load %arg8[%parallel_loop3A_396, %parallel_loop3A_397] {strides = array<i32>} : memref<20x2304xf32, #tpu.memory_space<vmem>>, vector<16xf32>,
        tpu.vector_store %arg8[%parallel_loop3A_396, %parallel_loop3A_397], %parallel_loop3A_392 {strides = array<i32>} : memref<20x2304xf32, #tpu.memory_space<vmem>>, vector<16xf32>,
        %parallel_loop3A_399 = arith.constant 0 : i32
        %parallel_loop3A_400 = vector.broadcast %parallel_loop3A_399 : i32 to vector<16xi32>
        %parallel_loop3A_401 = arith.cmpi slt, %parallel_loop3A_238, %parallel_loop3A_400 : vector<16xi32>
        %parallel_loop3A_402 = arith.constant 16 : i32
        %parallel_loop3A_403 = vector.broadcast %parallel_loop3A_402 : i32 to vector<16xi32>
        %parallel_loop3A_404 = arith.addi %parallel_loop3A_238, %parallel_loop3A_403 : vector<16xi32>
        %parallel_loop3A_405 = arith.select %parallel_loop3A_401, %parallel_loop3A_404, %parallel_loop3A_238 : vector<16xi1>, vector<16xi32>
        %parallel_loop3A_406 = vector.shape_cast %parallel_loop3A_405 : vector<16xi32> to vector<16x1xi32>
        %parallel_loop3A_407 = vector.shape_cast %parallel_loop3A_406 : vector<16x1xi32> to vector<16xi32>
        %parallel_loop3A_408 = tpu.dynamic_gather %gather3A_48[%parallel_loop3A_407] in [0] : vector<16xf32>, vector<16xi32> -> vector<16xf32>
        %parallel_loop3A_409 = arith.constant 16 : i32
        %parallel_loop3A_410 = arith.muli %parallel_loop3A_203, %parallel_loop3A_409 : i32
        %parallel_loop3A_411 = arith.constant 10 : i32
        %parallel_loop3A_412 = arith.index_cast %parallel_loop3A_411 : i32 to index
        %parallel_loop3A_413 = arith.index_cast %parallel_loop3A_410 : i32 to index
        %parallel_loop3A_414 = tpu.vector_load %arg8[%parallel_loop3A_412, %parallel_loop3A_413] {strides = array<i32>} : memref<20x2304xf32, #tpu.memory_space<vmem>>, vector<16xf32>,
        tpu.vector_store %arg8[%parallel_loop3A_412, %parallel_loop3A_413], %parallel_loop3A_408 {strides = array<i32>} : memref<20x2304xf32, #tpu.memory_space<vmem>>, vector<16xf32>,
        %parallel_loop3A_415 = arith.constant 0 : i32
        %parallel_loop3A_416 = vector.broadcast %parallel_loop3A_415 : i32 to vector<16xi32>
        %parallel_loop3A_417 = arith.cmpi slt, %parallel_loop3A_238, %parallel_loop3A_416 : vector<16xi32>
        %parallel_loop3A_418 = arith.constant 16 : i32
        %parallel_loop3A_419 = vector.broadcast %parallel_loop3A_418 : i32 to vector<16xi32>
        %parallel_loop3A_420 = arith.addi %parallel_loop3A_238, %parallel_loop3A_419 : vector<16xi32>
        %parallel_loop3A_421 = arith.select %parallel_loop3A_417, %parallel_loop3A_420, %parallel_loop3A_238 : vector<16xi1>, vector<16xi32>
        %parallel_loop3A_422 = vector.shape_cast %parallel_loop3A_421 : vector<16xi32> to vector<16x1xi32>
        %parallel_loop3A_423 = vector.shape_cast %parallel_loop3A_422 : vector<16x1xi32> to vector<16xi32>
        %parallel_loop3A_424 = tpu.dynamic_gather %gather3A_52[%parallel_loop3A_423] in [0] : vector<16xf32>, vector<16xi32> -> vector<16xf32>
        %parallel_loop3A_425 = arith.constant 16 : i32
        %parallel_loop3A_426 = arith.muli %parallel_loop3A_203, %parallel_loop3A_425 : i32
        %parallel_loop3A_427 = arith.constant 11 : i32
        %parallel_loop3A_428 = arith.index_cast %parallel_loop3A_427 : i32 to index
        %parallel_loop3A_429 = arith.index_cast %parallel_loop3A_426 : i32 to index
        %parallel_loop3A_430 = tpu.vector_load %arg8[%parallel_loop3A_428, %parallel_loop3A_429] {strides = array<i32>} : memref<20x2304xf32, #tpu.memory_space<vmem>>, vector<16xf32>,
        tpu.vector_store %arg8[%parallel_loop3A_428, %parallel_loop3A_429], %parallel_loop3A_424 {strides = array<i32>} : memref<20x2304xf32, #tpu.memory_space<vmem>>, vector<16xf32>,
        %parallel_loop3A_431 = arith.constant 0 : i32
        %parallel_loop3A_432 = vector.broadcast %parallel_loop3A_431 : i32 to vector<16xi32>
        %parallel_loop3A_433 = arith.cmpi slt, %parallel_loop3A_238, %parallel_loop3A_432 : vector<16xi32>
        %parallel_loop3A_434 = arith.constant 16 : i32
        %parallel_loop3A_435 = vector.broadcast %parallel_loop3A_434 : i32 to vector<16xi32>
        %parallel_loop3A_436 = arith.addi %parallel_loop3A_238, %parallel_loop3A_435 : vector<16xi32>
        %parallel_loop3A_437 = arith.select %parallel_loop3A_433, %parallel_loop3A_436, %parallel_loop3A_238 : vector<16xi1>, vector<16xi32>
        %parallel_loop3A_438 = vector.shape_cast %parallel_loop3A_437 : vector<16xi32> to vector<16x1xi32>
        %parallel_loop3A_439 = vector.shape_cast %parallel_loop3A_438 : vector<16x1xi32> to vector<16xi32>
        %parallel_loop3A_440 = tpu.dynamic_gather %gather3A_56[%parallel_loop3A_439] in [0] : vector<16xf32>, vector<16xi32> -> vector<16xf32>
        %parallel_loop3A_441 = arith.constant 16 : i32
        %parallel_loop3A_442 = arith.muli %parallel_loop3A_203, %parallel_loop3A_441 : i32
        %parallel_loop3A_443 = arith.constant 12 : i32
        %parallel_loop3A_444 = arith.index_cast %parallel_loop3A_443 : i32 to index
        %parallel_loop3A_445 = arith.index_cast %parallel_loop3A_442 : i32 to index
        %parallel_loop3A_446 = tpu.vector_load %arg8[%parallel_loop3A_444, %parallel_loop3A_445] {strides = array<i32>} : memref<20x2304xf32, #tpu.memory_space<vmem>>, vector<16xf32>,
        tpu.vector_store %arg8[%parallel_loop3A_444, %parallel_loop3A_445], %parallel_loop3A_440 {strides = array<i32>} : memref<20x2304xf32, #tpu.memory_space<vmem>>, vector<16xf32>,
        %parallel_loop3A_447 = arith.constant 0 : i32
        %parallel_loop3A_448 = vector.broadcast %parallel_loop3A_447 : i32 to vector<16xi32>
        %parallel_loop3A_449 = arith.cmpi slt, %parallel_loop3A_238, %parallel_loop3A_448 : vector<16xi32>
        %parallel_loop3A_450 = arith.constant 16 : i32
        %parallel_loop3A_451 = vector.broadcast %parallel_loop3A_450 : i32 to vector<16xi32>
        %parallel_loop3A_452 = arith.addi %parallel_loop3A_238, %parallel_loop3A_451 : vector<16xi32>
        %parallel_loop3A_453 = arith.select %parallel_loop3A_449, %parallel_loop3A_452, %parallel_loop3A_238 : vector<16xi1>, vector<16xi32>
        %parallel_loop3A_454 = vector.shape_cast %parallel_loop3A_453 : vector<16xi32> to vector<16x1xi32>
        %parallel_loop3A_455 = vector.shape_cast %parallel_loop3A_454 : vector<16x1xi32> to vector<16xi32>
        %parallel_loop3A_456 = tpu.dynamic_gather %gather3A_60[%parallel_loop3A_455] in [0] : vector<16xf32>, vector<16xi32> -> vector<16xf32>
        %parallel_loop3A_457 = arith.constant 16 : i32
        %parallel_loop3A_458 = arith.muli %parallel_loop3A_203, %parallel_loop3A_457 : i32
        %parallel_loop3A_459 = arith.constant 13 : i32
        %parallel_loop3A_460 = arith.index_cast %parallel_loop3A_459 : i32 to index
        %parallel_loop3A_461 = arith.index_cast %parallel_loop3A_458 : i32 to index
        %parallel_loop3A_462 = tpu.vector_load %arg8[%parallel_loop3A_460, %parallel_loop3A_461] {strides = array<i32>} : memref<20x2304xf32, #tpu.memory_space<vmem>>, vector<16xf32>,
        tpu.vector_store %arg8[%parallel_loop3A_460, %parallel_loop3A_461], %parallel_loop3A_456 {strides = array<i32>} : memref<20x2304xf32, #tpu.memory_space<vmem>>, vector<16xf32>,
        %parallel_loop3A_463 = arith.constant 0 : i32
        %parallel_loop3A_464 = vector.broadcast %parallel_loop3A_463 : i32 to vector<16xi32>
        %parallel_loop3A_465 = arith.cmpi slt, %parallel_loop3A_238, %parallel_loop3A_464 : vector<16xi32>
        %parallel_loop3A_466 = arith.constant 16 : i32
        %parallel_loop3A_467 = vector.broadcast %parallel_loop3A_466 : i32 to vector<16xi32>
        %parallel_loop3A_468 = arith.addi %parallel_loop3A_238, %parallel_loop3A_467 : vector<16xi32>
        %parallel_loop3A_469 = arith.select %parallel_loop3A_465, %parallel_loop3A_468, %parallel_loop3A_238 : vector<16xi1>, vector<16xi32>
        %parallel_loop3A_470 = vector.shape_cast %parallel_loop3A_469 : vector<16xi32> to vector<16x1xi32>
        %parallel_loop3A_471 = vector.shape_cast %parallel_loop3A_470 : vector<16x1xi32> to vector<16xi32>
        %parallel_loop3A_472 = tpu.dynamic_gather %gather3A_64[%parallel_loop3A_471] in [0] : vector<16xf32>, vector<16xi32> -> vector<16xf32>
        %parallel_loop3A_473 = arith.constant 16 : i32
        %parallel_loop3A_474 = arith.muli %parallel_loop3A_203, %parallel_loop3A_473 : i32
        %parallel_loop3A_475 = arith.constant 14 : i32
        %parallel_loop3A_476 = arith.index_cast %parallel_loop3A_475 : i32 to index
        %parallel_loop3A_477 = arith.index_cast %parallel_loop3A_474 : i32 to index
        %parallel_loop3A_478 = tpu.vector_load %arg8[%parallel_loop3A_476, %parallel_loop3A_477] {strides = array<i32>} : memref<20x2304xf32, #tpu.memory_space<vmem>>, vector<16xf32>,
        tpu.vector_store %arg8[%parallel_loop3A_476, %parallel_loop3A_477], %parallel_loop3A_472 {strides = array<i32>} : memref<20x2304xf32, #tpu.memory_space<vmem>>, vector<16xf32>,
        %parallel_loop3A_479 = arith.constant 0 : i32
        %parallel_loop3A_480 = vector.broadcast %parallel_loop3A_479 : i32 to vector<16xi32>
        %parallel_loop3A_481 = arith.cmpi slt, %parallel_loop3A_238, %parallel_loop3A_480 : vector<16xi32>
        %parallel_loop3A_482 = arith.constant 16 : i32
        %parallel_loop3A_483 = vector.broadcast %parallel_loop3A_482 : i32 to vector<16xi32>
        %parallel_loop3A_484 = arith.addi %parallel_loop3A_238, %parallel_loop3A_483 : vector<16xi32>
        %parallel_loop3A_485 = arith.select %parallel_loop3A_481, %parallel_loop3A_484, %parallel_loop3A_238 : vector<16xi1>, vector<16xi32>
        %parallel_loop3A_486 = vector.shape_cast %parallel_loop3A_485 : vector<16xi32> to vector<16x1xi32>
        %parallel_loop3A_487 = vector.shape_cast %parallel_loop3A_486 : vector<16x1xi32> to vector<16xi32>
        %parallel_loop3A_488 = tpu.dynamic_gather %gather3A_68[%parallel_loop3A_487] in [0] : vector<16xf32>, vector<16xi32> -> vector<16xf32>
        %parallel_loop3A_489 = arith.constant 16 : i32
        %parallel_loop3A_490 = arith.muli %parallel_loop3A_203, %parallel_loop3A_489 : i32
        %parallel_loop3A_491 = arith.constant 15 : i32
        %parallel_loop3A_492 = arith.index_cast %parallel_loop3A_491 : i32 to index
        %parallel_loop3A_493 = arith.index_cast %parallel_loop3A_490 : i32 to index
        %parallel_loop3A_494 = tpu.vector_load %arg8[%parallel_loop3A_492, %parallel_loop3A_493] {strides = array<i32>} : memref<20x2304xf32, #tpu.memory_space<vmem>>, vector<16xf32>,
        tpu.vector_store %arg8[%parallel_loop3A_492, %parallel_loop3A_493], %parallel_loop3A_488 {strides = array<i32>} : memref<20x2304xf32, #tpu.memory_space<vmem>>, vector<16xf32>,
        %parallel_loop3A_495 = arith.constant 0 : i32
        %parallel_loop3A_496 = vector.broadcast %parallel_loop3A_495 : i32 to vector<16xi32>
        %parallel_loop3A_497 = arith.cmpi slt, %parallel_loop3A_238, %parallel_loop3A_496 : vector<16xi32>
        %parallel_loop3A_498 = arith.constant 16 : i32
        %parallel_loop3A_499 = vector.broadcast %parallel_loop3A_498 : i32 to vector<16xi32>
        %parallel_loop3A_500 = arith.addi %parallel_loop3A_238, %parallel_loop3A_499 : vector<16xi32>
        %parallel_loop3A_501 = arith.select %parallel_loop3A_497, %parallel_loop3A_500, %parallel_loop3A_238 : vector<16xi1>, vector<16xi32>
        %parallel_loop3A_502 = vector.shape_cast %parallel_loop3A_501 : vector<16xi32> to vector<16x1xi32>
        %parallel_loop3A_503 = vector.shape_cast %parallel_loop3A_502 : vector<16x1xi32> to vector<16xi32>
        %parallel_loop3A_504 = tpu.dynamic_gather %gather3A_72[%parallel_loop3A_503] in [0] : vector<16xf32>, vector<16xi32> -> vector<16xf32>
        %parallel_loop3A_505 = arith.constant 16 : i32
        %parallel_loop3A_506 = arith.muli %parallel_loop3A_203, %parallel_loop3A_505 : i32
        %parallel_loop3A_507 = arith.constant 16 : i32
        %parallel_loop3A_508 = arith.index_cast %parallel_loop3A_507 : i32 to index
        %parallel_loop3A_509 = arith.index_cast %parallel_loop3A_506 : i32 to index
        %parallel_loop3A_510 = tpu.vector_load %arg8[%parallel_loop3A_508, %parallel_loop3A_509] {strides = array<i32>} : memref<20x2304xf32, #tpu.memory_space<vmem>>, vector<16xf32>,
        tpu.vector_store %arg8[%parallel_loop3A_508, %parallel_loop3A_509], %parallel_loop3A_504 {strides = array<i32>} : memref<20x2304xf32, #tpu.memory_space<vmem>>, vector<16xf32>,
        %parallel_loop3A_511 = arith.constant 0 : i32
        %parallel_loop3A_512 = vector.broadcast %parallel_loop3A_511 : i32 to vector<16xi32>
        %parallel_loop3A_513 = arith.cmpi slt, %parallel_loop3A_238, %parallel_loop3A_512 : vector<16xi32>
        %parallel_loop3A_514 = arith.constant 16 : i32
        %parallel_loop3A_515 = vector.broadcast %parallel_loop3A_514 : i32 to vector<16xi32>
        %parallel_loop3A_516 = arith.addi %parallel_loop3A_238, %parallel_loop3A_515 : vector<16xi32>
        %parallel_loop3A_517 = arith.select %parallel_loop3A_513, %parallel_loop3A_516, %parallel_loop3A_238 : vector<16xi1>, vector<16xi32>
        %parallel_loop3A_518 = vector.shape_cast %parallel_loop3A_517 : vector<16xi32> to vector<16x1xi32>
        %parallel_loop3A_519 = vector.shape_cast %parallel_loop3A_518 : vector<16x1xi32> to vector<16xi32>
        %parallel_loop3A_520 = tpu.dynamic_gather %gather3A_76[%parallel_loop3A_519] in [0] : vector<16xf32>, vector<16xi32> -> vector<16xf32>
        %parallel_loop3A_521 = arith.constant 16 : i32
        %parallel_loop3A_522 = arith.muli %parallel_loop3A_203, %parallel_loop3A_521 : i32
        %parallel_loop3A_523 = arith.constant 17 : i32
        %parallel_loop3A_524 = arith.index_cast %parallel_loop3A_523 : i32 to index
        %parallel_loop3A_525 = arith.index_cast %parallel_loop3A_522 : i32 to index
        %parallel_loop3A_526 = tpu.vector_load %arg8[%parallel_loop3A_524, %parallel_loop3A_525] {strides = array<i32>} : memref<20x2304xf32, #tpu.memory_space<vmem>>, vector<16xf32>,
        tpu.vector_store %arg8[%parallel_loop3A_524, %parallel_loop3A_525], %parallel_loop3A_520 {strides = array<i32>} : memref<20x2304xf32, #tpu.memory_space<vmem>>, vector<16xf32>,
        %parallel_loop3A_527 = arith.constant 0 : i32
        %parallel_loop3A_528 = vector.broadcast %parallel_loop3A_527 : i32 to vector<16xi32>
        %parallel_loop3A_529 = arith.cmpi slt, %parallel_loop3A_238, %parallel_loop3A_528 : vector<16xi32>
        %parallel_loop3A_530 = arith.constant 16 : i32
        %parallel_loop3A_531 = vector.broadcast %parallel_loop3A_530 : i32 to vector<16xi32>
        %parallel_loop3A_532 = arith.addi %parallel_loop3A_238, %parallel_loop3A_531 : vector<16xi32>
        %parallel_loop3A_533 = arith.select %parallel_loop3A_529, %parallel_loop3A_532, %parallel_loop3A_238 : vector<16xi1>, vector<16xi32>
        %parallel_loop3A_534 = vector.shape_cast %parallel_loop3A_533 : vector<16xi32> to vector<16x1xi32>
        %parallel_loop3A_535 = vector.shape_cast %parallel_loop3A_534 : vector<16x1xi32> to vector<16xi32>
        %parallel_loop3A_536 = tpu.dynamic_gather %gather3A_80[%parallel_loop3A_535] in [0] : vector<16xf32>, vector<16xi32> -> vector<16xf32>
        %parallel_loop3A_537 = arith.constant 16 : i32
        %parallel_loop3A_538 = arith.muli %parallel_loop3A_203, %parallel_loop3A_537 : i32
        %parallel_loop3A_539 = arith.constant 18 : i32
        %parallel_loop3A_540 = arith.index_cast %parallel_loop3A_539 : i32 to index
        %parallel_loop3A_541 = arith.index_cast %parallel_loop3A_538 : i32 to index
        %parallel_loop3A_542 = tpu.vector_load %arg8[%parallel_loop3A_540, %parallel_loop3A_541] {strides = array<i32>} : memref<20x2304xf32, #tpu.memory_space<vmem>>, vector<16xf32>,
        tpu.vector_store %arg8[%parallel_loop3A_540, %parallel_loop3A_541], %parallel_loop3A_536 {strides = array<i32>} : memref<20x2304xf32, #tpu.memory_space<vmem>>, vector<16xf32>,
        %parallel_loop3A_543 = arith.constant 0 : i32
        %parallel_loop3A_544 = vector.broadcast %parallel_loop3A_543 : i32 to vector<16xi32>
        %parallel_loop3A_545 = arith.cmpi slt, %parallel_loop3A_238, %parallel_loop3A_544 : vector<16xi32>
        %parallel_loop3A_546 = arith.constant 16 : i32
        %parallel_loop3A_547 = vector.broadcast %parallel_loop3A_546 : i32 to vector<16xi32>
        %parallel_loop3A_548 = arith.addi %parallel_loop3A_238, %parallel_loop3A_547 : vector<16xi32>
        %parallel_loop3A_549 = arith.select %parallel_loop3A_545, %parallel_loop3A_548, %parallel_loop3A_238 : vector<16xi1>, vector<16xi32>
        %parallel_loop3A_550 = vector.shape_cast %parallel_loop3A_549 : vector<16xi32> to vector<16x1xi32>
        %parallel_loop3A_551 = vector.shape_cast %parallel_loop3A_550 : vector<16x1xi32> to vector<16xi32>
        %parallel_loop3A_552 = tpu.dynamic_gather %gather3A_84[%parallel_loop3A_551] in [0] : vector<16xf32>, vector<16xi32> -> vector<16xf32>
        %parallel_loop3A_553 = arith.constant 16 : i32
        %parallel_loop3A_554 = arith.muli %parallel_loop3A_203, %parallel_loop3A_553 : i32
        %parallel_loop3A_555 = arith.constant 19 : i32
        %parallel_loop3A_556 = arith.index_cast %parallel_loop3A_555 : i32 to index
        %parallel_loop3A_557 = arith.index_cast %parallel_loop3A_554 : i32 to index
        %parallel_loop3A_558 = tpu.vector_load %arg8[%parallel_loop3A_556, %parallel_loop3A_557] {strides = array<i32>} : memref<20x2304xf32, #tpu.memory_space<vmem>>, vector<16xf32>,
        tpu.vector_store %arg8[%parallel_loop3A_556, %parallel_loop3A_557], %parallel_loop3A_552 {strides = array<i32>} : memref<20x2304xf32, #tpu.memory_space<vmem>>, vector<16xf32>,
      } {sc.loop_unroll_factor = 6 : i64, sc.parallel_access}
      %mul3A_150 = arith.constant 32 : i32
      %mul3A_151 = arith.muli %mul3A_130, %mul3A_150 : i32
      %add3A_152 = arith.addi %add3A, %mul3A_151 : i32
      %min3A_153 = arith.constant 433 : i32
      %min3A_154 = arith.minsi %add3A_152, %min3A_153 : i32
      %mul3A_155 = arith.constant 2304 : i32
      %mul3A_156 = arith.muli %min3A_154, %mul3A_155 : i32
      %dma_start3A_157 = arith.constant 0 : i32
      %dma_start3A_158 = tpu.memref_slice %arg4[%dma_start3A_157, %mul3A_156] : memref<20x1000000xf32, #tpu.memory_space<hbm>> -> memref<20x2304xf32, #tpu.memory_space<hbm>>
      %dma_start3A_159 = arith.constant 0 : i32
      %dma_start3A_160 = tpu.memref_slice %arg4[%dma_start3A_159, %mul3A_156] : memref<20x1000000xf32, #tpu.memory_space<hbm>> -> memref<20x2304xf32, #tpu.memory_space<hbm>>
      tpu.enqueue_dma source(%arg8 : memref<20x2304xf32, #tpu.memory_space<vmem>>) target(%dma_start3A_160 : memref<20x2304xf32, #tpu.memory_space<hbm>>) target_semaphore(%arg13 : memref<!tpu.dma_semaphore, #tpu.memory_space<semaphore_mem>>)
      %add3A_161 = arith.constant 2 : i32
      %add3A_162 = arith.addi %mul3A_130, %add3A_161 : i32
      %lt3A = arith.constant 14 : i32
      %lt3A_163 = arith.cmpi slt, %add3A_162, %lt3A : i32
      %convert_element_type3A_164 = arith.extui %lt3A_163 : i1 to i32
      %cond3A_165 = arith.constant 0 : i32
      %cond3A_166 = arith.cmpi ne, %convert_element_type3A_164, %cond3A_165 : i32
      scf.if %cond3A_166 {
        %add3A_203 = arith.constant 2 : i32
        %add3A_204 = arith.addi %mul3A_130, %add3A_203 : i32
        %mul3A_205 = arith.constant 32 : i32
        %mul3A_206 = arith.muli %add3A_204, %mul3A_205 : i32
        %add3A_207 = arith.addi %add3A, %mul3A_206 : i32
        %min3A_208 = arith.constant 433 : i32
        %min3A_209 = arith.minsi %add3A_207, %min3A_208 : i32
        %mul3A_210 = arith.constant 2304 : i32
        %mul3A_211 = arith.muli %min3A_209, %mul3A_210 : i32
        %dma_start3A_212 = tpu.memref_slice %arg2[%mul3A_211] : memref<1000000xi32, #tpu.memory_space<hbm>> -> memref<2304xi32, #tpu.memory_space<hbm>>
        %dma_start3A_213 = tpu.memref_slice %arg2[%mul3A_211] : memref<1000000xi32, #tpu.memory_space<hbm>> -> memref<2304xi32, #tpu.memory_space<hbm>>
        tpu.enqueue_dma source(%dma_start3A_213 : memref<2304xi32, #tpu.memory_space<hbm>>) target(%arg5 : memref<2304xi32, #tpu.memory_space<vmem>>) target_semaphore(%arg11 : memref<!tpu.dma_semaphore, #tpu.memory_space<semaphore_mem>>)
      } else {
      }
      %mul3A_167 = arith.constant 32 : i32
      %mul3A_168 = arith.muli %add3A_134, %mul3A_167 : i32
      %add3A_169 = arith.addi %add3A, %mul3A_168 : i32
      %min3A_170 = arith.constant 433 : i32
      %min3A_171 = arith.minsi %add3A_169, %min3A_170 : i32
      %mul3A_172 = arith.constant 2304 : i32
      %mul3A_173 = arith.muli %min3A_171, %mul3A_172 : i32
      %dma_wait3A_174 = tpu.memref_slice %arg2[%mul3A_173] : memref<1000000xi32, #tpu.memory_space<hbm>> -> memref<2304xi32, #tpu.memory_space<hbm>>
      %dma_wait3A_175 = tpu.memref_slice %arg2[%mul3A_173] : memref<1000000xi32, #tpu.memory_space<hbm>> -> memref<2304xi32, #tpu.memory_space<hbm>>
      tpu.wait_dma2 semaphore(%arg12 : memref<!tpu.dma_semaphore, #tpu.memory_space<semaphore_mem>>) src(%dma_wait3A_175 : memref<2304xi32, #tpu.memory_space<hbm>>) dst(%arg6 : memref<2304xi32, #tpu.memory_space<vmem>>)
      %gt3A_176 = arith.constant 0 : i32
      %gt3A_177 = arith.cmpi sgt, %scan3A_127, %gt3A_176 : i32
      %convert_element_type3A_178 = arith.extui %gt3A_177 : i1 to i32
      %cond3A_179 = arith.constant 0 : i32
      %cond3A_180 = arith.cmpi ne, %convert_element_type3A_178, %cond3A_179 : i32
      scf.if %cond3A_180 {
        %mul3A_203 = arith.constant 32 : i32
        %mul3A_204 = arith.muli %add3A_134, %mul3A_203 : i32
        %add3A_205 = arith.addi %add3A, %mul3A_204 : i32
        %min3A_206 = arith.constant 433 : i32
        %min3A_207 = arith.minsi %add3A_205, %min3A_206 : i32
        %mul3A_208 = arith.constant 2304 : i32
        %mul3A_209 = arith.muli %min3A_207, %mul3A_208 : i32
        %dma_wait3A_210 = arith.constant 0 : i32
        %dma_wait3A_211 = tpu.memref_slice %arg4[%dma_wait3A_210, %mul3A_209] : memref<20x1000000xf32, #tpu.memory_space<hbm>> -> memref<20x2304xf32, #tpu.memory_space<hbm>>
        %dma_wait3A_212 = arith.constant 0 : i32
        %dma_wait3A_213 = tpu.memref_slice %arg4[%dma_wait3A_212, %mul3A_209] : memref<20x1000000xf32, #tpu.memory_space<hbm>> -> memref<20x2304xf32, #tpu.memory_space<hbm>>
        tpu.wait_dma2 semaphore(%arg14 : memref<!tpu.dma_semaphore, #tpu.memory_space<semaphore_mem>>) src(%arg9 : memref<20x2304xf32, #tpu.memory_space<vmem>>) dst(%dma_wait3A_213 : memref<20x2304xf32, #tpu.memory_space<hbm>>)
      } else {
      }
      %parallel_loop3A_181 = arith.constant 0 : i32
      %parallel_loop3A_182 = arith.constant 144 : i32
      %parallel_loop3A_183 = arith.constant 1 : i32
      scf.for %parallel_loop3A_203 = %parallel_loop3A_181 to %parallel_loop3A_182 step %parallel_loop3A_183  : i32 {
        %parallel_loop3A_204 = arith.constant 16 : i32
        %parallel_loop3A_205 = arith.muli %parallel_loop3A_203, %parallel_loop3A_204 : i32
        %parallel_loop3A_206 = arith.index_cast %parallel_loop3A_205 : i32 to index
        %parallel_loop3A_207 = tpu.vector_load %arg6[%parallel_loop3A_206] {strides = array<i32>} : memref<2304xi32, #tpu.memory_space<vmem>>, vector<16xi32>,
        %parallel_loop3A_208 = arith.constant 5 : i32
        %parallel_loop3A_209 = vector.broadcast %parallel_loop3A_208 : i32 to vector<16xi32>
        %parallel_loop3A_210 = arith.minsi %parallel_loop3A_207, %parallel_loop3A_209 : vector<16xi32>
        %parallel_loop3A_211 = arith.constant 3 : i32
        %parallel_loop3A_212 = vector.broadcast %parallel_loop3A_211 : i32 to vector<16xi32>
        %parallel_loop3A_213 = arith.shrsi %parallel_loop3A_207, %parallel_loop3A_212 : vector<16xi32>
        %parallel_loop3A_214 = arith.constant 1 : i32
        %parallel_loop3A_215 = vector.broadcast %parallel_loop3A_214 : i32 to vector<16xi32>
        %parallel_loop3A_216 = arith.minsi %parallel_loop3A_213, %parallel_loop3A_215 : vector<16xi32>
        %parallel_loop3A_217 = arith.addi %parallel_loop3A_210, %parallel_loop3A_216 : vector<16xi32>
        %parallel_loop3A_218 = arith.constant 4 : i32
        %parallel_loop3A_219 = vector.broadcast %parallel_loop3A_218 : i32 to vector<16xi32>
        %parallel_loop3A_220 = arith.shrsi %parallel_loop3A_207, %parallel_loop3A_219 : vector<16xi32>
        %parallel_loop3A_221 = arith.constant 1 : i32
        %parallel_loop3A_222 = vector.broadcast %parallel_loop3A_221 : i32 to vector<16xi32>
        %parallel_loop3A_223 = arith.minsi %parallel_loop3A_220, %parallel_loop3A_222 : vector<16xi32>
        %parallel_loop3A_224 = arith.addi %parallel_loop3A_217, %parallel_loop3A_223 : vector<16xi32>
        %parallel_loop3A_225 = arith.constant 5 : i32
        %parallel_loop3A_226 = vector.broadcast %parallel_loop3A_225 : i32 to vector<16xi32>
        %parallel_loop3A_227 = arith.shrsi %parallel_loop3A_207, %parallel_loop3A_226 : vector<16xi32>
        %parallel_loop3A_228 = arith.constant 1 : i32
        %parallel_loop3A_229 = vector.broadcast %parallel_loop3A_228 : i32 to vector<16xi32>
        %parallel_loop3A_230 = arith.minsi %parallel_loop3A_227, %parallel_loop3A_229 : vector<16xi32>
        %parallel_loop3A_231 = arith.addi %parallel_loop3A_224, %parallel_loop3A_230 : vector<16xi32>
        %parallel_loop3A_232 = arith.constant 6 : i32
        %parallel_loop3A_233 = vector.broadcast %parallel_loop3A_232 : i32 to vector<16xi32>
        %parallel_loop3A_234 = arith.shrsi %parallel_loop3A_207, %parallel_loop3A_233 : vector<16xi32>
        %parallel_loop3A_235 = arith.constant 1 : i32
        %parallel_loop3A_236 = vector.broadcast %parallel_loop3A_235 : i32 to vector<16xi32>
        %parallel_loop3A_237 = arith.minsi %parallel_loop3A_234, %parallel_loop3A_236 : vector<16xi32>
        %parallel_loop3A_238 = arith.addi %parallel_loop3A_231, %parallel_loop3A_237 : vector<16xi32>
        %parallel_loop3A_239 = arith.constant 0 : i32
        %parallel_loop3A_240 = vector.broadcast %parallel_loop3A_239 : i32 to vector<16xi32>
        %parallel_loop3A_241 = arith.cmpi slt, %parallel_loop3A_238, %parallel_loop3A_240 : vector<16xi32>
        %parallel_loop3A_242 = arith.constant 16 : i32
        %parallel_loop3A_243 = vector.broadcast %parallel_loop3A_242 : i32 to vector<16xi32>
        %parallel_loop3A_244 = arith.addi %parallel_loop3A_238, %parallel_loop3A_243 : vector<16xi32>
        %parallel_loop3A_245 = arith.select %parallel_loop3A_241, %parallel_loop3A_244, %parallel_loop3A_238 : vector<16xi1>, vector<16xi32>
        %parallel_loop3A_246 = vector.shape_cast %parallel_loop3A_245 : vector<16xi32> to vector<16x1xi32>
        %parallel_loop3A_247 = vector.shape_cast %parallel_loop3A_246 : vector<16x1xi32> to vector<16xi32>
        %parallel_loop3A_248 = tpu.dynamic_gather %gather3A[%parallel_loop3A_247] in [0] : vector<16xf32>, vector<16xi32> -> vector<16xf32>
        %parallel_loop3A_249 = arith.constant 16 : i32
        %parallel_loop3A_250 = arith.muli %parallel_loop3A_203, %parallel_loop3A_249 : i32
        %parallel_loop3A_251 = arith.constant 0 : i32
        %parallel_loop3A_252 = arith.index_cast %parallel_loop3A_251 : i32 to index
        %parallel_loop3A_253 = arith.index_cast %parallel_loop3A_250 : i32 to index
        %parallel_loop3A_254 = tpu.vector_load %arg9[%parallel_loop3A_252, %parallel_loop3A_253] {strides = array<i32>} : memref<20x2304xf32, #tpu.memory_space<vmem>>, vector<16xf32>,
        tpu.vector_store %arg9[%parallel_loop3A_252, %parallel_loop3A_253], %parallel_loop3A_248 {strides = array<i32>} : memref<20x2304xf32, #tpu.memory_space<vmem>>, vector<16xf32>,
        %parallel_loop3A_255 = arith.constant 0 : i32
        %parallel_loop3A_256 = vector.broadcast %parallel_loop3A_255 : i32 to vector<16xi32>
        %parallel_loop3A_257 = arith.cmpi slt, %parallel_loop3A_238, %parallel_loop3A_256 : vector<16xi32>
        %parallel_loop3A_258 = arith.constant 16 : i32
        %parallel_loop3A_259 = vector.broadcast %parallel_loop3A_258 : i32 to vector<16xi32>
        %parallel_loop3A_260 = arith.addi %parallel_loop3A_238, %parallel_loop3A_259 : vector<16xi32>
        %parallel_loop3A_261 = arith.select %parallel_loop3A_257, %parallel_loop3A_260, %parallel_loop3A_238 : vector<16xi1>, vector<16xi32>
        %parallel_loop3A_262 = vector.shape_cast %parallel_loop3A_261 : vector<16xi32> to vector<16x1xi32>
        %parallel_loop3A_263 = vector.shape_cast %parallel_loop3A_262 : vector<16x1xi32> to vector<16xi32>
        %parallel_loop3A_264 = tpu.dynamic_gather %gather3A_12[%parallel_loop3A_263] in [0] : vector<16xf32>, vector<16xi32> -> vector<16xf32>
        %parallel_loop3A_265 = arith.constant 16 : i32
        %parallel_loop3A_266 = arith.muli %parallel_loop3A_203, %parallel_loop3A_265 : i32
        %parallel_loop3A_267 = arith.constant 1 : i32
        %parallel_loop3A_268 = arith.index_cast %parallel_loop3A_267 : i32 to index
        %parallel_loop3A_269 = arith.index_cast %parallel_loop3A_266 : i32 to index
        %parallel_loop3A_270 = tpu.vector_load %arg9[%parallel_loop3A_268, %parallel_loop3A_269] {strides = array<i32>} : memref<20x2304xf32, #tpu.memory_space<vmem>>, vector<16xf32>,
        tpu.vector_store %arg9[%parallel_loop3A_268, %parallel_loop3A_269], %parallel_loop3A_264 {strides = array<i32>} : memref<20x2304xf32, #tpu.memory_space<vmem>>, vector<16xf32>,
        %parallel_loop3A_271 = arith.constant 0 : i32
        %parallel_loop3A_272 = vector.broadcast %parallel_loop3A_271 : i32 to vector<16xi32>
        %parallel_loop3A_273 = arith.cmpi slt, %parallel_loop3A_238, %parallel_loop3A_272 : vector<16xi32>
        %parallel_loop3A_274 = arith.constant 16 : i32
        %parallel_loop3A_275 = vector.broadcast %parallel_loop3A_274 : i32 to vector<16xi32>
        %parallel_loop3A_276 = arith.addi %parallel_loop3A_238, %parallel_loop3A_275 : vector<16xi32>
        %parallel_loop3A_277 = arith.select %parallel_loop3A_273, %parallel_loop3A_276, %parallel_loop3A_238 : vector<16xi1>, vector<16xi32>
        %parallel_loop3A_278 = vector.shape_cast %parallel_loop3A_277 : vector<16xi32> to vector<16x1xi32>
        %parallel_loop3A_279 = vector.shape_cast %parallel_loop3A_278 : vector<16x1xi32> to vector<16xi32>
        %parallel_loop3A_280 = tpu.dynamic_gather %gather3A_16[%parallel_loop3A_279] in [0] : vector<16xf32>, vector<16xi32> -> vector<16xf32>
        %parallel_loop3A_281 = arith.constant 16 : i32
        %parallel_loop3A_282 = arith.muli %parallel_loop3A_203, %parallel_loop3A_281 : i32
        %parallel_loop3A_283 = arith.constant 2 : i32
        %parallel_loop3A_284 = arith.index_cast %parallel_loop3A_283 : i32 to index
        %parallel_loop3A_285 = arith.index_cast %parallel_loop3A_282 : i32 to index
        %parallel_loop3A_286 = tpu.vector_load %arg9[%parallel_loop3A_284, %parallel_loop3A_285] {strides = array<i32>} : memref<20x2304xf32, #tpu.memory_space<vmem>>, vector<16xf32>,
        tpu.vector_store %arg9[%parallel_loop3A_284, %parallel_loop3A_285], %parallel_loop3A_280 {strides = array<i32>} : memref<20x2304xf32, #tpu.memory_space<vmem>>, vector<16xf32>,
        %parallel_loop3A_287 = arith.constant 0 : i32
        %parallel_loop3A_288 = vector.broadcast %parallel_loop3A_287 : i32 to vector<16xi32>
        %parallel_loop3A_289 = arith.cmpi slt, %parallel_loop3A_238, %parallel_loop3A_288 : vector<16xi32>
        %parallel_loop3A_290 = arith.constant 16 : i32
        %parallel_loop3A_291 = vector.broadcast %parallel_loop3A_290 : i32 to vector<16xi32>
        %parallel_loop3A_292 = arith.addi %parallel_loop3A_238, %parallel_loop3A_291 : vector<16xi32>
        %parallel_loop3A_293 = arith.select %parallel_loop3A_289, %parallel_loop3A_292, %parallel_loop3A_238 : vector<16xi1>, vector<16xi32>
        %parallel_loop3A_294 = vector.shape_cast %parallel_loop3A_293 : vector<16xi32> to vector<16x1xi32>
        %parallel_loop3A_295 = vector.shape_cast %parallel_loop3A_294 : vector<16x1xi32> to vector<16xi32>
        %parallel_loop3A_296 = tpu.dynamic_gather %gather3A_20[%parallel_loop3A_295] in [0] : vector<16xf32>, vector<16xi32> -> vector<16xf32>
        %parallel_loop3A_297 = arith.constant 16 : i32
        %parallel_loop3A_298 = arith.muli %parallel_loop3A_203, %parallel_loop3A_297 : i32
        %parallel_loop3A_299 = arith.constant 3 : i32
        %parallel_loop3A_300 = arith.index_cast %parallel_loop3A_299 : i32 to index
        %parallel_loop3A_301 = arith.index_cast %parallel_loop3A_298 : i32 to index
        %parallel_loop3A_302 = tpu.vector_load %arg9[%parallel_loop3A_300, %parallel_loop3A_301] {strides = array<i32>} : memref<20x2304xf32, #tpu.memory_space<vmem>>, vector<16xf32>,
        tpu.vector_store %arg9[%parallel_loop3A_300, %parallel_loop3A_301], %parallel_loop3A_296 {strides = array<i32>} : memref<20x2304xf32, #tpu.memory_space<vmem>>, vector<16xf32>,
        %parallel_loop3A_303 = arith.constant 0 : i32
        %parallel_loop3A_304 = vector.broadcast %parallel_loop3A_303 : i32 to vector<16xi32>
        %parallel_loop3A_305 = arith.cmpi slt, %parallel_loop3A_238, %parallel_loop3A_304 : vector<16xi32>
        %parallel_loop3A_306 = arith.constant 16 : i32
        %parallel_loop3A_307 = vector.broadcast %parallel_loop3A_306 : i32 to vector<16xi32>
        %parallel_loop3A_308 = arith.addi %parallel_loop3A_238, %parallel_loop3A_307 : vector<16xi32>
        %parallel_loop3A_309 = arith.select %parallel_loop3A_305, %parallel_loop3A_308, %parallel_loop3A_238 : vector<16xi1>, vector<16xi32>
        %parallel_loop3A_310 = vector.shape_cast %parallel_loop3A_309 : vector<16xi32> to vector<16x1xi32>
        %parallel_loop3A_311 = vector.shape_cast %parallel_loop3A_310 : vector<16x1xi32> to vector<16xi32>
        %parallel_loop3A_312 = tpu.dynamic_gather %gather3A_24[%parallel_loop3A_311] in [0] : vector<16xf32>, vector<16xi32> -> vector<16xf32>
        %parallel_loop3A_313 = arith.constant 16 : i32
        %parallel_loop3A_314 = arith.muli %parallel_loop3A_203, %parallel_loop3A_313 : i32
        %parallel_loop3A_315 = arith.constant 4 : i32
        %parallel_loop3A_316 = arith.index_cast %parallel_loop3A_315 : i32 to index
        %parallel_loop3A_317 = arith.index_cast %parallel_loop3A_314 : i32 to index
        %parallel_loop3A_318 = tpu.vector_load %arg9[%parallel_loop3A_316, %parallel_loop3A_317] {strides = array<i32>} : memref<20x2304xf32, #tpu.memory_space<vmem>>, vector<16xf32>,
        tpu.vector_store %arg9[%parallel_loop3A_316, %parallel_loop3A_317], %parallel_loop3A_312 {strides = array<i32>} : memref<20x2304xf32, #tpu.memory_space<vmem>>, vector<16xf32>,
        %parallel_loop3A_319 = arith.constant 0 : i32
        %parallel_loop3A_320 = vector.broadcast %parallel_loop3A_319 : i32 to vector<16xi32>
        %parallel_loop3A_321 = arith.cmpi slt, %parallel_loop3A_238, %parallel_loop3A_320 : vector<16xi32>
        %parallel_loop3A_322 = arith.constant 16 : i32
        %parallel_loop3A_323 = vector.broadcast %parallel_loop3A_322 : i32 to vector<16xi32>
        %parallel_loop3A_324 = arith.addi %parallel_loop3A_238, %parallel_loop3A_323 : vector<16xi32>
        %parallel_loop3A_325 = arith.select %parallel_loop3A_321, %parallel_loop3A_324, %parallel_loop3A_238 : vector<16xi1>, vector<16xi32>
        %parallel_loop3A_326 = vector.shape_cast %parallel_loop3A_325 : vector<16xi32> to vector<16x1xi32>
        %parallel_loop3A_327 = vector.shape_cast %parallel_loop3A_326 : vector<16x1xi32> to vector<16xi32>
        %parallel_loop3A_328 = tpu.dynamic_gather %gather3A_28[%parallel_loop3A_327] in [0] : vector<16xf32>, vector<16xi32> -> vector<16xf32>
        %parallel_loop3A_329 = arith.constant 16 : i32
        %parallel_loop3A_330 = arith.muli %parallel_loop3A_203, %parallel_loop3A_329 : i32
        %parallel_loop3A_331 = arith.constant 5 : i32
        %parallel_loop3A_332 = arith.index_cast %parallel_loop3A_331 : i32 to index
        %parallel_loop3A_333 = arith.index_cast %parallel_loop3A_330 : i32 to index
        %parallel_loop3A_334 = tpu.vector_load %arg9[%parallel_loop3A_332, %parallel_loop3A_333] {strides = array<i32>} : memref<20x2304xf32, #tpu.memory_space<vmem>>, vector<16xf32>,
        tpu.vector_store %arg9[%parallel_loop3A_332, %parallel_loop3A_333], %parallel_loop3A_328 {strides = array<i32>} : memref<20x2304xf32, #tpu.memory_space<vmem>>, vector<16xf32>,
        %parallel_loop3A_335 = arith.constant 0 : i32
        %parallel_loop3A_336 = vector.broadcast %parallel_loop3A_335 : i32 to vector<16xi32>
        %parallel_loop3A_337 = arith.cmpi slt, %parallel_loop3A_238, %parallel_loop3A_336 : vector<16xi32>
        %parallel_loop3A_338 = arith.constant 16 : i32
        %parallel_loop3A_339 = vector.broadcast %parallel_loop3A_338 : i32 to vector<16xi32>
        %parallel_loop3A_340 = arith.addi %parallel_loop3A_238, %parallel_loop3A_339 : vector<16xi32>
        %parallel_loop3A_341 = arith.select %parallel_loop3A_337, %parallel_loop3A_340, %parallel_loop3A_238 : vector<16xi1>, vector<16xi32>
        %parallel_loop3A_342 = vector.shape_cast %parallel_loop3A_341 : vector<16xi32> to vector<16x1xi32>
        %parallel_loop3A_343 = vector.shape_cast %parallel_loop3A_342 : vector<16x1xi32> to vector<16xi32>
        %parallel_loop3A_344 = tpu.dynamic_gather %gather3A_32[%parallel_loop3A_343] in [0] : vector<16xf32>, vector<16xi32> -> vector<16xf32>
        %parallel_loop3A_345 = arith.constant 16 : i32
        %parallel_loop3A_346 = arith.muli %parallel_loop3A_203, %parallel_loop3A_345 : i32
        %parallel_loop3A_347 = arith.constant 6 : i32
        %parallel_loop3A_348 = arith.index_cast %parallel_loop3A_347 : i32 to index
        %parallel_loop3A_349 = arith.index_cast %parallel_loop3A_346 : i32 to index
        %parallel_loop3A_350 = tpu.vector_load %arg9[%parallel_loop3A_348, %parallel_loop3A_349] {strides = array<i32>} : memref<20x2304xf32, #tpu.memory_space<vmem>>, vector<16xf32>,
        tpu.vector_store %arg9[%parallel_loop3A_348, %parallel_loop3A_349], %parallel_loop3A_344 {strides = array<i32>} : memref<20x2304xf32, #tpu.memory_space<vmem>>, vector<16xf32>,
        %parallel_loop3A_351 = arith.constant 0 : i32
        %parallel_loop3A_352 = vector.broadcast %parallel_loop3A_351 : i32 to vector<16xi32>
        %parallel_loop3A_353 = arith.cmpi slt, %parallel_loop3A_238, %parallel_loop3A_352 : vector<16xi32>
        %parallel_loop3A_354 = arith.constant 16 : i32
        %parallel_loop3A_355 = vector.broadcast %parallel_loop3A_354 : i32 to vector<16xi32>
        %parallel_loop3A_356 = arith.addi %parallel_loop3A_238, %parallel_loop3A_355 : vector<16xi32>
        %parallel_loop3A_357 = arith.select %parallel_loop3A_353, %parallel_loop3A_356, %parallel_loop3A_238 : vector<16xi1>, vector<16xi32>
        %parallel_loop3A_358 = vector.shape_cast %parallel_loop3A_357 : vector<16xi32> to vector<16x1xi32>
        %parallel_loop3A_359 = vector.shape_cast %parallel_loop3A_358 : vector<16x1xi32> to vector<16xi32>
        %parallel_loop3A_360 = tpu.dynamic_gather %gather3A_36[%parallel_loop3A_359] in [0] : vector<16xf32>, vector<16xi32> -> vector<16xf32>
        %parallel_loop3A_361 = arith.constant 16 : i32
        %parallel_loop3A_362 = arith.muli %parallel_loop3A_203, %parallel_loop3A_361 : i32
        %parallel_loop3A_363 = arith.constant 7 : i32
        %parallel_loop3A_364 = arith.index_cast %parallel_loop3A_363 : i32 to index
        %parallel_loop3A_365 = arith.index_cast %parallel_loop3A_362 : i32 to index
        %parallel_loop3A_366 = tpu.vector_load %arg9[%parallel_loop3A_364, %parallel_loop3A_365] {strides = array<i32>} : memref<20x2304xf32, #tpu.memory_space<vmem>>, vector<16xf32>,
        tpu.vector_store %arg9[%parallel_loop3A_364, %parallel_loop3A_365], %parallel_loop3A_360 {strides = array<i32>} : memref<20x2304xf32, #tpu.memory_space<vmem>>, vector<16xf32>,
        %parallel_loop3A_367 = arith.constant 0 : i32
        %parallel_loop3A_368 = vector.broadcast %parallel_loop3A_367 : i32 to vector<16xi32>
        %parallel_loop3A_369 = arith.cmpi slt, %parallel_loop3A_238, %parallel_loop3A_368 : vector<16xi32>
        %parallel_loop3A_370 = arith.constant 16 : i32
        %parallel_loop3A_371 = vector.broadcast %parallel_loop3A_370 : i32 to vector<16xi32>
        %parallel_loop3A_372 = arith.addi %parallel_loop3A_238, %parallel_loop3A_371 : vector<16xi32>
        %parallel_loop3A_373 = arith.select %parallel_loop3A_369, %parallel_loop3A_372, %parallel_loop3A_238 : vector<16xi1>, vector<16xi32>
        %parallel_loop3A_374 = vector.shape_cast %parallel_loop3A_373 : vector<16xi32> to vector<16x1xi32>
        %parallel_loop3A_375 = vector.shape_cast %parallel_loop3A_374 : vector<16x1xi32> to vector<16xi32>
        %parallel_loop3A_376 = tpu.dynamic_gather %gather3A_40[%parallel_loop3A_375] in [0] : vector<16xf32>, vector<16xi32> -> vector<16xf32>
        %parallel_loop3A_377 = arith.constant 16 : i32
        %parallel_loop3A_378 = arith.muli %parallel_loop3A_203, %parallel_loop3A_377 : i32
        %parallel_loop3A_379 = arith.constant 8 : i32
        %parallel_loop3A_380 = arith.index_cast %parallel_loop3A_379 : i32 to index
        %parallel_loop3A_381 = arith.index_cast %parallel_loop3A_378 : i32 to index
        %parallel_loop3A_382 = tpu.vector_load %arg9[%parallel_loop3A_380, %parallel_loop3A_381] {strides = array<i32>} : memref<20x2304xf32, #tpu.memory_space<vmem>>, vector<16xf32>,
        tpu.vector_store %arg9[%parallel_loop3A_380, %parallel_loop3A_381], %parallel_loop3A_376 {strides = array<i32>} : memref<20x2304xf32, #tpu.memory_space<vmem>>, vector<16xf32>,
        %parallel_loop3A_383 = arith.constant 0 : i32
        %parallel_loop3A_384 = vector.broadcast %parallel_loop3A_383 : i32 to vector<16xi32>
        %parallel_loop3A_385 = arith.cmpi slt, %parallel_loop3A_238, %parallel_loop3A_384 : vector<16xi32>
        %parallel_loop3A_386 = arith.constant 16 : i32
        %parallel_loop3A_387 = vector.broadcast %parallel_loop3A_386 : i32 to vector<16xi32>
        %parallel_loop3A_388 = arith.addi %parallel_loop3A_238, %parallel_loop3A_387 : vector<16xi32>
        %parallel_loop3A_389 = arith.select %parallel_loop3A_385, %parallel_loop3A_388, %parallel_loop3A_238 : vector<16xi1>, vector<16xi32>
        %parallel_loop3A_390 = vector.shape_cast %parallel_loop3A_389 : vector<16xi32> to vector<16x1xi32>
        %parallel_loop3A_391 = vector.shape_cast %parallel_loop3A_390 : vector<16x1xi32> to vector<16xi32>
        %parallel_loop3A_392 = tpu.dynamic_gather %gather3A_44[%parallel_loop3A_391] in [0] : vector<16xf32>, vector<16xi32> -> vector<16xf32>
        %parallel_loop3A_393 = arith.constant 16 : i32
        %parallel_loop3A_394 = arith.muli %parallel_loop3A_203, %parallel_loop3A_393 : i32
        %parallel_loop3A_395 = arith.constant 9 : i32
        %parallel_loop3A_396 = arith.index_cast %parallel_loop3A_395 : i32 to index
        %parallel_loop3A_397 = arith.index_cast %parallel_loop3A_394 : i32 to index
        %parallel_loop3A_398 = tpu.vector_load %arg9[%parallel_loop3A_396, %parallel_loop3A_397] {strides = array<i32>} : memref<20x2304xf32, #tpu.memory_space<vmem>>, vector<16xf32>,
        tpu.vector_store %arg9[%parallel_loop3A_396, %parallel_loop3A_397], %parallel_loop3A_392 {strides = array<i32>} : memref<20x2304xf32, #tpu.memory_space<vmem>>, vector<16xf32>,
        %parallel_loop3A_399 = arith.constant 0 : i32
        %parallel_loop3A_400 = vector.broadcast %parallel_loop3A_399 : i32 to vector<16xi32>
        %parallel_loop3A_401 = arith.cmpi slt, %parallel_loop3A_238, %parallel_loop3A_400 : vector<16xi32>
        %parallel_loop3A_402 = arith.constant 16 : i32
        %parallel_loop3A_403 = vector.broadcast %parallel_loop3A_402 : i32 to vector<16xi32>
        %parallel_loop3A_404 = arith.addi %parallel_loop3A_238, %parallel_loop3A_403 : vector<16xi32>
        %parallel_loop3A_405 = arith.select %parallel_loop3A_401, %parallel_loop3A_404, %parallel_loop3A_238 : vector<16xi1>, vector<16xi32>
        %parallel_loop3A_406 = vector.shape_cast %parallel_loop3A_405 : vector<16xi32> to vector<16x1xi32>
        %parallel_loop3A_407 = vector.shape_cast %parallel_loop3A_406 : vector<16x1xi32> to vector<16xi32>
        %parallel_loop3A_408 = tpu.dynamic_gather %gather3A_48[%parallel_loop3A_407] in [0] : vector<16xf32>, vector<16xi32> -> vector<16xf32>
        %parallel_loop3A_409 = arith.constant 16 : i32
        %parallel_loop3A_410 = arith.muli %parallel_loop3A_203, %parallel_loop3A_409 : i32
        %parallel_loop3A_411 = arith.constant 10 : i32
        %parallel_loop3A_412 = arith.index_cast %parallel_loop3A_411 : i32 to index
        %parallel_loop3A_413 = arith.index_cast %parallel_loop3A_410 : i32 to index
        %parallel_loop3A_414 = tpu.vector_load %arg9[%parallel_loop3A_412, %parallel_loop3A_413] {strides = array<i32>} : memref<20x2304xf32, #tpu.memory_space<vmem>>, vector<16xf32>,
        tpu.vector_store %arg9[%parallel_loop3A_412, %parallel_loop3A_413], %parallel_loop3A_408 {strides = array<i32>} : memref<20x2304xf32, #tpu.memory_space<vmem>>, vector<16xf32>,
        %parallel_loop3A_415 = arith.constant 0 : i32
        %parallel_loop3A_416 = vector.broadcast %parallel_loop3A_415 : i32 to vector<16xi32>
        %parallel_loop3A_417 = arith.cmpi slt, %parallel_loop3A_238, %parallel_loop3A_416 : vector<16xi32>
        %parallel_loop3A_418 = arith.constant 16 : i32
        %parallel_loop3A_419 = vector.broadcast %parallel_loop3A_418 : i32 to vector<16xi32>
        %parallel_loop3A_420 = arith.addi %parallel_loop3A_238, %parallel_loop3A_419 : vector<16xi32>
        %parallel_loop3A_421 = arith.select %parallel_loop3A_417, %parallel_loop3A_420, %parallel_loop3A_238 : vector<16xi1>, vector<16xi32>
        %parallel_loop3A_422 = vector.shape_cast %parallel_loop3A_421 : vector<16xi32> to vector<16x1xi32>
        %parallel_loop3A_423 = vector.shape_cast %parallel_loop3A_422 : vector<16x1xi32> to vector<16xi32>
        %parallel_loop3A_424 = tpu.dynamic_gather %gather3A_52[%parallel_loop3A_423] in [0] : vector<16xf32>, vector<16xi32> -> vector<16xf32>
        %parallel_loop3A_425 = arith.constant 16 : i32
        %parallel_loop3A_426 = arith.muli %parallel_loop3A_203, %parallel_loop3A_425 : i32
        %parallel_loop3A_427 = arith.constant 11 : i32
        %parallel_loop3A_428 = arith.index_cast %parallel_loop3A_427 : i32 to index
        %parallel_loop3A_429 = arith.index_cast %parallel_loop3A_426 : i32 to index
        %parallel_loop3A_430 = tpu.vector_load %arg9[%parallel_loop3A_428, %parallel_loop3A_429] {strides = array<i32>} : memref<20x2304xf32, #tpu.memory_space<vmem>>, vector<16xf32>,
        tpu.vector_store %arg9[%parallel_loop3A_428, %parallel_loop3A_429], %parallel_loop3A_424 {strides = array<i32>} : memref<20x2304xf32, #tpu.memory_space<vmem>>, vector<16xf32>,
        %parallel_loop3A_431 = arith.constant 0 : i32
        %parallel_loop3A_432 = vector.broadcast %parallel_loop3A_431 : i32 to vector<16xi32>
        %parallel_loop3A_433 = arith.cmpi slt, %parallel_loop3A_238, %parallel_loop3A_432 : vector<16xi32>
        %parallel_loop3A_434 = arith.constant 16 : i32
        %parallel_loop3A_435 = vector.broadcast %parallel_loop3A_434 : i32 to vector<16xi32>
        %parallel_loop3A_436 = arith.addi %parallel_loop3A_238, %parallel_loop3A_435 : vector<16xi32>
        %parallel_loop3A_437 = arith.select %parallel_loop3A_433, %parallel_loop3A_436, %parallel_loop3A_238 : vector<16xi1>, vector<16xi32>
        %parallel_loop3A_438 = vector.shape_cast %parallel_loop3A_437 : vector<16xi32> to vector<16x1xi32>
        %parallel_loop3A_439 = vector.shape_cast %parallel_loop3A_438 : vector<16x1xi32> to vector<16xi32>
        %parallel_loop3A_440 = tpu.dynamic_gather %gather3A_56[%parallel_loop3A_439] in [0] : vector<16xf32>, vector<16xi32> -> vector<16xf32>
        %parallel_loop3A_441 = arith.constant 16 : i32
        %parallel_loop3A_442 = arith.muli %parallel_loop3A_203, %parallel_loop3A_441 : i32
        %parallel_loop3A_443 = arith.constant 12 : i32
        %parallel_loop3A_444 = arith.index_cast %parallel_loop3A_443 : i32 to index
        %parallel_loop3A_445 = arith.index_cast %parallel_loop3A_442 : i32 to index
        %parallel_loop3A_446 = tpu.vector_load %arg9[%parallel_loop3A_444, %parallel_loop3A_445] {strides = array<i32>} : memref<20x2304xf32, #tpu.memory_space<vmem>>, vector<16xf32>,
        tpu.vector_store %arg9[%parallel_loop3A_444, %parallel_loop3A_445], %parallel_loop3A_440 {strides = array<i32>} : memref<20x2304xf32, #tpu.memory_space<vmem>>, vector<16xf32>,
        %parallel_loop3A_447 = arith.constant 0 : i32
        %parallel_loop3A_448 = vector.broadcast %parallel_loop3A_447 : i32 to vector<16xi32>
        %parallel_loop3A_449 = arith.cmpi slt, %parallel_loop3A_238, %parallel_loop3A_448 : vector<16xi32>
        %parallel_loop3A_450 = arith.constant 16 : i32
        %parallel_loop3A_451 = vector.broadcast %parallel_loop3A_450 : i32 to vector<16xi32>
        %parallel_loop3A_452 = arith.addi %parallel_loop3A_238, %parallel_loop3A_451 : vector<16xi32>
        %parallel_loop3A_453 = arith.select %parallel_loop3A_449, %parallel_loop3A_452, %parallel_loop3A_238 : vector<16xi1>, vector<16xi32>
        %parallel_loop3A_454 = vector.shape_cast %parallel_loop3A_453 : vector<16xi32> to vector<16x1xi32>
        %parallel_loop3A_455 = vector.shape_cast %parallel_loop3A_454 : vector<16x1xi32> to vector<16xi32>
        %parallel_loop3A_456 = tpu.dynamic_gather %gather3A_60[%parallel_loop3A_455] in [0] : vector<16xf32>, vector<16xi32> -> vector<16xf32>
        %parallel_loop3A_457 = arith.constant 16 : i32
        %parallel_loop3A_458 = arith.muli %parallel_loop3A_203, %parallel_loop3A_457 : i32
        %parallel_loop3A_459 = arith.constant 13 : i32
        %parallel_loop3A_460 = arith.index_cast %parallel_loop3A_459 : i32 to index
        %parallel_loop3A_461 = arith.index_cast %parallel_loop3A_458 : i32 to index
        %parallel_loop3A_462 = tpu.vector_load %arg9[%parallel_loop3A_460, %parallel_loop3A_461] {strides = array<i32>} : memref<20x2304xf32, #tpu.memory_space<vmem>>, vector<16xf32>,
        tpu.vector_store %arg9[%parallel_loop3A_460, %parallel_loop3A_461], %parallel_loop3A_456 {strides = array<i32>} : memref<20x2304xf32, #tpu.memory_space<vmem>>, vector<16xf32>,
        %parallel_loop3A_463 = arith.constant 0 : i32
        %parallel_loop3A_464 = vector.broadcast %parallel_loop3A_463 : i32 to vector<16xi32>
        %parallel_loop3A_465 = arith.cmpi slt, %parallel_loop3A_238, %parallel_loop3A_464 : vector<16xi32>
        %parallel_loop3A_466 = arith.constant 16 : i32
        %parallel_loop3A_467 = vector.broadcast %parallel_loop3A_466 : i32 to vector<16xi32>
        %parallel_loop3A_468 = arith.addi %parallel_loop3A_238, %parallel_loop3A_467 : vector<16xi32>
        %parallel_loop3A_469 = arith.select %parallel_loop3A_465, %parallel_loop3A_468, %parallel_loop3A_238 : vector<16xi1>, vector<16xi32>
        %parallel_loop3A_470 = vector.shape_cast %parallel_loop3A_469 : vector<16xi32> to vector<16x1xi32>
        %parallel_loop3A_471 = vector.shape_cast %parallel_loop3A_470 : vector<16x1xi32> to vector<16xi32>
        %parallel_loop3A_472 = tpu.dynamic_gather %gather3A_64[%parallel_loop3A_471] in [0] : vector<16xf32>, vector<16xi32> -> vector<16xf32>
        %parallel_loop3A_473 = arith.constant 16 : i32
        %parallel_loop3A_474 = arith.muli %parallel_loop3A_203, %parallel_loop3A_473 : i32
        %parallel_loop3A_475 = arith.constant 14 : i32
        %parallel_loop3A_476 = arith.index_cast %parallel_loop3A_475 : i32 to index
        %parallel_loop3A_477 = arith.index_cast %parallel_loop3A_474 : i32 to index
        %parallel_loop3A_478 = tpu.vector_load %arg9[%parallel_loop3A_476, %parallel_loop3A_477] {strides = array<i32>} : memref<20x2304xf32, #tpu.memory_space<vmem>>, vector<16xf32>,
        tpu.vector_store %arg9[%parallel_loop3A_476, %parallel_loop3A_477], %parallel_loop3A_472 {strides = array<i32>} : memref<20x2304xf32, #tpu.memory_space<vmem>>, vector<16xf32>,
        %parallel_loop3A_479 = arith.constant 0 : i32
        %parallel_loop3A_480 = vector.broadcast %parallel_loop3A_479 : i32 to vector<16xi32>
        %parallel_loop3A_481 = arith.cmpi slt, %parallel_loop3A_238, %parallel_loop3A_480 : vector<16xi32>
        %parallel_loop3A_482 = arith.constant 16 : i32
        %parallel_loop3A_483 = vector.broadcast %parallel_loop3A_482 : i32 to vector<16xi32>
        %parallel_loop3A_484 = arith.addi %parallel_loop3A_238, %parallel_loop3A_483 : vector<16xi32>
        %parallel_loop3A_485 = arith.select %parallel_loop3A_481, %parallel_loop3A_484, %parallel_loop3A_238 : vector<16xi1>, vector<16xi32>
        %parallel_loop3A_486 = vector.shape_cast %parallel_loop3A_485 : vector<16xi32> to vector<16x1xi32>
        %parallel_loop3A_487 = vector.shape_cast %parallel_loop3A_486 : vector<16x1xi32> to vector<16xi32>
        %parallel_loop3A_488 = tpu.dynamic_gather %gather3A_68[%parallel_loop3A_487] in [0] : vector<16xf32>, vector<16xi32> -> vector<16xf32>
        %parallel_loop3A_489 = arith.constant 16 : i32
        %parallel_loop3A_490 = arith.muli %parallel_loop3A_203, %parallel_loop3A_489 : i32
        %parallel_loop3A_491 = arith.constant 15 : i32
        %parallel_loop3A_492 = arith.index_cast %parallel_loop3A_491 : i32 to index
        %parallel_loop3A_493 = arith.index_cast %parallel_loop3A_490 : i32 to index
        %parallel_loop3A_494 = tpu.vector_load %arg9[%parallel_loop3A_492, %parallel_loop3A_493] {strides = array<i32>} : memref<20x2304xf32, #tpu.memory_space<vmem>>, vector<16xf32>,
        tpu.vector_store %arg9[%parallel_loop3A_492, %parallel_loop3A_493], %parallel_loop3A_488 {strides = array<i32>} : memref<20x2304xf32, #tpu.memory_space<vmem>>, vector<16xf32>,
        %parallel_loop3A_495 = arith.constant 0 : i32
        %parallel_loop3A_496 = vector.broadcast %parallel_loop3A_495 : i32 to vector<16xi32>
        %parallel_loop3A_497 = arith.cmpi slt, %parallel_loop3A_238, %parallel_loop3A_496 : vector<16xi32>
        %parallel_loop3A_498 = arith.constant 16 : i32
        %parallel_loop3A_499 = vector.broadcast %parallel_loop3A_498 : i32 to vector<16xi32>
        %parallel_loop3A_500 = arith.addi %parallel_loop3A_238, %parallel_loop3A_499 : vector<16xi32>
        %parallel_loop3A_501 = arith.select %parallel_loop3A_497, %parallel_loop3A_500, %parallel_loop3A_238 : vector<16xi1>, vector<16xi32>
        %parallel_loop3A_502 = vector.shape_cast %parallel_loop3A_501 : vector<16xi32> to vector<16x1xi32>
        %parallel_loop3A_503 = vector.shape_cast %parallel_loop3A_502 : vector<16x1xi32> to vector<16xi32>
        %parallel_loop3A_504 = tpu.dynamic_gather %gather3A_72[%parallel_loop3A_503] in [0] : vector<16xf32>, vector<16xi32> -> vector<16xf32>
        %parallel_loop3A_505 = arith.constant 16 : i32
        %parallel_loop3A_506 = arith.muli %parallel_loop3A_203, %parallel_loop3A_505 : i32
        %parallel_loop3A_507 = arith.constant 16 : i32
        %parallel_loop3A_508 = arith.index_cast %parallel_loop3A_507 : i32 to index
        %parallel_loop3A_509 = arith.index_cast %parallel_loop3A_506 : i32 to index
        %parallel_loop3A_510 = tpu.vector_load %arg9[%parallel_loop3A_508, %parallel_loop3A_509] {strides = array<i32>} : memref<20x2304xf32, #tpu.memory_space<vmem>>, vector<16xf32>,
        tpu.vector_store %arg9[%parallel_loop3A_508, %parallel_loop3A_509], %parallel_loop3A_504 {strides = array<i32>} : memref<20x2304xf32, #tpu.memory_space<vmem>>, vector<16xf32>,
        %parallel_loop3A_511 = arith.constant 0 : i32
        %parallel_loop3A_512 = vector.broadcast %parallel_loop3A_511 : i32 to vector<16xi32>
        %parallel_loop3A_513 = arith.cmpi slt, %parallel_loop3A_238, %parallel_loop3A_512 : vector<16xi32>
        %parallel_loop3A_514 = arith.constant 16 : i32
        %parallel_loop3A_515 = vector.broadcast %parallel_loop3A_514 : i32 to vector<16xi32>
        %parallel_loop3A_516 = arith.addi %parallel_loop3A_238, %parallel_loop3A_515 : vector<16xi32>
        %parallel_loop3A_517 = arith.select %parallel_loop3A_513, %parallel_loop3A_516, %parallel_loop3A_238 : vector<16xi1>, vector<16xi32>
        %parallel_loop3A_518 = vector.shape_cast %parallel_loop3A_517 : vector<16xi32> to vector<16x1xi32>
        %parallel_loop3A_519 = vector.shape_cast %parallel_loop3A_518 : vector<16x1xi32> to vector<16xi32>
        %parallel_loop3A_520 = tpu.dynamic_gather %gather3A_76[%parallel_loop3A_519] in [0] : vector<16xf32>, vector<16xi32> -> vector<16xf32>
        %parallel_loop3A_521 = arith.constant 16 : i32
        %parallel_loop3A_522 = arith.muli %parallel_loop3A_203, %parallel_loop3A_521 : i32
        %parallel_loop3A_523 = arith.constant 17 : i32
        %parallel_loop3A_524 = arith.index_cast %parallel_loop3A_523 : i32 to index
        %parallel_loop3A_525 = arith.index_cast %parallel_loop3A_522 : i32 to index
        %parallel_loop3A_526 = tpu.vector_load %arg9[%parallel_loop3A_524, %parallel_loop3A_525] {strides = array<i32>} : memref<20x2304xf32, #tpu.memory_space<vmem>>, vector<16xf32>,
        tpu.vector_store %arg9[%parallel_loop3A_524, %parallel_loop3A_525], %parallel_loop3A_520 {strides = array<i32>} : memref<20x2304xf32, #tpu.memory_space<vmem>>, vector<16xf32>,
        %parallel_loop3A_527 = arith.constant 0 : i32
        %parallel_loop3A_528 = vector.broadcast %parallel_loop3A_527 : i32 to vector<16xi32>
        %parallel_loop3A_529 = arith.cmpi slt, %parallel_loop3A_238, %parallel_loop3A_528 : vector<16xi32>
        %parallel_loop3A_530 = arith.constant 16 : i32
        %parallel_loop3A_531 = vector.broadcast %parallel_loop3A_530 : i32 to vector<16xi32>
        %parallel_loop3A_532 = arith.addi %parallel_loop3A_238, %parallel_loop3A_531 : vector<16xi32>
        %parallel_loop3A_533 = arith.select %parallel_loop3A_529, %parallel_loop3A_532, %parallel_loop3A_238 : vector<16xi1>, vector<16xi32>
        %parallel_loop3A_534 = vector.shape_cast %parallel_loop3A_533 : vector<16xi32> to vector<16x1xi32>
        %parallel_loop3A_535 = vector.shape_cast %parallel_loop3A_534 : vector<16x1xi32> to vector<16xi32>
        %parallel_loop3A_536 = tpu.dynamic_gather %gather3A_80[%parallel_loop3A_535] in [0] : vector<16xf32>, vector<16xi32> -> vector<16xf32>
        %parallel_loop3A_537 = arith.constant 16 : i32
        %parallel_loop3A_538 = arith.muli %parallel_loop3A_203, %parallel_loop3A_537 : i32
        %parallel_loop3A_539 = arith.constant 18 : i32
        %parallel_loop3A_540 = arith.index_cast %parallel_loop3A_539 : i32 to index
        %parallel_loop3A_541 = arith.index_cast %parallel_loop3A_538 : i32 to index
        %parallel_loop3A_542 = tpu.vector_load %arg9[%parallel_loop3A_540, %parallel_loop3A_541] {strides = array<i32>} : memref<20x2304xf32, #tpu.memory_space<vmem>>, vector<16xf32>,
        tpu.vector_store %arg9[%parallel_loop3A_540, %parallel_loop3A_541], %parallel_loop3A_536 {strides = array<i32>} : memref<20x2304xf32, #tpu.memory_space<vmem>>, vector<16xf32>,
        %parallel_loop3A_543 = arith.constant 0 : i32
        %parallel_loop3A_544 = vector.broadcast %parallel_loop3A_543 : i32 to vector<16xi32>
        %parallel_loop3A_545 = arith.cmpi slt, %parallel_loop3A_238, %parallel_loop3A_544 : vector<16xi32>
        %parallel_loop3A_546 = arith.constant 16 : i32
        %parallel_loop3A_547 = vector.broadcast %parallel_loop3A_546 : i32 to vector<16xi32>
        %parallel_loop3A_548 = arith.addi %parallel_loop3A_238, %parallel_loop3A_547 : vector<16xi32>
        %parallel_loop3A_549 = arith.select %parallel_loop3A_545, %parallel_loop3A_548, %parallel_loop3A_238 : vector<16xi1>, vector<16xi32>
        %parallel_loop3A_550 = vector.shape_cast %parallel_loop3A_549 : vector<16xi32> to vector<16x1xi32>
        %parallel_loop3A_551 = vector.shape_cast %parallel_loop3A_550 : vector<16x1xi32> to vector<16xi32>
        %parallel_loop3A_552 = tpu.dynamic_gather %gather3A_84[%parallel_loop3A_551] in [0] : vector<16xf32>, vector<16xi32> -> vector<16xf32>
        %parallel_loop3A_553 = arith.constant 16 : i32
        %parallel_loop3A_554 = arith.muli %parallel_loop3A_203, %parallel_loop3A_553 : i32
        %parallel_loop3A_555 = arith.constant 19 : i32
        %parallel_loop3A_556 = arith.index_cast %parallel_loop3A_555 : i32 to index
        %parallel_loop3A_557 = arith.index_cast %parallel_loop3A_554 : i32 to index
        %parallel_loop3A_558 = tpu.vector_load %arg9[%parallel_loop3A_556, %parallel_loop3A_557] {strides = array<i32>} : memref<20x2304xf32, #tpu.memory_space<vmem>>, vector<16xf32>,
        tpu.vector_store %arg9[%parallel_loop3A_556, %parallel_loop3A_557], %parallel_loop3A_552 {strides = array<i32>} : memref<20x2304xf32, #tpu.memory_space<vmem>>, vector<16xf32>,
      } {sc.loop_unroll_factor = 6 : i64, sc.parallel_access}
      %mul3A_184 = arith.constant 32 : i32
      %mul3A_185 = arith.muli %add3A_134, %mul3A_184 : i32
      %add3A_186 = arith.addi %add3A, %mul3A_185 : i32
      %min3A_187 = arith.constant 433 : i32
      %min3A_188 = arith.minsi %add3A_186, %min3A_187 : i32
      %mul3A_189 = arith.constant 2304 : i32
      %mul3A_190 = arith.muli %min3A_188, %mul3A_189 : i32
      %dma_start3A_191 = arith.constant 0 : i32
      %dma_start3A_192 = tpu.memref_slice %arg4[%dma_start3A_191, %mul3A_190] : memref<20x1000000xf32, #tpu.memory_space<hbm>> -> memref<20x2304xf32, #tpu.memory_space<hbm>>
      %dma_start3A_193 = arith.constant 0 : i32
      %dma_start3A_194 = tpu.memref_slice %arg4[%dma_start3A_193, %mul3A_190] : memref<20x1000000xf32, #tpu.memory_space<hbm>> -> memref<20x2304xf32, #tpu.memory_space<hbm>>
      tpu.enqueue_dma source(%arg9 : memref<20x2304xf32, #tpu.memory_space<vmem>>) target(%dma_start3A_194 : memref<20x2304xf32, #tpu.memory_space<hbm>>) target_semaphore(%arg14 : memref<!tpu.dma_semaphore, #tpu.memory_space<semaphore_mem>>)
      %add3A_195 = arith.constant 2 : i32
      %add3A_196 = arith.addi %add3A_134, %add3A_195 : i32
      %lt3A_197 = arith.constant 14 : i32
      %lt3A_198 = arith.cmpi slt, %add3A_196, %lt3A_197 : i32
      %convert_element_type3A_199 = arith.extui %lt3A_198 : i1 to i32
      %cond3A_200 = arith.constant 0 : i32
      %cond3A_201 = arith.cmpi ne, %convert_element_type3A_199, %cond3A_200 : i32
      scf.if %cond3A_201 {
        %add3A_203 = arith.constant 2 : i32
        %add3A_204 = arith.addi %add3A_134, %add3A_203 : i32
        %mul3A_205 = arith.constant 32 : i32
        %mul3A_206 = arith.muli %add3A_204, %mul3A_205 : i32
        %add3A_207 = arith.addi %add3A, %mul3A_206 : i32
        %min3A_208 = arith.constant 433 : i32
        %min3A_209 = arith.minsi %add3A_207, %min3A_208 : i32
        %mul3A_210 = arith.constant 2304 : i32
        %mul3A_211 = arith.muli %min3A_209, %mul3A_210 : i32
        %dma_start3A_212 = tpu.memref_slice %arg2[%mul3A_211] : memref<1000000xi32, #tpu.memory_space<hbm>> -> memref<2304xi32, #tpu.memory_space<hbm>>
        %dma_start3A_213 = tpu.memref_slice %arg2[%mul3A_211] : memref<1000000xi32, #tpu.memory_space<hbm>> -> memref<2304xi32, #tpu.memory_space<hbm>>
        tpu.enqueue_dma source(%dma_start3A_213 : memref<2304xi32, #tpu.memory_space<hbm>>) target(%arg6 : memref<2304xi32, #tpu.memory_space<vmem>>) target_semaphore(%arg12 : memref<!tpu.dma_semaphore, #tpu.memory_space<semaphore_mem>>)
      } else {
      }
      %scan3A_202 = arith.constant 0 : i32
      scf.yield %scan3A_202 : i32
    }
    %scan3A_105 = arith.constant 7 : i32
    %add3A_106 = arith.constant 384 : i32
    %add3A_107 = arith.addi %add3A, %add3A_106 : i32
    %min3A_108 = arith.constant 433 : i32
    %min3A_109 = arith.minsi %add3A_107, %min3A_108 : i32
    %mul3A_110 = arith.constant 2304 : i32
    %mul3A_111 = arith.muli %min3A_109, %mul3A_110 : i32
    %dma_wait3A = arith.constant 0 : i32
    %dma_wait3A_112 = tpu.memref_slice %arg4[%dma_wait3A, %mul3A_111] : memref<20x1000000xf32, #tpu.memory_space<hbm>> -> memref<20x2304xf32, #tpu.memory_space<hbm>>
    %dma_wait3A_113 = arith.constant 0 : i32
    %dma_wait3A_114 = tpu.memref_slice %arg4[%dma_wait3A_113, %mul3A_111] : memref<20x1000000xf32, #tpu.memory_space<hbm>> -> memref<20x2304xf32, #tpu.memory_space<hbm>>
    tpu.wait_dma2 semaphore(%arg13 : memref<!tpu.dma_semaphore, #tpu.memory_space<semaphore_mem>>) src(%arg8 : memref<20x2304xf32, #tpu.memory_space<vmem>>) dst(%dma_wait3A_114 : memref<20x2304xf32, #tpu.memory_space<hbm>>)
    %add3A_115 = arith.constant 416 : i32
    %add3A_116 = arith.addi %add3A, %add3A_115 : i32
    %min3A_117 = arith.constant 433 : i32
    %min3A_118 = arith.minsi %add3A_116, %min3A_117 : i32
    %mul3A_119 = arith.constant 2304 : i32
    %mul3A_120 = arith.muli %min3A_118, %mul3A_119 : i32
    %dma_wait3A_121 = arith.constant 0 : i32
    %dma_wait3A_122 = tpu.memref_slice %arg4[%dma_wait3A_121, %mul3A_120] : memref<20x1000000xf32, #tpu.memory_space<hbm>> -> memref<20x2304xf32, #tpu.memory_space<hbm>>
    %dma_wait3A_123 = arith.constant 0 : i32
    %dma_wait3A_124 = tpu.memref_slice %arg4[%dma_wait3A_123, %mul3A_120] : memref<20x1000000xf32, #tpu.memory_space<hbm>> -> memref<20x2304xf32, #tpu.memory_space<hbm>>
    tpu.wait_dma2 semaphore(%arg14 : memref<!tpu.dma_semaphore, #tpu.memory_space<semaphore_mem>>) src(%arg9 : memref<20x2304xf32, #tpu.memory_space<vmem>>) dst(%dma_wait3A_124 : memref<20x2304xf32, #tpu.memory_space<hbm>>)
    %eq3A = arith.constant 31 : i32
    %eq3A_125 = arith.cmpi eq, %add3A, %eq3A : i32
    %convert_element_type3A = arith.extui %eq3A_125 : i1 to i32
    %cond3A = arith.constant 0 : i32
    %cond3A_126 = arith.cmpi ne, %convert_element_type3A, %cond3A : i32
    scf.if %cond3A_126 {
      "tpu.region"() ({
        %run_scoped3A = tpu.sem_alloc : memref<!tpu.dma_semaphore, #tpu.memory_space<semaphore_mem>>
        %dma_start3A_129 = arith.constant 0 : i32
        %dma_start3A_130 = tpu.memref_slice %arg5[%dma_start3A_129] : memref<2304xi32, #tpu.memory_space<vmem>> -> memref<64xi32, #tpu.memory_space<vmem>>
        %dma_start3A_131 = arith.constant 999936 : i32
        %dma_start3A_132 = tpu.memref_slice %arg2[%dma_start3A_131] : memref<1000000xi32, #tpu.memory_space<hbm>> -> memref<64xi32, #tpu.memory_space<hbm>>
        %dma_start3A_133 = arith.constant 0 : i32
        %dma_start3A_134 = tpu.memref_slice %arg5[%dma_start3A_133] : memref<2304xi32, #tpu.memory_space<vmem>> -> memref<64xi32, #tpu.memory_space<vmem>>
        %dma_start3A_135 = arith.constant 999936 : i32
        %dma_start3A_136 = tpu.memref_slice %arg2[%dma_start3A_135] : memref<1000000xi32, #tpu.memory_space<hbm>> -> memref<64xi32, #tpu.memory_space<hbm>>
        tpu.enqueue_dma source(%dma_start3A_136 : memref<64xi32, #tpu.memory_space<hbm>>) target(%dma_start3A_134 : memref<64xi32, #tpu.memory_space<vmem>>) target_semaphore(%run_scoped3A : memref<!tpu.dma_semaphore, #tpu.memory_space<semaphore_mem>>)
        %dma_wait3A_137 = arith.constant 0 : i32
        %dma_wait3A_138 = tpu.memref_slice %arg5[%dma_wait3A_137] : memref<2304xi32, #tpu.memory_space<vmem>> -> memref<64xi32, #tpu.memory_space<vmem>>
        %dma_wait3A_139 = arith.constant 999936 : i32
        %dma_wait3A_140 = tpu.memref_slice %arg2[%dma_wait3A_139] : memref<1000000xi32, #tpu.memory_space<hbm>> -> memref<64xi32, #tpu.memory_space<hbm>>
        %dma_wait3A_141 = arith.constant 0 : i32
        %dma_wait3A_142 = tpu.memref_slice %arg5[%dma_wait3A_141] : memref<2304xi32, #tpu.memory_space<vmem>> -> memref<64xi32, #tpu.memory_space<vmem>>
        %dma_wait3A_143 = arith.constant 999936 : i32
        %dma_wait3A_144 = tpu.memref_slice %arg2[%dma_wait3A_143] : memref<1000000xi32, #tpu.memory_space<hbm>> -> memref<64xi32, #tpu.memory_space<hbm>>
        tpu.wait_dma2 semaphore(%run_scoped3A : memref<!tpu.dma_semaphore, #tpu.memory_space<semaphore_mem>>) src(%dma_wait3A_144 : memref<64xi32, #tpu.memory_space<hbm>>) dst(%dma_wait3A_142 : memref<64xi32, #tpu.memory_space<vmem>>)
        tpu.yield
      }) : () -> ()
      %parallel_loop3A = arith.constant 0 : i32
      %parallel_loop3A_127 = arith.constant 4 : i32
      %parallel_loop3A_128 = arith.constant 1 : i32
      scf.for %parallel_loop3A_129 = %parallel_loop3A to %parallel_loop3A_127 step %parallel_loop3A_128  : i32 {
        %parallel_loop3A_130 = arith.constant 16 : i32
        %parallel_loop3A_131 = arith.muli %parallel_loop3A_129, %parallel_loop3A_130 : i32
        %parallel_loop3A_132 = arith.index_cast %parallel_loop3A_131 : i32 to index
        %parallel_loop3A_133 = tpu.vector_load %arg5[%parallel_loop3A_132] {strides = array<i32>} : memref<2304xi32, #tpu.memory_space<vmem>>, vector<16xi32>,
        %parallel_loop3A_134 = arith.constant 5 : i32
        %parallel_loop3A_135 = vector.broadcast %parallel_loop3A_134 : i32 to vector<16xi32>
        %parallel_loop3A_136 = arith.minsi %parallel_loop3A_133, %parallel_loop3A_135 : vector<16xi32>
        %parallel_loop3A_137 = arith.constant 3 : i32
        %parallel_loop3A_138 = vector.broadcast %parallel_loop3A_137 : i32 to vector<16xi32>
        %parallel_loop3A_139 = arith.shrsi %parallel_loop3A_133, %parallel_loop3A_138 : vector<16xi32>
        %parallel_loop3A_140 = arith.constant 1 : i32
        %parallel_loop3A_141 = vector.broadcast %parallel_loop3A_140 : i32 to vector<16xi32>
        %parallel_loop3A_142 = arith.minsi %parallel_loop3A_139, %parallel_loop3A_141 : vector<16xi32>
        %parallel_loop3A_143 = arith.addi %parallel_loop3A_136, %parallel_loop3A_142 : vector<16xi32>
        %parallel_loop3A_144 = arith.constant 4 : i32
        %parallel_loop3A_145 = vector.broadcast %parallel_loop3A_144 : i32 to vector<16xi32>
        %parallel_loop3A_146 = arith.shrsi %parallel_loop3A_133, %parallel_loop3A_145 : vector<16xi32>
        %parallel_loop3A_147 = arith.constant 1 : i32
        %parallel_loop3A_148 = vector.broadcast %parallel_loop3A_147 : i32 to vector<16xi32>
        %parallel_loop3A_149 = arith.minsi %parallel_loop3A_146, %parallel_loop3A_148 : vector<16xi32>
        %parallel_loop3A_150 = arith.addi %parallel_loop3A_143, %parallel_loop3A_149 : vector<16xi32>
        %parallel_loop3A_151 = arith.constant 5 : i32
        %parallel_loop3A_152 = vector.broadcast %parallel_loop3A_151 : i32 to vector<16xi32>
        %parallel_loop3A_153 = arith.shrsi %parallel_loop3A_133, %parallel_loop3A_152 : vector<16xi32>
        %parallel_loop3A_154 = arith.constant 1 : i32
        %parallel_loop3A_155 = vector.broadcast %parallel_loop3A_154 : i32 to vector<16xi32>
        %parallel_loop3A_156 = arith.minsi %parallel_loop3A_153, %parallel_loop3A_155 : vector<16xi32>
        %parallel_loop3A_157 = arith.addi %parallel_loop3A_150, %parallel_loop3A_156 : vector<16xi32>
        %parallel_loop3A_158 = arith.constant 6 : i32
        %parallel_loop3A_159 = vector.broadcast %parallel_loop3A_158 : i32 to vector<16xi32>
        %parallel_loop3A_160 = arith.shrsi %parallel_loop3A_133, %parallel_loop3A_159 : vector<16xi32>
        %parallel_loop3A_161 = arith.constant 1 : i32
        %parallel_loop3A_162 = vector.broadcast %parallel_loop3A_161 : i32 to vector<16xi32>
        %parallel_loop3A_163 = arith.minsi %parallel_loop3A_160, %parallel_loop3A_162 : vector<16xi32>
        %parallel_loop3A_164 = arith.addi %parallel_loop3A_157, %parallel_loop3A_163 : vector<16xi32>
        %parallel_loop3A_165 = arith.constant 0 : i32
        %parallel_loop3A_166 = vector.broadcast %parallel_loop3A_165 : i32 to vector<16xi32>
        %parallel_loop3A_167 = arith.cmpi slt, %parallel_loop3A_164, %parallel_loop3A_166 : vector<16xi32>
        %parallel_loop3A_168 = arith.constant 16 : i32
        %parallel_loop3A_169 = vector.broadcast %parallel_loop3A_168 : i32 to vector<16xi32>
        %parallel_loop3A_170 = arith.addi %parallel_loop3A_164, %parallel_loop3A_169 : vector<16xi32>
        %parallel_loop3A_171 = arith.select %parallel_loop3A_167, %parallel_loop3A_170, %parallel_loop3A_164 : vector<16xi1>, vector<16xi32>
        %parallel_loop3A_172 = vector.shape_cast %parallel_loop3A_171 : vector<16xi32> to vector<16x1xi32>
        %parallel_loop3A_173 = vector.shape_cast %parallel_loop3A_172 : vector<16x1xi32> to vector<16xi32>
        %parallel_loop3A_174 = tpu.dynamic_gather %gather3A[%parallel_loop3A_173] in [0] : vector<16xf32>, vector<16xi32> -> vector<16xf32>
        %parallel_loop3A_175 = arith.constant 16 : i32
        %parallel_loop3A_176 = arith.muli %parallel_loop3A_129, %parallel_loop3A_175 : i32
        %parallel_loop3A_177 = arith.constant 0 : i32
        %parallel_loop3A_178 = arith.index_cast %parallel_loop3A_177 : i32 to index
        %parallel_loop3A_179 = arith.index_cast %parallel_loop3A_176 : i32 to index
        %parallel_loop3A_180 = tpu.vector_load %arg10[%parallel_loop3A_178, %parallel_loop3A_179] {strides = array<i32>} : memref<20x64xf32, #tpu.memory_space<vmem>>, vector<16xf32>,
        tpu.vector_store %arg10[%parallel_loop3A_178, %parallel_loop3A_179], %parallel_loop3A_174 {strides = array<i32>} : memref<20x64xf32, #tpu.memory_space<vmem>>, vector<16xf32>,
        %parallel_loop3A_181 = arith.constant 0 : i32
        %parallel_loop3A_182 = vector.broadcast %parallel_loop3A_181 : i32 to vector<16xi32>
        %parallel_loop3A_183 = arith.cmpi slt, %parallel_loop3A_164, %parallel_loop3A_182 : vector<16xi32>
        %parallel_loop3A_184 = arith.constant 16 : i32
        %parallel_loop3A_185 = vector.broadcast %parallel_loop3A_184 : i32 to vector<16xi32>
        %parallel_loop3A_186 = arith.addi %parallel_loop3A_164, %parallel_loop3A_185 : vector<16xi32>
        %parallel_loop3A_187 = arith.select %parallel_loop3A_183, %parallel_loop3A_186, %parallel_loop3A_164 : vector<16xi1>, vector<16xi32>
        %parallel_loop3A_188 = vector.shape_cast %parallel_loop3A_187 : vector<16xi32> to vector<16x1xi32>
        %parallel_loop3A_189 = vector.shape_cast %parallel_loop3A_188 : vector<16x1xi32> to vector<16xi32>
        %parallel_loop3A_190 = tpu.dynamic_gather %gather3A_12[%parallel_loop3A_189] in [0] : vector<16xf32>, vector<16xi32> -> vector<16xf32>
        %parallel_loop3A_191 = arith.constant 16 : i32
        %parallel_loop3A_192 = arith.muli %parallel_loop3A_129, %parallel_loop3A_191 : i32
        %parallel_loop3A_193 = arith.constant 1 : i32
        %parallel_loop3A_194 = arith.index_cast %parallel_loop3A_193 : i32 to index
        %parallel_loop3A_195 = arith.index_cast %parallel_loop3A_192 : i32 to index
        %parallel_loop3A_196 = tpu.vector_load %arg10[%parallel_loop3A_194, %parallel_loop3A_195] {strides = array<i32>} : memref<20x64xf32, #tpu.memory_space<vmem>>, vector<16xf32>,
        tpu.vector_store %arg10[%parallel_loop3A_194, %parallel_loop3A_195], %parallel_loop3A_190 {strides = array<i32>} : memref<20x64xf32, #tpu.memory_space<vmem>>, vector<16xf32>,
        %parallel_loop3A_197 = arith.constant 0 : i32
        %parallel_loop3A_198 = vector.broadcast %parallel_loop3A_197 : i32 to vector<16xi32>
        %parallel_loop3A_199 = arith.cmpi slt, %parallel_loop3A_164, %parallel_loop3A_198 : vector<16xi32>
        %parallel_loop3A_200 = arith.constant 16 : i32
        %parallel_loop3A_201 = vector.broadcast %parallel_loop3A_200 : i32 to vector<16xi32>
        %parallel_loop3A_202 = arith.addi %parallel_loop3A_164, %parallel_loop3A_201 : vector<16xi32>
        %parallel_loop3A_203 = arith.select %parallel_loop3A_199, %parallel_loop3A_202, %parallel_loop3A_164 : vector<16xi1>, vector<16xi32>
        %parallel_loop3A_204 = vector.shape_cast %parallel_loop3A_203 : vector<16xi32> to vector<16x1xi32>
        %parallel_loop3A_205 = vector.shape_cast %parallel_loop3A_204 : vector<16x1xi32> to vector<16xi32>
        %parallel_loop3A_206 = tpu.dynamic_gather %gather3A_16[%parallel_loop3A_205] in [0] : vector<16xf32>, vector<16xi32> -> vector<16xf32>
        %parallel_loop3A_207 = arith.constant 16 : i32
        %parallel_loop3A_208 = arith.muli %parallel_loop3A_129, %parallel_loop3A_207 : i32
        %parallel_loop3A_209 = arith.constant 2 : i32
        %parallel_loop3A_210 = arith.index_cast %parallel_loop3A_209 : i32 to index
        %parallel_loop3A_211 = arith.index_cast %parallel_loop3A_208 : i32 to index
        %parallel_loop3A_212 = tpu.vector_load %arg10[%parallel_loop3A_210, %parallel_loop3A_211] {strides = array<i32>} : memref<20x64xf32, #tpu.memory_space<vmem>>, vector<16xf32>,
        tpu.vector_store %arg10[%parallel_loop3A_210, %parallel_loop3A_211], %parallel_loop3A_206 {strides = array<i32>} : memref<20x64xf32, #tpu.memory_space<vmem>>, vector<16xf32>,
        %parallel_loop3A_213 = arith.constant 0 : i32
        %parallel_loop3A_214 = vector.broadcast %parallel_loop3A_213 : i32 to vector<16xi32>
        %parallel_loop3A_215 = arith.cmpi slt, %parallel_loop3A_164, %parallel_loop3A_214 : vector<16xi32>
        %parallel_loop3A_216 = arith.constant 16 : i32
        %parallel_loop3A_217 = vector.broadcast %parallel_loop3A_216 : i32 to vector<16xi32>
        %parallel_loop3A_218 = arith.addi %parallel_loop3A_164, %parallel_loop3A_217 : vector<16xi32>
        %parallel_loop3A_219 = arith.select %parallel_loop3A_215, %parallel_loop3A_218, %parallel_loop3A_164 : vector<16xi1>, vector<16xi32>
        %parallel_loop3A_220 = vector.shape_cast %parallel_loop3A_219 : vector<16xi32> to vector<16x1xi32>
        %parallel_loop3A_221 = vector.shape_cast %parallel_loop3A_220 : vector<16x1xi32> to vector<16xi32>
        %parallel_loop3A_222 = tpu.dynamic_gather %gather3A_20[%parallel_loop3A_221] in [0] : vector<16xf32>, vector<16xi32> -> vector<16xf32>
        %parallel_loop3A_223 = arith.constant 16 : i32
        %parallel_loop3A_224 = arith.muli %parallel_loop3A_129, %parallel_loop3A_223 : i32
        %parallel_loop3A_225 = arith.constant 3 : i32
        %parallel_loop3A_226 = arith.index_cast %parallel_loop3A_225 : i32 to index
        %parallel_loop3A_227 = arith.index_cast %parallel_loop3A_224 : i32 to index
        %parallel_loop3A_228 = tpu.vector_load %arg10[%parallel_loop3A_226, %parallel_loop3A_227] {strides = array<i32>} : memref<20x64xf32, #tpu.memory_space<vmem>>, vector<16xf32>,
        tpu.vector_store %arg10[%parallel_loop3A_226, %parallel_loop3A_227], %parallel_loop3A_222 {strides = array<i32>} : memref<20x64xf32, #tpu.memory_space<vmem>>, vector<16xf32>,
        %parallel_loop3A_229 = arith.constant 0 : i32
        %parallel_loop3A_230 = vector.broadcast %parallel_loop3A_229 : i32 to vector<16xi32>
        %parallel_loop3A_231 = arith.cmpi slt, %parallel_loop3A_164, %parallel_loop3A_230 : vector<16xi32>
        %parallel_loop3A_232 = arith.constant 16 : i32
        %parallel_loop3A_233 = vector.broadcast %parallel_loop3A_232 : i32 to vector<16xi32>
        %parallel_loop3A_234 = arith.addi %parallel_loop3A_164, %parallel_loop3A_233 : vector<16xi32>
        %parallel_loop3A_235 = arith.select %parallel_loop3A_231, %parallel_loop3A_234, %parallel_loop3A_164 : vector<16xi1>, vector<16xi32>
        %parallel_loop3A_236 = vector.shape_cast %parallel_loop3A_235 : vector<16xi32> to vector<16x1xi32>
        %parallel_loop3A_237 = vector.shape_cast %parallel_loop3A_236 : vector<16x1xi32> to vector<16xi32>
        %parallel_loop3A_238 = tpu.dynamic_gather %gather3A_24[%parallel_loop3A_237] in [0] : vector<16xf32>, vector<16xi32> -> vector<16xf32>
        %parallel_loop3A_239 = arith.constant 16 : i32
        %parallel_loop3A_240 = arith.muli %parallel_loop3A_129, %parallel_loop3A_239 : i32
        %parallel_loop3A_241 = arith.constant 4 : i32
        %parallel_loop3A_242 = arith.index_cast %parallel_loop3A_241 : i32 to index
        %parallel_loop3A_243 = arith.index_cast %parallel_loop3A_240 : i32 to index
        %parallel_loop3A_244 = tpu.vector_load %arg10[%parallel_loop3A_242, %parallel_loop3A_243] {strides = array<i32>} : memref<20x64xf32, #tpu.memory_space<vmem>>, vector<16xf32>,
        tpu.vector_store %arg10[%parallel_loop3A_242, %parallel_loop3A_243], %parallel_loop3A_238 {strides = array<i32>} : memref<20x64xf32, #tpu.memory_space<vmem>>, vector<16xf32>,
        %parallel_loop3A_245 = arith.constant 0 : i32
        %parallel_loop3A_246 = vector.broadcast %parallel_loop3A_245 : i32 to vector<16xi32>
        %parallel_loop3A_247 = arith.cmpi slt, %parallel_loop3A_164, %parallel_loop3A_246 : vector<16xi32>
        %parallel_loop3A_248 = arith.constant 16 : i32
        %parallel_loop3A_249 = vector.broadcast %parallel_loop3A_248 : i32 to vector<16xi32>
        %parallel_loop3A_250 = arith.addi %parallel_loop3A_164, %parallel_loop3A_249 : vector<16xi32>
        %parallel_loop3A_251 = arith.select %parallel_loop3A_247, %parallel_loop3A_250, %parallel_loop3A_164 : vector<16xi1>, vector<16xi32>
        %parallel_loop3A_252 = vector.shape_cast %parallel_loop3A_251 : vector<16xi32> to vector<16x1xi32>
        %parallel_loop3A_253 = vector.shape_cast %parallel_loop3A_252 : vector<16x1xi32> to vector<16xi32>
        %parallel_loop3A_254 = tpu.dynamic_gather %gather3A_28[%parallel_loop3A_253] in [0] : vector<16xf32>, vector<16xi32> -> vector<16xf32>
        %parallel_loop3A_255 = arith.constant 16 : i32
        %parallel_loop3A_256 = arith.muli %parallel_loop3A_129, %parallel_loop3A_255 : i32
        %parallel_loop3A_257 = arith.constant 5 : i32
        %parallel_loop3A_258 = arith.index_cast %parallel_loop3A_257 : i32 to index
        %parallel_loop3A_259 = arith.index_cast %parallel_loop3A_256 : i32 to index
        %parallel_loop3A_260 = tpu.vector_load %arg10[%parallel_loop3A_258, %parallel_loop3A_259] {strides = array<i32>} : memref<20x64xf32, #tpu.memory_space<vmem>>, vector<16xf32>,
        tpu.vector_store %arg10[%parallel_loop3A_258, %parallel_loop3A_259], %parallel_loop3A_254 {strides = array<i32>} : memref<20x64xf32, #tpu.memory_space<vmem>>, vector<16xf32>,
        %parallel_loop3A_261 = arith.constant 0 : i32
        %parallel_loop3A_262 = vector.broadcast %parallel_loop3A_261 : i32 to vector<16xi32>
        %parallel_loop3A_263 = arith.cmpi slt, %parallel_loop3A_164, %parallel_loop3A_262 : vector<16xi32>
        %parallel_loop3A_264 = arith.constant 16 : i32
        %parallel_loop3A_265 = vector.broadcast %parallel_loop3A_264 : i32 to vector<16xi32>
        %parallel_loop3A_266 = arith.addi %parallel_loop3A_164, %parallel_loop3A_265 : vector<16xi32>
        %parallel_loop3A_267 = arith.select %parallel_loop3A_263, %parallel_loop3A_266, %parallel_loop3A_164 : vector<16xi1>, vector<16xi32>
        %parallel_loop3A_268 = vector.shape_cast %parallel_loop3A_267 : vector<16xi32> to vector<16x1xi32>
        %parallel_loop3A_269 = vector.shape_cast %parallel_loop3A_268 : vector<16x1xi32> to vector<16xi32>
        %parallel_loop3A_270 = tpu.dynamic_gather %gather3A_32[%parallel_loop3A_269] in [0] : vector<16xf32>, vector<16xi32> -> vector<16xf32>
        %parallel_loop3A_271 = arith.constant 16 : i32
        %parallel_loop3A_272 = arith.muli %parallel_loop3A_129, %parallel_loop3A_271 : i32
        %parallel_loop3A_273 = arith.constant 6 : i32
        %parallel_loop3A_274 = arith.index_cast %parallel_loop3A_273 : i32 to index
        %parallel_loop3A_275 = arith.index_cast %parallel_loop3A_272 : i32 to index
        %parallel_loop3A_276 = tpu.vector_load %arg10[%parallel_loop3A_274, %parallel_loop3A_275] {strides = array<i32>} : memref<20x64xf32, #tpu.memory_space<vmem>>, vector<16xf32>,
        tpu.vector_store %arg10[%parallel_loop3A_274, %parallel_loop3A_275], %parallel_loop3A_270 {strides = array<i32>} : memref<20x64xf32, #tpu.memory_space<vmem>>, vector<16xf32>,
        %parallel_loop3A_277 = arith.constant 0 : i32
        %parallel_loop3A_278 = vector.broadcast %parallel_loop3A_277 : i32 to vector<16xi32>
        %parallel_loop3A_279 = arith.cmpi slt, %parallel_loop3A_164, %parallel_loop3A_278 : vector<16xi32>
        %parallel_loop3A_280 = arith.constant 16 : i32
        %parallel_loop3A_281 = vector.broadcast %parallel_loop3A_280 : i32 to vector<16xi32>
        %parallel_loop3A_282 = arith.addi %parallel_loop3A_164, %parallel_loop3A_281 : vector<16xi32>
        %parallel_loop3A_283 = arith.select %parallel_loop3A_279, %parallel_loop3A_282, %parallel_loop3A_164 : vector<16xi1>, vector<16xi32>
        %parallel_loop3A_284 = vector.shape_cast %parallel_loop3A_283 : vector<16xi32> to vector<16x1xi32>
        %parallel_loop3A_285 = vector.shape_cast %parallel_loop3A_284 : vector<16x1xi32> to vector<16xi32>
        %parallel_loop3A_286 = tpu.dynamic_gather %gather3A_36[%parallel_loop3A_285] in [0] : vector<16xf32>, vector<16xi32> -> vector<16xf32>
        %parallel_loop3A_287 = arith.constant 16 : i32
        %parallel_loop3A_288 = arith.muli %parallel_loop3A_129, %parallel_loop3A_287 : i32
        %parallel_loop3A_289 = arith.constant 7 : i32
        %parallel_loop3A_290 = arith.index_cast %parallel_loop3A_289 : i32 to index
        %parallel_loop3A_291 = arith.index_cast %parallel_loop3A_288 : i32 to index
        %parallel_loop3A_292 = tpu.vector_load %arg10[%parallel_loop3A_290, %parallel_loop3A_291] {strides = array<i32>} : memref<20x64xf32, #tpu.memory_space<vmem>>, vector<16xf32>,
        tpu.vector_store %arg10[%parallel_loop3A_290, %parallel_loop3A_291], %parallel_loop3A_286 {strides = array<i32>} : memref<20x64xf32, #tpu.memory_space<vmem>>, vector<16xf32>,
        %parallel_loop3A_293 = arith.constant 0 : i32
        %parallel_loop3A_294 = vector.broadcast %parallel_loop3A_293 : i32 to vector<16xi32>
        %parallel_loop3A_295 = arith.cmpi slt, %parallel_loop3A_164, %parallel_loop3A_294 : vector<16xi32>
        %parallel_loop3A_296 = arith.constant 16 : i32
        %parallel_loop3A_297 = vector.broadcast %parallel_loop3A_296 : i32 to vector<16xi32>
        %parallel_loop3A_298 = arith.addi %parallel_loop3A_164, %parallel_loop3A_297 : vector<16xi32>
        %parallel_loop3A_299 = arith.select %parallel_loop3A_295, %parallel_loop3A_298, %parallel_loop3A_164 : vector<16xi1>, vector<16xi32>
        %parallel_loop3A_300 = vector.shape_cast %parallel_loop3A_299 : vector<16xi32> to vector<16x1xi32>
        %parallel_loop3A_301 = vector.shape_cast %parallel_loop3A_300 : vector<16x1xi32> to vector<16xi32>
        %parallel_loop3A_302 = tpu.dynamic_gather %gather3A_40[%parallel_loop3A_301] in [0] : vector<16xf32>, vector<16xi32> -> vector<16xf32>
        %parallel_loop3A_303 = arith.constant 16 : i32
        %parallel_loop3A_304 = arith.muli %parallel_loop3A_129, %parallel_loop3A_303 : i32
        %parallel_loop3A_305 = arith.constant 8 : i32
        %parallel_loop3A_306 = arith.index_cast %parallel_loop3A_305 : i32 to index
        %parallel_loop3A_307 = arith.index_cast %parallel_loop3A_304 : i32 to index
        %parallel_loop3A_308 = tpu.vector_load %arg10[%parallel_loop3A_306, %parallel_loop3A_307] {strides = array<i32>} : memref<20x64xf32, #tpu.memory_space<vmem>>, vector<16xf32>,
        tpu.vector_store %arg10[%parallel_loop3A_306, %parallel_loop3A_307], %parallel_loop3A_302 {strides = array<i32>} : memref<20x64xf32, #tpu.memory_space<vmem>>, vector<16xf32>,
        %parallel_loop3A_309 = arith.constant 0 : i32
        %parallel_loop3A_310 = vector.broadcast %parallel_loop3A_309 : i32 to vector<16xi32>
        %parallel_loop3A_311 = arith.cmpi slt, %parallel_loop3A_164, %parallel_loop3A_310 : vector<16xi32>
        %parallel_loop3A_312 = arith.constant 16 : i32
        %parallel_loop3A_313 = vector.broadcast %parallel_loop3A_312 : i32 to vector<16xi32>
        %parallel_loop3A_314 = arith.addi %parallel_loop3A_164, %parallel_loop3A_313 : vector<16xi32>
        %parallel_loop3A_315 = arith.select %parallel_loop3A_311, %parallel_loop3A_314, %parallel_loop3A_164 : vector<16xi1>, vector<16xi32>
        %parallel_loop3A_316 = vector.shape_cast %parallel_loop3A_315 : vector<16xi32> to vector<16x1xi32>
        %parallel_loop3A_317 = vector.shape_cast %parallel_loop3A_316 : vector<16x1xi32> to vector<16xi32>
        %parallel_loop3A_318 = tpu.dynamic_gather %gather3A_44[%parallel_loop3A_317] in [0] : vector<16xf32>, vector<16xi32> -> vector<16xf32>
        %parallel_loop3A_319 = arith.constant 16 : i32
        %parallel_loop3A_320 = arith.muli %parallel_loop3A_129, %parallel_loop3A_319 : i32
        %parallel_loop3A_321 = arith.constant 9 : i32
        %parallel_loop3A_322 = arith.index_cast %parallel_loop3A_321 : i32 to index
        %parallel_loop3A_323 = arith.index_cast %parallel_loop3A_320 : i32 to index
        %parallel_loop3A_324 = tpu.vector_load %arg10[%parallel_loop3A_322, %parallel_loop3A_323] {strides = array<i32>} : memref<20x64xf32, #tpu.memory_space<vmem>>, vector<16xf32>,
        tpu.vector_store %arg10[%parallel_loop3A_322, %parallel_loop3A_323], %parallel_loop3A_318 {strides = array<i32>} : memref<20x64xf32, #tpu.memory_space<vmem>>, vector<16xf32>,
        %parallel_loop3A_325 = arith.constant 0 : i32
        %parallel_loop3A_326 = vector.broadcast %parallel_loop3A_325 : i32 to vector<16xi32>
        %parallel_loop3A_327 = arith.cmpi slt, %parallel_loop3A_164, %parallel_loop3A_326 : vector<16xi32>
        %parallel_loop3A_328 = arith.constant 16 : i32
        %parallel_loop3A_329 = vector.broadcast %parallel_loop3A_328 : i32 to vector<16xi32>
        %parallel_loop3A_330 = arith.addi %parallel_loop3A_164, %parallel_loop3A_329 : vector<16xi32>
        %parallel_loop3A_331 = arith.select %parallel_loop3A_327, %parallel_loop3A_330, %parallel_loop3A_164 : vector<16xi1>, vector<16xi32>
        %parallel_loop3A_332 = vector.shape_cast %parallel_loop3A_331 : vector<16xi32> to vector<16x1xi32>
        %parallel_loop3A_333 = vector.shape_cast %parallel_loop3A_332 : vector<16x1xi32> to vector<16xi32>
        %parallel_loop3A_334 = tpu.dynamic_gather %gather3A_48[%parallel_loop3A_333] in [0] : vector<16xf32>, vector<16xi32> -> vector<16xf32>
        %parallel_loop3A_335 = arith.constant 16 : i32
        %parallel_loop3A_336 = arith.muli %parallel_loop3A_129, %parallel_loop3A_335 : i32
        %parallel_loop3A_337 = arith.constant 10 : i32
        %parallel_loop3A_338 = arith.index_cast %parallel_loop3A_337 : i32 to index
        %parallel_loop3A_339 = arith.index_cast %parallel_loop3A_336 : i32 to index
        %parallel_loop3A_340 = tpu.vector_load %arg10[%parallel_loop3A_338, %parallel_loop3A_339] {strides = array<i32>} : memref<20x64xf32, #tpu.memory_space<vmem>>, vector<16xf32>,
        tpu.vector_store %arg10[%parallel_loop3A_338, %parallel_loop3A_339], %parallel_loop3A_334 {strides = array<i32>} : memref<20x64xf32, #tpu.memory_space<vmem>>, vector<16xf32>,
        %parallel_loop3A_341 = arith.constant 0 : i32
        %parallel_loop3A_342 = vector.broadcast %parallel_loop3A_341 : i32 to vector<16xi32>
        %parallel_loop3A_343 = arith.cmpi slt, %parallel_loop3A_164, %parallel_loop3A_342 : vector<16xi32>
        %parallel_loop3A_344 = arith.constant 16 : i32
        %parallel_loop3A_345 = vector.broadcast %parallel_loop3A_344 : i32 to vector<16xi32>
        %parallel_loop3A_346 = arith.addi %parallel_loop3A_164, %parallel_loop3A_345 : vector<16xi32>
        %parallel_loop3A_347 = arith.select %parallel_loop3A_343, %parallel_loop3A_346, %parallel_loop3A_164 : vector<16xi1>, vector<16xi32>
        %parallel_loop3A_348 = vector.shape_cast %parallel_loop3A_347 : vector<16xi32> to vector<16x1xi32>
        %parallel_loop3A_349 = vector.shape_cast %parallel_loop3A_348 : vector<16x1xi32> to vector<16xi32>
        %parallel_loop3A_350 = tpu.dynamic_gather %gather3A_52[%parallel_loop3A_349] in [0] : vector<16xf32>, vector<16xi32> -> vector<16xf32>
        %parallel_loop3A_351 = arith.constant 16 : i32
        %parallel_loop3A_352 = arith.muli %parallel_loop3A_129, %parallel_loop3A_351 : i32
        %parallel_loop3A_353 = arith.constant 11 : i32
        %parallel_loop3A_354 = arith.index_cast %parallel_loop3A_353 : i32 to index
        %parallel_loop3A_355 = arith.index_cast %parallel_loop3A_352 : i32 to index
        %parallel_loop3A_356 = tpu.vector_load %arg10[%parallel_loop3A_354, %parallel_loop3A_355] {strides = array<i32>} : memref<20x64xf32, #tpu.memory_space<vmem>>, vector<16xf32>,
        tpu.vector_store %arg10[%parallel_loop3A_354, %parallel_loop3A_355], %parallel_loop3A_350 {strides = array<i32>} : memref<20x64xf32, #tpu.memory_space<vmem>>, vector<16xf32>,
        %parallel_loop3A_357 = arith.constant 0 : i32
        %parallel_loop3A_358 = vector.broadcast %parallel_loop3A_357 : i32 to vector<16xi32>
        %parallel_loop3A_359 = arith.cmpi slt, %parallel_loop3A_164, %parallel_loop3A_358 : vector<16xi32>
        %parallel_loop3A_360 = arith.constant 16 : i32
        %parallel_loop3A_361 = vector.broadcast %parallel_loop3A_360 : i32 to vector<16xi32>
        %parallel_loop3A_362 = arith.addi %parallel_loop3A_164, %parallel_loop3A_361 : vector<16xi32>
        %parallel_loop3A_363 = arith.select %parallel_loop3A_359, %parallel_loop3A_362, %parallel_loop3A_164 : vector<16xi1>, vector<16xi32>
        %parallel_loop3A_364 = vector.shape_cast %parallel_loop3A_363 : vector<16xi32> to vector<16x1xi32>
        %parallel_loop3A_365 = vector.shape_cast %parallel_loop3A_364 : vector<16x1xi32> to vector<16xi32>
        %parallel_loop3A_366 = tpu.dynamic_gather %gather3A_56[%parallel_loop3A_365] in [0] : vector<16xf32>, vector<16xi32> -> vector<16xf32>
        %parallel_loop3A_367 = arith.constant 16 : i32
        %parallel_loop3A_368 = arith.muli %parallel_loop3A_129, %parallel_loop3A_367 : i32
        %parallel_loop3A_369 = arith.constant 12 : i32
        %parallel_loop3A_370 = arith.index_cast %parallel_loop3A_369 : i32 to index
        %parallel_loop3A_371 = arith.index_cast %parallel_loop3A_368 : i32 to index
        %parallel_loop3A_372 = tpu.vector_load %arg10[%parallel_loop3A_370, %parallel_loop3A_371] {strides = array<i32>} : memref<20x64xf32, #tpu.memory_space<vmem>>, vector<16xf32>,
        tpu.vector_store %arg10[%parallel_loop3A_370, %parallel_loop3A_371], %parallel_loop3A_366 {strides = array<i32>} : memref<20x64xf32, #tpu.memory_space<vmem>>, vector<16xf32>,
        %parallel_loop3A_373 = arith.constant 0 : i32
        %parallel_loop3A_374 = vector.broadcast %parallel_loop3A_373 : i32 to vector<16xi32>
        %parallel_loop3A_375 = arith.cmpi slt, %parallel_loop3A_164, %parallel_loop3A_374 : vector<16xi32>
        %parallel_loop3A_376 = arith.constant 16 : i32
        %parallel_loop3A_377 = vector.broadcast %parallel_loop3A_376 : i32 to vector<16xi32>
        %parallel_loop3A_378 = arith.addi %parallel_loop3A_164, %parallel_loop3A_377 : vector<16xi32>
        %parallel_loop3A_379 = arith.select %parallel_loop3A_375, %parallel_loop3A_378, %parallel_loop3A_164 : vector<16xi1>, vector<16xi32>
        %parallel_loop3A_380 = vector.shape_cast %parallel_loop3A_379 : vector<16xi32> to vector<16x1xi32>
        %parallel_loop3A_381 = vector.shape_cast %parallel_loop3A_380 : vector<16x1xi32> to vector<16xi32>
        %parallel_loop3A_382 = tpu.dynamic_gather %gather3A_60[%parallel_loop3A_381] in [0] : vector<16xf32>, vector<16xi32> -> vector<16xf32>
        %parallel_loop3A_383 = arith.constant 16 : i32
        %parallel_loop3A_384 = arith.muli %parallel_loop3A_129, %parallel_loop3A_383 : i32
        %parallel_loop3A_385 = arith.constant 13 : i32
        %parallel_loop3A_386 = arith.index_cast %parallel_loop3A_385 : i32 to index
        %parallel_loop3A_387 = arith.index_cast %parallel_loop3A_384 : i32 to index
        %parallel_loop3A_388 = tpu.vector_load %arg10[%parallel_loop3A_386, %parallel_loop3A_387] {strides = array<i32>} : memref<20x64xf32, #tpu.memory_space<vmem>>, vector<16xf32>,
        tpu.vector_store %arg10[%parallel_loop3A_386, %parallel_loop3A_387], %parallel_loop3A_382 {strides = array<i32>} : memref<20x64xf32, #tpu.memory_space<vmem>>, vector<16xf32>,
        %parallel_loop3A_389 = arith.constant 0 : i32
        %parallel_loop3A_390 = vector.broadcast %parallel_loop3A_389 : i32 to vector<16xi32>
        %parallel_loop3A_391 = arith.cmpi slt, %parallel_loop3A_164, %parallel_loop3A_390 : vector<16xi32>
        %parallel_loop3A_392 = arith.constant 16 : i32
        %parallel_loop3A_393 = vector.broadcast %parallel_loop3A_392 : i32 to vector<16xi32>
        %parallel_loop3A_394 = arith.addi %parallel_loop3A_164, %parallel_loop3A_393 : vector<16xi32>
        %parallel_loop3A_395 = arith.select %parallel_loop3A_391, %parallel_loop3A_394, %parallel_loop3A_164 : vector<16xi1>, vector<16xi32>
        %parallel_loop3A_396 = vector.shape_cast %parallel_loop3A_395 : vector<16xi32> to vector<16x1xi32>
        %parallel_loop3A_397 = vector.shape_cast %parallel_loop3A_396 : vector<16x1xi32> to vector<16xi32>
        %parallel_loop3A_398 = tpu.dynamic_gather %gather3A_64[%parallel_loop3A_397] in [0] : vector<16xf32>, vector<16xi32> -> vector<16xf32>
        %parallel_loop3A_399 = arith.constant 16 : i32
        %parallel_loop3A_400 = arith.muli %parallel_loop3A_129, %parallel_loop3A_399 : i32
        %parallel_loop3A_401 = arith.constant 14 : i32
        %parallel_loop3A_402 = arith.index_cast %parallel_loop3A_401 : i32 to index
        %parallel_loop3A_403 = arith.index_cast %parallel_loop3A_400 : i32 to index
        %parallel_loop3A_404 = tpu.vector_load %arg10[%parallel_loop3A_402, %parallel_loop3A_403] {strides = array<i32>} : memref<20x64xf32, #tpu.memory_space<vmem>>, vector<16xf32>,
        tpu.vector_store %arg10[%parallel_loop3A_402, %parallel_loop3A_403], %parallel_loop3A_398 {strides = array<i32>} : memref<20x64xf32, #tpu.memory_space<vmem>>, vector<16xf32>,
        %parallel_loop3A_405 = arith.constant 0 : i32
        %parallel_loop3A_406 = vector.broadcast %parallel_loop3A_405 : i32 to vector<16xi32>
        %parallel_loop3A_407 = arith.cmpi slt, %parallel_loop3A_164, %parallel_loop3A_406 : vector<16xi32>
        %parallel_loop3A_408 = arith.constant 16 : i32
        %parallel_loop3A_409 = vector.broadcast %parallel_loop3A_408 : i32 to vector<16xi32>
        %parallel_loop3A_410 = arith.addi %parallel_loop3A_164, %parallel_loop3A_409 : vector<16xi32>
        %parallel_loop3A_411 = arith.select %parallel_loop3A_407, %parallel_loop3A_410, %parallel_loop3A_164 : vector<16xi1>, vector<16xi32>
        %parallel_loop3A_412 = vector.shape_cast %parallel_loop3A_411 : vector<16xi32> to vector<16x1xi32>
        %parallel_loop3A_413 = vector.shape_cast %parallel_loop3A_412 : vector<16x1xi32> to vector<16xi32>
        %parallel_loop3A_414 = tpu.dynamic_gather %gather3A_68[%parallel_loop3A_413] in [0] : vector<16xf32>, vector<16xi32> -> vector<16xf32>
        %parallel_loop3A_415 = arith.constant 16 : i32
        %parallel_loop3A_416 = arith.muli %parallel_loop3A_129, %parallel_loop3A_415 : i32
        %parallel_loop3A_417 = arith.constant 15 : i32
        %parallel_loop3A_418 = arith.index_cast %parallel_loop3A_417 : i32 to index
        %parallel_loop3A_419 = arith.index_cast %parallel_loop3A_416 : i32 to index
        %parallel_loop3A_420 = tpu.vector_load %arg10[%parallel_loop3A_418, %parallel_loop3A_419] {strides = array<i32>} : memref<20x64xf32, #tpu.memory_space<vmem>>, vector<16xf32>,
        tpu.vector_store %arg10[%parallel_loop3A_418, %parallel_loop3A_419], %parallel_loop3A_414 {strides = array<i32>} : memref<20x64xf32, #tpu.memory_space<vmem>>, vector<16xf32>,
        %parallel_loop3A_421 = arith.constant 0 : i32
        %parallel_loop3A_422 = vector.broadcast %parallel_loop3A_421 : i32 to vector<16xi32>
        %parallel_loop3A_423 = arith.cmpi slt, %parallel_loop3A_164, %parallel_loop3A_422 : vector<16xi32>
        %parallel_loop3A_424 = arith.constant 16 : i32
        %parallel_loop3A_425 = vector.broadcast %parallel_loop3A_424 : i32 to vector<16xi32>
        %parallel_loop3A_426 = arith.addi %parallel_loop3A_164, %parallel_loop3A_425 : vector<16xi32>
        %parallel_loop3A_427 = arith.select %parallel_loop3A_423, %parallel_loop3A_426, %parallel_loop3A_164 : vector<16xi1>, vector<16xi32>
        %parallel_loop3A_428 = vector.shape_cast %parallel_loop3A_427 : vector<16xi32> to vector<16x1xi32>
        %parallel_loop3A_429 = vector.shape_cast %parallel_loop3A_428 : vector<16x1xi32> to vector<16xi32>
        %parallel_loop3A_430 = tpu.dynamic_gather %gather3A_72[%parallel_loop3A_429] in [0] : vector<16xf32>, vector<16xi32> -> vector<16xf32>
        %parallel_loop3A_431 = arith.constant 16 : i32
        %parallel_loop3A_432 = arith.muli %parallel_loop3A_129, %parallel_loop3A_431 : i32
        %parallel_loop3A_433 = arith.constant 16 : i32
        %parallel_loop3A_434 = arith.index_cast %parallel_loop3A_433 : i32 to index
        %parallel_loop3A_435 = arith.index_cast %parallel_loop3A_432 : i32 to index
        %parallel_loop3A_436 = tpu.vector_load %arg10[%parallel_loop3A_434, %parallel_loop3A_435] {strides = array<i32>} : memref<20x64xf32, #tpu.memory_space<vmem>>, vector<16xf32>,
        tpu.vector_store %arg10[%parallel_loop3A_434, %parallel_loop3A_435], %parallel_loop3A_430 {strides = array<i32>} : memref<20x64xf32, #tpu.memory_space<vmem>>, vector<16xf32>,
        %parallel_loop3A_437 = arith.constant 0 : i32
        %parallel_loop3A_438 = vector.broadcast %parallel_loop3A_437 : i32 to vector<16xi32>
        %parallel_loop3A_439 = arith.cmpi slt, %parallel_loop3A_164, %parallel_loop3A_438 : vector<16xi32>
        %parallel_loop3A_440 = arith.constant 16 : i32
        %parallel_loop3A_441 = vector.broadcast %parallel_loop3A_440 : i32 to vector<16xi32>
        %parallel_loop3A_442 = arith.addi %parallel_loop3A_164, %parallel_loop3A_441 : vector<16xi32>
        %parallel_loop3A_443 = arith.select %parallel_loop3A_439, %parallel_loop3A_442, %parallel_loop3A_164 : vector<16xi1>, vector<16xi32>
        %parallel_loop3A_444 = vector.shape_cast %parallel_loop3A_443 : vector<16xi32> to vector<16x1xi32>
        %parallel_loop3A_445 = vector.shape_cast %parallel_loop3A_444 : vector<16x1xi32> to vector<16xi32>
        %parallel_loop3A_446 = tpu.dynamic_gather %gather3A_76[%parallel_loop3A_445] in [0] : vector<16xf32>, vector<16xi32> -> vector<16xf32>
        %parallel_loop3A_447 = arith.constant 16 : i32
        %parallel_loop3A_448 = arith.muli %parallel_loop3A_129, %parallel_loop3A_447 : i32
        %parallel_loop3A_449 = arith.constant 17 : i32
        %parallel_loop3A_450 = arith.index_cast %parallel_loop3A_449 : i32 to index
        %parallel_loop3A_451 = arith.index_cast %parallel_loop3A_448 : i32 to index
        %parallel_loop3A_452 = tpu.vector_load %arg10[%parallel_loop3A_450, %parallel_loop3A_451] {strides = array<i32>} : memref<20x64xf32, #tpu.memory_space<vmem>>, vector<16xf32>,
        tpu.vector_store %arg10[%parallel_loop3A_450, %parallel_loop3A_451], %parallel_loop3A_446 {strides = array<i32>} : memref<20x64xf32, #tpu.memory_space<vmem>>, vector<16xf32>,
        %parallel_loop3A_453 = arith.constant 0 : i32
        %parallel_loop3A_454 = vector.broadcast %parallel_loop3A_453 : i32 to vector<16xi32>
        %parallel_loop3A_455 = arith.cmpi slt, %parallel_loop3A_164, %parallel_loop3A_454 : vector<16xi32>
        %parallel_loop3A_456 = arith.constant 16 : i32
        %parallel_loop3A_457 = vector.broadcast %parallel_loop3A_456 : i32 to vector<16xi32>
        %parallel_loop3A_458 = arith.addi %parallel_loop3A_164, %parallel_loop3A_457 : vector<16xi32>
        %parallel_loop3A_459 = arith.select %parallel_loop3A_455, %parallel_loop3A_458, %parallel_loop3A_164 : vector<16xi1>, vector<16xi32>
        %parallel_loop3A_460 = vector.shape_cast %parallel_loop3A_459 : vector<16xi32> to vector<16x1xi32>
        %parallel_loop3A_461 = vector.shape_cast %parallel_loop3A_460 : vector<16x1xi32> to vector<16xi32>
        %parallel_loop3A_462 = tpu.dynamic_gather %gather3A_80[%parallel_loop3A_461] in [0] : vector<16xf32>, vector<16xi32> -> vector<16xf32>
        %parallel_loop3A_463 = arith.constant 16 : i32
        %parallel_loop3A_464 = arith.muli %parallel_loop3A_129, %parallel_loop3A_463 : i32
        %parallel_loop3A_465 = arith.constant 18 : i32
        %parallel_loop3A_466 = arith.index_cast %parallel_loop3A_465 : i32 to index
        %parallel_loop3A_467 = arith.index_cast %parallel_loop3A_464 : i32 to index
        %parallel_loop3A_468 = tpu.vector_load %arg10[%parallel_loop3A_466, %parallel_loop3A_467] {strides = array<i32>} : memref<20x64xf32, #tpu.memory_space<vmem>>, vector<16xf32>,
        tpu.vector_store %arg10[%parallel_loop3A_466, %parallel_loop3A_467], %parallel_loop3A_462 {strides = array<i32>} : memref<20x64xf32, #tpu.memory_space<vmem>>, vector<16xf32>,
        %parallel_loop3A_469 = arith.constant 0 : i32
        %parallel_loop3A_470 = vector.broadcast %parallel_loop3A_469 : i32 to vector<16xi32>
        %parallel_loop3A_471 = arith.cmpi slt, %parallel_loop3A_164, %parallel_loop3A_470 : vector<16xi32>
        %parallel_loop3A_472 = arith.constant 16 : i32
        %parallel_loop3A_473 = vector.broadcast %parallel_loop3A_472 : i32 to vector<16xi32>
        %parallel_loop3A_474 = arith.addi %parallel_loop3A_164, %parallel_loop3A_473 : vector<16xi32>
        %parallel_loop3A_475 = arith.select %parallel_loop3A_471, %parallel_loop3A_474, %parallel_loop3A_164 : vector<16xi1>, vector<16xi32>
        %parallel_loop3A_476 = vector.shape_cast %parallel_loop3A_475 : vector<16xi32> to vector<16x1xi32>
        %parallel_loop3A_477 = vector.shape_cast %parallel_loop3A_476 : vector<16x1xi32> to vector<16xi32>
        %parallel_loop3A_478 = tpu.dynamic_gather %gather3A_84[%parallel_loop3A_477] in [0] : vector<16xf32>, vector<16xi32> -> vector<16xf32>
        %parallel_loop3A_479 = arith.constant 16 : i32
        %parallel_loop3A_480 = arith.muli %parallel_loop3A_129, %parallel_loop3A_479 : i32
        %parallel_loop3A_481 = arith.constant 19 : i32
        %parallel_loop3A_482 = arith.index_cast %parallel_loop3A_481 : i32 to index
        %parallel_loop3A_483 = arith.index_cast %parallel_loop3A_480 : i32 to index
        %parallel_loop3A_484 = tpu.vector_load %arg10[%parallel_loop3A_482, %parallel_loop3A_483] {strides = array<i32>} : memref<20x64xf32, #tpu.memory_space<vmem>>, vector<16xf32>,
        tpu.vector_store %arg10[%parallel_loop3A_482, %parallel_loop3A_483], %parallel_loop3A_478 {strides = array<i32>} : memref<20x64xf32, #tpu.memory_space<vmem>>, vector<16xf32>,
      } {sc.loop_unroll_factor = 6 : i64, sc.parallel_access}
      "tpu.region"() ({
        %run_scoped3A = tpu.sem_alloc : memref<!tpu.dma_semaphore, #tpu.memory_space<semaphore_mem>>
        %dma_start3A_129 = arith.constant 0 : i32
        %dma_start3A_130 = arith.constant 999936 : i32
        %dma_start3A_131 = tpu.memref_slice %arg4[%dma_start3A_129, %dma_start3A_130] : memref<20x1000000xf32, #tpu.memory_space<hbm>> -> memref<20x64xf32, #tpu.memory_space<hbm>>
        %dma_start3A_132 = arith.constant 0 : i32
        %dma_start3A_133 = arith.constant 999936 : i32
        %dma_start3A_134 = tpu.memref_slice %arg4[%dma_start3A_132, %dma_start3A_133] : memref<20x1000000xf32, #tpu.memory_space<hbm>> -> memref<20x64xf32, #tpu.memory_space<hbm>>
        tpu.enqueue_dma source(%arg10 : memref<20x64xf32, #tpu.memory_space<vmem>>) target(%dma_start3A_134 : memref<20x64xf32, #tpu.memory_space<hbm>>) target_semaphore(%run_scoped3A : memref<!tpu.dma_semaphore, #tpu.memory_space<semaphore_mem>>)
        %dma_wait3A_135 = arith.constant 0 : i32
        %dma_wait3A_136 = arith.constant 999936 : i32
        %dma_wait3A_137 = tpu.memref_slice %arg4[%dma_wait3A_135, %dma_wait3A_136] : memref<20x1000000xf32, #tpu.memory_space<hbm>> -> memref<20x64xf32, #tpu.memory_space<hbm>>
        %dma_wait3A_138 = arith.constant 0 : i32
        %dma_wait3A_139 = arith.constant 999936 : i32
        %dma_wait3A_140 = tpu.memref_slice %arg4[%dma_wait3A_138, %dma_wait3A_139] : memref<20x1000000xf32, #tpu.memory_space<hbm>> -> memref<20x64xf32, #tpu.memory_space<hbm>>
        tpu.wait_dma2 semaphore(%run_scoped3A : memref<!tpu.dma_semaphore, #tpu.memory_space<semaphore_mem>>) src(%arg10 : memref<20x64xf32, #tpu.memory_space<vmem>>) dst(%dma_wait3A_140 : memref<20x64xf32, #tpu.memory_space<hbm>>)
        tpu.yield
      }) : () -> ()
    } else {
    }
    return
  }
}

</mosaic_0001>

<sc_bundles>
// kernel: kernel.3.cloned.1.call-start
scs
__scs_entry_jumppad:
0x0: {  	(pc) =	sbr.rel $0x88, $3  }
0x1: {  	(tag) =	ssettag $0x0;
	lr =	simm.s32 $0x1  }
0x2: {  	[smem:$0x3F9F] =	sst lr;
	_ =	strace $0xD0000000  }
0x3: {  	_ = 	snop  }
0x4: {  	_ = 	snop  }
0x5: {  	_ = 	snop  }
0x6: {  	_ = 	snop  }
0x7: {  	_ = 	snop  }
__scs_overlays_trampoline_lowered:
0x8: {  	[smem:$0x3FAE] =	sst s0  }
0x9: {  	[smem:$0x3FAF] =	sst s1  }
0xa: {  	[smem:$0x3FB0] =	sst s2  }
0xb: {  	[smem:$0x3FB1] =	sst s3  }
0xc: {  	[smem:$0x3FB2] =	sst s4  }
0xd: {  	[smem:$0x3FB3] =	sst s5  }
0xe: {  	[smem:$0x3FB4] =	sst s6  }
0xf: {  	[smem:$0x3FB5] =	sst s7  }
0x10: {  	[smem:$0x3FB6] =	sst s8  }
0x11: {  	[smem:$0x3FB7] =	sst s9;
	s0 =	simm.s32 @!p0 $0x0  }
0x12: {  	s1 =	sld [smem:$0x3F9D];
	s0 =	simm.s32 @p0 $0x1  }
0x13: {  	[smem:$0x3FB8] =	sst s0;
	s0 =	simm.s32 @!p1 $0x0  }
0x14: {  	s2 =	sld [smem:$0x3F9C];
	s0 =	simm.s32 @p1 $0x1  }
0x15: {  	[smem:$0x3FB9] =	sst s0;
	s0 =	simm.s32 @!p2 $0x0  }
0x16: {  	s3 =	sld [smem:$0x3FDB];
	s0 =	simm.s32 @p2 $0x1  }
0x17: {  	s4 =	simm.s32 $0x1BF5;
	[smem:$0x3FBB] =	sst s0  }
0x18: {  	s0 =	sld [smem:$0x3F9E];
	_ =	swait.ge [sflag:s4], $0x0  }
0x19: {  	s7 =	sld [smem:$0x3F9F]  }
0x1a: {  	s8 =	sadd.s32 $0xFFFFE003, lr  }
0x1b: {  	s9 =	sadd.s32 $0xFFFFFEF7, lr;
	s5 =	simm.s32 $0xFFFFFFFF;
	p2 =	slt.u32 s8, $0xFFFFF086  }
0x1c: {  	p1 =	slt.u32 s9, $0xF7A;
	s5 =	simm.s32 @!p2 $0x0  }
0x1d: {  	s5 =	simm.s32 @p1 $0x1;
	p0 =	seq.s32 s7, s2  }
0x1e: {  	s7 =	smul.u32 @!p0 $0xF7A, s2;
	p2 =	seq.s32 @!p0 s5, $0x0  }
0x1f: {  	s9 =	smul.u32 $0xF7A, s1;
	s8 =	simm.s32 @!p0 $0x1BF5;
	p2 =	por !p2, p0  }
0x20: {  	[sflag:s8] =	ssyncset.s32 @!p0 $0xFFFFF086;
	s6 =	sadd.s32 @!p0 s3, s7;
	s7 =	simm.s32 @!p0 $0x108  }
0x21: {  	s3 =	sadd.s32 s3, s9;
	s6 =	sadd.s32 @!p0 $0x88, s6;
	s7 =	simm.s32 @p2 $0x1082  }
0x22: {  	[simem:s7], [sflag:s8] =	dma.local @!p0 [hbm:s6], $0xF7A  }
0x23: {  	s9 =	sor.u32 $0xD0000000, s2;
	s6 =	simm.s32 $0x108;
	_ =	swait.ge @!p0 [sflag:s8], $0x0  }
0x24: {  	s3 =	sadd.s32 $0x88, s3;
	s6 =	simm.s32 @!p1 $0x1082;
	[sflag:s4] =	ssyncset.s32 $0xFFFFF086  }
0x25: {  	[simem:s6], [sflag:s4] =	dma.local [hbm:s3], $0xF7A  }
0x26: {  	[smem:$0x3F9F] =	sst s1;
	(tag) =	ssettag s2;
	_ =	strace s9  }
0x27: {  	s1 =	sld [smem:$0x3FAF]  }
0x28: {  	s2 =	sld [smem:$0x3FB0]  }
0x29: {  	s4 =	sld [smem:$0x3FB2]  }
0x2a: {  	p0 =	seq.s32 s5, $0x0;
	s5 =	sld [smem:$0x3FB3]  }
0x2b: {  	s6 =	sld [smem:$0x3FB4]  }
0x2c: {  	s7 =	sld [smem:$0x3FB5]  }
0x2d: {  	s3 =	simm.s32 $0x108;
	s8 =	sld [smem:$0x3FB6]  }
0x2e: {  	s3 =	simm.s32 @!p0 $0x1082;
	s9 =	sld [smem:$0x3FB7]  }
0x2f: {  	lr =	sadd.s32 s0, s3;
	s0 =	sld [smem:$0x3FAE]  }
0x30: {  	s3 =	sld [smem:$0x3FB1]  }
0x31: {  	[smem:$0x3FBA] =	sst s10  }
0x32: {  	s10 =	sld [smem:$0x3FB8];
	_ =	sdelay $0x3  }
0x33: {  	p0 =	seq.s32 s10, $0x1;
	s10 =	sld [smem:$0x3FBA];
	_ =	sdelay $0x3  }
0x34: {  	[smem:$0x3FBA] =	sst s10  }
0x35: {  	s10 =	sld [smem:$0x3FB9];
	_ =	sdelay $0x3  }
0x36: {  	p1 =	seq.s32 s10, $0x1;
	s10 =	sld [smem:$0x3FBA];
	_ =	sdelay $0x3  }
0x37: {  	[smem:$0x3FBA] =	sst s10  }
0x38: {  	s10 =	sld [smem:$0x3FBB]  }
0x39: {  	_ = 	snop;
	(pc) =	sbr.ind lr, $3  }
0x3a: {  	_ = 	snop  }
0x3b: {  	_ = 	snop  }
0x3c: {  	p2 =	seq.s32 s10, $0x1;
	s10 =	sld [smem:$0x3FBA]  }
0x3d: {  	_ =	shalt  }
0x3e: {  	_ =	shalt  }
0x3f: {  	_ =	shalt  }
0x40: {  	_ =	shalt  }
0x41: {  	_ =	shalt  }
0x42: {  	_ =	shalt  }
0x43: {  	_ =	shalt  }
0x44: {  	_ =	shalt  }
0x45: {  	_ =	shalt  }
0x46: {  	_ =	shalt  }
0x47: {  	_ =	shalt  }
0x48: {  	_ =	shalt  }
0x49: {  	_ =	shalt  }
0x4a: {  	_ =	shalt  }
0x4b: {  	_ =	shalt  }
0x4c: {  	_ =	shalt  }
0x4d: {  	_ =	shalt  }
0x4e: {  	_ =	shalt  }
0x4f: {  	_ =	shalt  }
0x50: {  	_ =	shalt  }
0x51: {  	_ =	shalt  }
0x52: {  	_ =	shalt  }
0x53: {  	_ =	shalt  }
0x54: {  	_ =	shalt  }
0x55: {  	_ =	shalt  }
0x56: {  	_ =	shalt  }
0x57: {  	_ =	shalt  }
0x58: {  	_ =	shalt  }
0x59: {  	_ =	shalt  }
0x5a: {  	_ =	shalt  }
0x5b: {  	_ =	shalt  }
0x5c: {  	_ =	shalt  }
0x5d: {  	_ =	shalt  }
0x5e: {  	_ =	shalt  }
0x5f: {  	_ =	shalt  }
0x60: {  	_ =	shalt  }
0x61: {  	_ =	shalt  }
0x62: {  	_ =	shalt  }
0x63: {  	_ =	shalt  }
0x64: {  	_ =	shalt  }
0x65: {  	_ =	shalt  }
0x66: {  	_ =	shalt  }
0x67: {  	_ =	shalt  }
0x68: {  	_ =	shalt  }
0x69: {  	_ =	shalt  }
0x6a: {  	_ =	shalt  }
0x6b: {  	_ =	shalt  }
0x6c: {  	_ =	shalt  }
0x6d: {  	_ =	shalt  }
0x6e: {  	_ =	shalt  }
0x6f: {  	_ =	shalt  }
0x70: {  	_ =	shalt  }
0x71: {  	_ =	shalt  }
0x72: {  	_ =	shalt  }
0x73: {  	_ =	shalt  }
0x74: {  	_ =	shalt  }
0x75: {  	_ =	shalt  }
0x76: {  	_ =	shalt  }
0x77: {  	_ =	shalt  }
0x78: {  	_ =	shalt  }
0x79: {  	_ =	shalt  }
0x7a: {  	_ =	shalt  }
0x7b: {  	_ =	shalt  }
0x7c: {  	_ =	shalt  }
0x7d: {  	_ =	shalt  }
0x7e: {  	_ =	shalt  }
0x7f: {  	_ =	shalt  }
0x80: {  	_ =	shalt  }
0x81: {  	_ =	shalt  }
0x82: {  	_ =	shalt  }
0x83: {  	_ =	shalt  }
0x84: {  	_ =	shalt  }
0x85: {  	_ =	shalt  }
0x86: {  	_ =	shalt  }
0x87: {  	_ =	shalt  }
.Lfunc_end0:
.L_simem_size_0:
called_computation_lowered:
.L_overlay_start_0:
0x88: {  	s2 =	sld [smem:$0x3FD9]  }
0x89: {  	s3 =	sld [smem:$0x3FFE];
	_ =	sdelay $0x1  }
0x8a: {  	s1 =	srdreg.scid  }
0x8b: {  	s0 =	sand.u32 $0x1, s1  }
0x8c: {  	s17 =	sshll.u32 s0, $0xA;
	s2 =	sadd.s32 s3, s2  }
0x8d: {  	s2 =	sadd.s32 s2, s17  }
0x8e: {  	[smem:$0x3FC6] =	sst s2  }
0x8f: {  	_ = 	snop  }
0x90: {  	s2 =	sld [smem:$0x3FC9]  }
0x91: {  	s18 =	sld [smem:$0x3FD0];
	(tm) =	ssettm $0x1  }
0x92: {  	s4 =	sld [smem:$0x3FFB];
	_ =	sdelay $0x3  }
0x93: {  	_ =	strace s4  }
0x94: {  	s4 =	sld [smem:$0x3FFC];
	_ =	sdelay $0x3  }
0x95: {  	_ =	strace s4  }
0x96: {  	s4 =	sld [smem:$0x3FFD];
	_ =	sdelay $0x3  }
0x97: {  	_ =	strace s4  }
0x98: {  	_ =	strace $0x8FFFFFFF  }
0x99: {  	s19 =	sld [smem:$0x3FDB];
	_ =	sdelay $0x1  }
0x9a: {  	s5 =	simm.s32 $_scs_section_size  }
0x9b: {  	s6 =	simm.s32 $_size__tile_overlayer_lowered;
	s7 =	simm.s32 $_tile_overlayer_lowered  }
0x9c: {  	s22 =	simm.s32 $0x1BFF;
	s21 =	sshll.u32 s7, $0x1;
	s4 =	sadd.s32 s5, s19  }
0x9d: {  	s8 =	simm.s32 $0x0;
	s20 =	sshll.u32 s6, $0x1;
	s6 =	sadd.s32 s21, s4  }
0x9e: {  	[timem:s8], [sflag:s22] =	dma.local [hbm:s6], s20  }
0x9f: {  	_ =	swait.ge [sflag:s22], s20  }
0xa0: {  	s5 =	ssub.s32 $0x0, s20;
	[sflag:s22] =	ssyncset.done $0x0  }
0xa1: {  	[sflag:s22] =	ssyncadd.s32 s5;
	_ =	sdelay $0x1  }
0xa2: {  	s23 =	simm.s32 $0x1B8B  }
0xa3: {  	_ =	swait.ge [sflag:s23], $0x1  }
0xa4: {  	[sflag:s23] =	ssyncset.done $0x0  }
0xa5: {  	s25 =	simm.s32 $0x1B8E;
	s24 =	sld [smem:$0x3FFE];
	[sflag:s23] =	ssyncadd.s32 $0xFFFFFFFF  }
0xa6: {  	s26 =	simm.s32 $execute0_lowered;
	[smem:$0x3FD2] =	sst s25  }
0xa7: {  	s6 =	sshll.u32 s26, $0x1;
	_ =	strace $0x80000046;
	[dreg:$0x1] =	wrdreg $0xFFFFFFFF  }
0xa8: {  	s28 =	simm.s32 $_size_execute0_lowered;
	s4 =	sadd.s32 s4, s6;
	[dreg:$0x0] =	wrdreg $0x0  }
0xa9: {  	s6 =	sshll.u32 s28, $0x1;
	[dreg:$0x2] =	wrdreg s4  }
0xaa: {  	[dreg:$0x3] =	wrdreg s6  }
0xab: {  	[dreg:$0x4] =	wrdreg $0xC0  }
0xac: {  	_ =	task [dreg:s8], $0x5FFFF  }
0xad: {  	[dreg:$0x1] =	wrdreg $0xFFFFFFFF  }
0xae: {  	[dreg:$0x0] =	wrdreg $0x60  }
0xaf: {  	[dreg:$0x2] =	wrdreg s2  }
0xb0: {  	[dreg:$0x3] =	wrdreg s24  }
0xb1: {  	[dreg:$0x4] =	wrdreg s18  }
0xb2: {  	[dreg:$0x5] =	wrdreg $0x9  }
0xb3: {  	_ =	task.clear_ibuf [dreg:s8], $0x6FFFF;
	_ =	strace $0x90000046  }
0xb4: {  	s29 =	simm.s32 $0x9;
	_ =	strace $0x80000048  }
0xb5: {  	_ =	swait.ge [sflag:s29], $0x1  }
0xb6: {  	[sflag:s29] =	ssyncadd.s32 $0xFFFFFFFF  }
0xb7: {  	_ =	strace $0x90000048  }
0xb8: {  	_ =	sfence  }
0xb9: {  	s30 =	sld [smem:$0x0];
	_ =	sdelay $0x2  }
0xba: {  	s31 =	sshll.u32 s1, $0xD;
	s1 =	sshrl.u32 s1, $0x2  }
0xbb: {  	s3 =	sand.u32 $0x4000, s31;
	s1 =	sadd.s32 s1, s30  }
0xbc: {  	s0 =	sor.u32 s3, s0;
	s1 =	sshll.u32 s1, $0x11  }
0xbd: {  	s0 =	sor.u32 s1, s0  }
0xbe: {  	s0 =	sadd.s32 $0x8F2B, s0  }
0xbf: {  	[sflag:s0] =	ssyncadd.remote.s32 $0x1  }
0xc0: {  	_ =	sfence.sel $0xFFFF  }
0xc1: {  	[dreg:$0x0] =	wrdreg $0xFFFFFFFF;
	(pc) =	sbr.abs _section_cstart, $3  }
0xc2: {  	[dreg:$0x1] =	wrdreg $0xFFFFFFFF  }
0xc3: {  	_ =	task.clear_ibuf [dreg:s8], $0x2FFFF;
	_ =	strace $0x9FFFFFFF  }
0xc4: {  	(tm) =	ssettm $0x7FFFFFFF  }
0xc5: {  	_ =	shalt  }
tec
execute0_lowered:
.L_overlay_start_1:
0x0: {  	(tag) =	ssettag $0x1  }
0x1: {  	v0 =	vimm.s32 $0x3C281400  }
0x2: {  	v1 =	vimm.s32 $0x8C786450;
	vm2 =	vcmask $0xF00;
	v2 =	vimm.s32 $0x3D291501  }
0x3: {  	v3 =	vimm.s32 $0x8D796551;
	vm1 =	vcmask $0x1F10;
	vm0 =	vcmask $0x2320  }
0x4: {  	v4 =	vimm.s32 $0x3F2B1703;
	v5 =	vimm.s32 $0x8F7B6753;
	v6 =	vimm.s32 $0x402C1804  }
0x5: {  	v7 =	vimm.s32 $0x907C6854;
	v8 =	vimm.s32 $0x432F1B07;
	v9 =	vimm.s32 $0x937F6B57  }
0x6: {  	v10 =	vimm.s32 $0x44301C08;
	v11 =	vimm.s32 $0x94806C58;
	v12 =	vimm.s32 $0x96826E5A  }
0x7: {  	v13 =	vimm.s32 $0x47331F0B;
	v14 =	vimm.s32 $0x97836F5B;
	v15 =	vimm.s32 $0x4834200C  }
0x8: {  	v16 =	vimm.s32 $0x4A36220E;
	v17 =	vimm.s32 $0x9A86725E;
	v18 =	vimm.s32 $0x4B37230F  }
0x9: {  	v19 =	vimm.s32 $0x4D392511;
	v20 =	vimm.s32 $0x9D897561;
	v21 =	vimm.s32 $0x9E8A7662  }
0xa: {  	v22 =	vimm.s32 $0x9F8B7763;
	v0 =	vunpack.c.0.s8.s32 v0;
	v1 =	vunpack.c.0.s8.s32 v1  }
0xb: {  	v2 =	vunpack.c.0.s8.s32 v2;
	v3 =	vunpack.c.0.s8.s32 v3;
	v4 =	vunpack.c.0.s8.s32 v4  }
0xc: {  	v5 =	vunpack.c.0.s8.s32 v5;
	v6 =	vunpack.c.0.s8.s32 v6;
	v8 =	vunpack.c.0.s8.s32 v8  }
0xd: {  	v9 =	vunpack.c.0.s8.s32 v9;
	v10 =	vunpack.c.0.s8.s32 v10;
	v11 =	vunpack.c.0.s8.s32 v11  }
0xe: {  	v12 =	vunpack.c.0.s8.s32 v12;
	v13 =	vunpack.c.0.s8.s32 v13;
	v14 =	vunpack.c.0.s8.s32 v14  }
0xf: {  	v15 =	vunpack.c.0.s8.s32 v15;
	v0 =	vnsel vm2, $0xB4, v0;
	v1 =	vand.u32 $0xFF, v1  }
0x10: {  	v0 =	vsel vm1, v1, v0;
	v1 =	vnsel vm2, $0xB5, v2;
	v2 =	vand.u32 $0xFF, v3  }
0x11: {  	v3 =	vimm.s32 $0x8E7A6652;
	v1 =	vsel vm1, v2, v1;
	v2 =	vimm.s32 $0x3E2A1602  }
0x12: {  	v16 =	vunpack.c.0.s8.s32 v16;
	v3 =	vunpack.c.0.s8.s32 v3;
	v2 =	vunpack.c.0.s8.s32 v2  }
0x13: {  	v17 =	vunpack.c.0.s8.s32 v17;
	v18 =	vunpack.c.0.s8.s32 v18;
	v4 =	vnsel vm2, $0xB7, v4  }
0x14: {  	v5 =	vand.u32 $0xFF, v5;
	v3 =	vand.u32 $0xFF, v3;
	v2 =	vnsel vm2, $0xB6, v2  }
0x15: {  	v2 =	vsel vm1, v3, v2;
	v3 =	vsel vm1, v5, v4;
	v4 =	vunpack.c.0.s8.s32 v7  }
0x16: {  	v5 =	vnsel vm2, $0xB8, v6;
	v6 =	vimm.s32 $0x412D1905;
	v7 =	vimm.s32 $0x917D6955  }
0x17: {  	v19 =	vunpack.c.0.s8.s32 v19;
	v6 =	vunpack.c.0.s8.s32 v6;
	v7 =	vunpack.c.0.s8.s32 v7  }
0x18: {  	v20 =	vunpack.c.0.s8.s32 v20;
	v21 =	vunpack.c.0.s8.s32 v21;
	v4 =	vand.u32 $0xFF, v4  }
0x19: {  	v4 =	vsel vm1, v4, v5;
	v5 =	vnsel vm2, $0xB9, v6;
	v6 =	vand.u32 $0xFF, v7  }
0x1a: {  	v7 =	vimm.s32 $0x927E6A56;
	v5 =	vsel vm1, v6, v5;
	v6 =	vimm.s32 $0x422E1A06  }
0x1b: {  	v63 =	vunpack.c.0.s8.s32 v22;
	v7 =	vunpack.c.0.s8.s32 v7;
	v6 =	vunpack.c.0.s8.s32 v6  }
0x1c: {  	v8 =	vnsel vm2, $0xBB, v8;
	v9 =	vand.u32 $0xFF, v9;
	v12 =	vand.u32 $0xFF, v12  }
0x1d: {  	v13 =	vnsel vm2, $0xBF, v13;
	v7 =	vand.u32 $0xFF, v7;
	v6 =	vnsel vm2, $0xBA, v6  }
0x1e: {  	v14 =	vand.u32 $0xFF, v14;
	v6 =	vsel vm1, v7, v6;
	v7 =	vsel vm1, v9, v8  }
0x1f: {  	v8 =	vimm.s32 $0x45311D09;
	v9 =	vnsel vm2, $0xBC, v10;
	v10 =	vand.u32 $0xFF, v11  }
0x20: {  	v11 =	vimm.s32 $0x46321E0A;
	v9 =	vsel vm1, v10, v9;
	v10 =	vimm.s32 $0x95816D59  }
0x21: {  	v8 =	vunpack.c.0.s8.s32 v8;
	v11 =	vunpack.c.0.s8.s32 v11;
	v10 =	vunpack.c.0.s8.s32 v10  }
0x22: {  	v16 =	vnsel vm2, $0xC2, v16;
	v17 =	vand.u32 $0xFF, v17;
	v0 =	vsel vm0, $0xA0, v0  }
0x23: {  	v8 =	vnsel vm2, $0xBD, v8;
	v11 =	vnsel vm2, $0xBE, v11;
	v10 =	vand.u32 $0xFF, v10  }
0x24: {  	v11 =	vsel vm1, v12, v11;
	v12 =	vsel vm1, v14, v13;
	v13 =	vimm.s32 $0x9884705C  }
0x25: {  	v14 =	vimm.s32 $0x4935210D;
	v10 =	vsel vm1, v10, v8;
	v8 =	vnsel vm2, $0xC0, v15  }
0x26: {  	v13 =	vunpack.c.0.s8.s32 v13;
	v14 =	vunpack.c.0.s8.s32 v14;
	v15 =	vimm.s32 $0x9985715D  }
0x27: {  	v1 =	vsel vm0, $0xA1, v1;
	v2 =	vsel vm0, $0xA2, v2;
	v15 =	vunpack.c.0.s8.s32 v15  }
0x28: {  	v3 =	vsel vm0, $0xA3, v3;
	v13 =	vand.u32 $0xFF, v13;
	v14 =	vnsel vm2, $0xC1, v14  }
0x29: {  	v15 =	vand.u32 $0xFF, v15;
	v13 =	vsel vm1, v13, v8;
	v8 =	vnsel vm2, $0xC3, v18  }
0x2a: {  	s4 =	rddreg [dreg:$0x0];
	v14 =	vsel vm1, v15, v14;
	v15 =	vsel vm1, v17, v16;
	v16 =	vimm.s32 $0x9B87735F  }
0x2b: {  	s0 =	rddreg [dreg:$0x1];
	s1 =	srdreg.scid;
	v18 =	vimm.s32 $0x9C887460;
	v17 =	vimm.s32 $0x4C382410;
	v16 =	vunpack.c.0.s8.s32 v16  }
0x2c: {  	s2 =	stileid.u32;
	s5 =	rddreg [dreg:$0x2];
	s3 =	simm.s32 $0x0;
	v4 =	vsel vm0, $0xA4, v4;
	v18 =	vunpack.c.0.s8.s32 v18;
	v17 =	vunpack.c.0.s8.s32 v17  }
0x2d: {  	s1 =	sand.u32 $0x1, s1;
	s2 =	sshll.u32 s2, $0x1;
	[smem:$0x7FF] =	sst s3;
	v5 =	vsel vm0, $0xA5, v5;
	v6 =	vsel vm0, $0xA6, v6;
	v16 =	vand.u32 $0xFF, v16  }
0x2e: {  	s0 =	sadd.s32 $0x400, s0;
	s30 =	sadd.s32 $0x1E840, s4;
	s31 =	sadd.s32 $0xF4200, s5;
	v16 =	vsel vm1, v16, v8;
	v8 =	vnsel vm2, $0xC4, v17;
	v17 =	vand.u32 $0xFF, v18  }
0x2f: {  	s6 =	sor.u32 s1, s2;
	_ =	strace $0x80000047;
	[dreg:$0x1b] =	wrdreg s0;
	v18 =	vand.u32 $0xFF, v20;
	v17 =	vsel vm1, v17, v8;
	v8 =	vnsel vm2, $0xC5, v19  }
0x30: {  	s1 =	ssub.s32 $0x2, s1;
	[smem:$0x7FB] =	sst s30;
	s2 =	smul.u32 $0x900, s6;
	v19 =	vimm.s32 $0x4F3B2713;
	v18 =	vsel vm1, v18, v8;
	v8 =	vimm.s32 $0x4E3A2612  }
0x31: {  	[smem:$0x7FC] =	sst s31;
	s23 =	smul.u32 $0x120, s6;
	s24 =	sshrl.u32 s1, $0x1;
	v19 =	vunpack.c.0.s8.s32 v19;
	v20 =	vunpack.c.0.s8.s32 v8;
	v8 =	vsel vm0, $0xA8, v9  }
0x32: {  	s28 =	sor.u32 $0x40, s6;
	s29 =	sor.u32 $0x60, s6;
	[dreg:$0x1a] =	wrdreg s6;
	v9 =	vsel vm0, $0xA9, v10;
	v10 =	vsel vm0, $0xAA, v11;
	v11 =	vand.u32 $0xFF, v21  }
.Ltmp0:
0x33: {  	s0 =	ssub.s32 s1, s24;
	[dreg:$0x1e] =	wrdreg s28;
	v21 =	vand.u32 $0xFF, v63;
	v19 =	vnsel vm2, $0xC7, v19;
	v20 =	vnsel vm2, $0xC6, v20;
	(pc) =	sbr.rel .LBB2_1-.Ltmp0, $4  }
0x34: {  	[dreg:$0x1f] =	wrdreg s29;
	s2 =	sshrl.u32 s2, $0x3;
	s25 =	sadd.s32 s4, s23;
	v7 =	vsel vm0, $0xA7, v7;
	v19 =	vsel vm1, v21, v19;
	v20 =	vsel vm1, v11, v20  }
0x35: {  	s0 =	smax.u32 s0, $0x1;
	s2 =	sadd.s32 s4, s2;
	[dreg:$0x1c] =	wrdreg s25;
	v11 =	vsel vm0, $0xAB, v12;
	v12 =	vsel vm0, $0xAC, v13;
	v13 =	vsel vm0, $0xAD, v14  }
0x36: {  	[smem:$0x7FD] =	sst s0;
	s26 =	sadd.s32 $0x2400, s2;
	v14 =	vsel vm0, $0xAE, v15;
	v15 =	vsel vm0, $0xAF, v16;
	v16 =	vsel vm0, $0xB0, v17  }
0x37: {  	p0 =	sne.s32 s6, $0x1F;
	s6 =	simm.s32 $0x0;
	[dreg:$0x1d] =	wrdreg s26;
	v17 =	vsel vm0, $0xB1, v18;
	v19 =	vsel vm0, $0xB3, v19;
	v18 =	vsel vm0, $0xB2, v20  }
.LBB2_10:
0x38: {  	s0 =	sld [smem:$0x7FD];
	_ =	sdelay $0x1  }
0x39: {  	s6 =	sadd.s32 $0x1, s6  }
0x3a: {  	p1 =	sne.s32 s6, s0  }
.Ltmp1:
0x3b: {  	_ = 	snop;
	(pc) =	sbr.rel @!p1 .LBB2_11-.Ltmp1, $1  }
0x3c: {  	_ =	sdelay $0x3  }
.LBB2_1:
0x3d: {  	[smem:$0x7FA] =	sst s6;
	s0 =	simm.s32 $0x0  }
0x3e: {  	s1 =	rddreg [dreg:$0x1b];
	s2 =	simm.s32 $0x1200;
	s28 =	simm.s32 $0x5  }
0x3f: {  	[tilespmem:s2], [sflag:$0x5] =	stream.linear.gather [hbm4b:s1+s0], $0x100, $0x38;
	[tilespmem:$0x1CF00] =	vst v63  }
0x40: {  	_ =	swait.ge [sflag:s28], $0x100  }
0x41: {  	[sflag:s28] =	ssyncset.done $0x0  }
0x42: {  	[sflag:s28] =	ssyncadd.s32 $0xFFFFFF00  }
0x43: {  	v39 =	vld.idx.msk [tilespmem:v0+s2+$0x0], $0xffff  }
0x44: {  	v38 =	vld.idx.msk [tilespmem:v1+s2+$0x0], $0xffff  }
0x45: {  	v37 =	vld.idx.msk [tilespmem:v2+s2+$0x0], $0xffff  }
0x46: {  	v36 =	vld.idx.msk [tilespmem:v3+s2+$0x0], $0xffff  }
0x47: {  	v35 =	vld.idx.msk [tilespmem:v4+s2+$0x0], $0xffff  }
0x48: {  	v34 =	vld.idx.msk [tilespmem:v5+s2+$0x0], $0xffff  }
0x49: {  	v33 =	vld.idx.msk [tilespmem:v6+s2+$0x0], $0xffff  }
0x4a: {  	v32 =	vld.idx.msk [tilespmem:v7+s2+$0x0], $0xffff  }
0x4b: {  	v31 =	vld.idx.msk [tilespmem:v8+s2+$0x0], $0xffff  }
0x4c: {  	v30 =	vld.idx.msk [tilespmem:v9+s2+$0x0], $0xffff  }
0x4d: {  	v29 =	vld.idx.msk [tilespmem:v10+s2+$0x0], $0xffff  }
0x4e: {  	v28 =	vld.idx.msk [tilespmem:v11+s2+$0x0], $0xffff  }
0x4f: {  	v27 =	vld.idx.msk [tilespmem:v12+s2+$0x0], $0xffff  }
0x50: {  	v26 =	vld.idx.msk [tilespmem:v13+s2+$0x0], $0xffff  }
0x51: {  	v25 =	vld.idx.msk [tilespmem:v14+s2+$0x0], $0xffff  }
0x52: {  	v24 =	vld.idx.msk [tilespmem:v15+s2+$0x0], $0xffff  }
0x53: {  	v23 =	vld.idx.msk [tilespmem:v16+s2+$0x0], $0xffff  }
0x54: {  	v22 =	vld.idx.msk [tilespmem:v17+s2+$0x0], $0xffff  }
0x55: {  	s29 =	rddreg [dreg:$0x1c];
	v21 =	vld.idx.msk [tilespmem:v18+s2+$0x0], $0xffff  }
0x56: {  	v20 =	vld.idx.msk [tilespmem:v19+s2+$0x0], $0xffff;
	[tilespmem:s0], [sflag:$0x1] =	stream.linear.gather [hbm4b:s29+s0], $0x900, $0x38  }
0x57: {  	s31 =	simm.s32 $0x900;
	s18 =	simm.s32 $0x0;
	s30 =	rddreg [dreg:$0x1d]  }
0x58: {  	[tilespmem:s31], [sflag:$0x2] =	stream.linear.gather [hbm4b:s30+s0], $0x900, $0x38;
	[tilespmem:$0x1CF00] =	vst v63  }
.LBB2_2:
0x59: {  	s0 =	simm.s32 $0x1  }
0x5a: {  	_ =	swait.ge [sflag:s0], $0x900  }
0x5b: {  	p1 =	seq.s32 s18, $0x0;
	[sflag:s0] =	ssyncset.done $0x0  }
0x5c: {  	s1 =	simm.s32 $0x0;
	s3 =	simm.s32 @!p1 $0x3;
	[sflag:s0] =	ssyncadd.s32 $0xFFFFF700  }
0x5d: {  	s0 =	sand.u32 $0x60, s1;
	_ =	swait.ge @!p1 [sflag:s3], $0xD800  }
0x5e: {  	s4 =	sand.u32 $0xF80, s1;
	s2 =	sor.u32 $0x10, s0;
	[sflag:s3] =	ssyncset.done @!p1 $0x0  }
0x5f: {  	s23 =	sor.u32 s2, s4;
	[sflag:s3] =	ssyncadd.s32 @!p1 $0xFFFF2800  }
0x60: {  	v40 =	vld [tilespmem:s23+$0x0];
	_ =	sdelay $0x3  }
0x61: {  	s19 =	simm.s32 $0x30  }
0x62: {  	v52 =	vld [tilespmem:s19+$0xFFFFFFD0];
	v41 =	vshra.s32 v40, $0x3;
	v42 =	vshra.s32 v40, $0x5;
	v43 =	vshra.s32 v40, $0x6  }
0x63: {  	vm0 =	vlt.s32 v40, $0x5;
	v44 =	vshra.s32 v40, $0x4;
	vm1 =	vlt.s32 v41, $0x1  }
0x64: {  	v40 =	vnsel vm0, $0x5, v40;
	vm13 =	vlt.s32 v44, $0x1;
	v41 =	vnsel vm1, $0x1, v41  }
0x65: {  	vm14 =	vlt.s32 v42, $0x1;
	v48 =	vnsel vm13, $0x1, v44;
	v40 =	vadd.s32 v40, v41  }
0x66: {  	vm15 =	vlt.s32 v43, $0x1;
	v49 =	vnsel vm14, $0x1, v42;
	v40 =	vadd.s32 v48, v40  }
0x67: {  	v58 =	vshra.s32 v52, $0x6;
	v50 =	vnsel vm15, $0x1, v43;
	v40 =	vadd.s32 v49, v40  }
0x68: {  	vm4 =	vlt.s32 v52, $0x5;
	v45 =	vshra.s32 v52, $0x5;
	v40 =	vadd.s32 v50, v40  }
0x69: {  	v46 =	vshra.s32 v52, $0x3;
	v47 =	vshra.s32 v52, $0x4;
	v41 =	vshrl.u32 v40, $0x1B  }
0x6a: {  	vm5 =	vlt.s32 v45, $0x1;
	vm2 =	vlt.s32 v58, $0x1;
	v41 =	vand.u32 $0x10, v41  }
0x6b: {  	s8 =	sand.u32 $0x7C00, s1;
	vm6 =	vlt.s32 v46, $0x1;
	vm7 =	vlt.s32 v47, $0x1;
	v40 =	vadd.s32 v40, v41  }
0x6c: {  	s24 =	sadd.s32 $0x1300, s8;
	v43 =	vnsel vm4, $0x5, v52;
	v46 =	vnsel vm6, $0x1, v46;
	v41 =	vperm.xlane v39, v40  }
0x6d: {  	s5 =	sor.u32 s2, s24;
	v43 =	vadd.s32 v43, v46;
	v49 =	vnsel vm7, $0x1, v47;
	v51 =	vperm.xlane v38, v40  }
0x6e: {  	v45 =	vnsel vm5, $0x1, v45;
	v43 =	vadd.s32 v49, v43;
	v53 =	vperm.xlane v37, v40;
	[tilespmem:s5+$0x0] =	vst v41  }
0x6f: {  	s25 =	sand.u32 $0x3, s1;
	v44 =	vnsel vm2, $0x1, v58;
	v43 =	vadd.s32 v45, v43;
	v54 =	vperm.xlane v36, v40;
	[tilespmem:s5+$0x80] =	vst v51  }
0x70: {  	s3 =	sshll.u32 s25, $0x5;
	v43 =	vadd.s32 v44, v43;
	v55 =	vperm.xlane v35, v40;
	[tilespmem:s5+$0x100] =	vst v53  }
0x71: {  	s3 =	sadd.s32 $0x0, s3;
	v44 =	vshrl.u32 v43, $0x1B;
	v56 =	vperm.xlane v34, v40;
	[tilespmem:s5+$0x180] =	vst v54  }
0x72: {  	s6 =	sadd.s32 $0x10, s3;
	v57 =	vperm.xlane v33, v40;
	v44 =	vand.u32 $0x10, v44;
	[tilespmem:s5+$0x200] =	vst v55  }
0x73: {  	s7 =	sor.u32 $0x300, s6;
	v59 =	vperm.xlane v32, v40;
	v43 =	vadd.s32 v43, v44;
	[tilespmem:s5+$0x280] =	vst v56  }
0x74: {  	s26 =	sor.u32 $0x380, s6;
	v56 =	vperm.xlane v39, v43;
	[tilespmem:s7+$0x1300] =	vst v57  }
0x75: {  	s23 =	sor.u32 s0, s24;
	v58 =	vperm.xlane v37, v43;
	[tilespmem:s26+$0x1300] =	vst v59  }
0x76: {  	v60 =	vperm.xlane v31, v40;
	s5 =	sadd.s32 $0x5B00, s8;
	[tilespmem:s23+$0x0] =	vst v56  }
0x77: {  	s9 =	sor.u32 s2, s5;
	v57 =	vperm.xlane v38, v43;
	[tilespmem:s23+$0x100] =	vst v58  }
0x78: {  	s28 =	sadd.s32 $0x5B80, s8;
	v61 =	vperm.xlane v30, v40;
	[tilespmem:s9+$0x0] =	vst v60  }
0x79: {  	s29 =	sadd.s32 $0x5C00, s8;
	s10 =	sor.u32 s2, s28;
	v62 =	vperm.xlane v29, v40;
	[tilespmem:s23+$0x80] =	vst v57  }
0x7a: {  	s11 =	sor.u32 s2, s29;
	v60 =	vperm.xlane v36, v43;
	[tilespmem:s10+$0x0] =	vst v61  }
0x7b: {  	s30 =	sadd.s32 $0x5C80, s8;
	v63 =	vperm.xlane v28, v40;
	[tilespmem:s11+$0x0] =	vst v62  }
0x7c: {  	s12 =	sor.u32 s2, s30;
	v61 =	vperm.xlane v35, v43;
	[tilespmem:s23+$0x180] =	vst v60  }
0x7d: {  	s31 =	sadd.s32 $0x5D00, s8;
	v48 =	vperm.xlane v27, v40;
	[tilespmem:s12+$0x0] =	vst v63  }
0x7e: {  	s13 =	sor.u32 s2, s31;
	v62 =	vperm.xlane v34, v43;
	[tilespmem:s23+$0x200] =	vst v61  }
0x7f: {  	v50 =	vperm.xlane v26, v40;
	s11 =	sadd.s32 $0x5D80, s8;
	[tilespmem:s13+$0x0] =	vst v48  }
0x80: {  	s14 =	sor.u32 s2, s11;
	v63 =	vperm.xlane v33, v43;
	[tilespmem:s23+$0x280] =	vst v62  }
0x81: {  	s24 =	sor.u32 $0x300, s3;
	v51 =	vperm.xlane v25, v40;
	s12 =	sadd.s32 $0x5E00, s8;
	[tilespmem:s14+$0x0] =	vst v50  }
0x82: {  	s15 =	sor.u32 s2, s12;
	v48 =	vperm.xlane v32, v43;
	[tilespmem:s24+$0x1300] =	vst v63  }
0x83: {  	s25 =	sor.u32 $0x380, s3;
	v52 =	vperm.xlane v24, v40;
	v59 =	vld [tilespmem:s19+$0xFFFFFFF0];
	s13 =	sadd.s32 $0x5E80, s8;
	[tilespmem:s15+$0x0] =	vst v51  }
0x84: {  	s17 =	sor.u32 s2, s13;
	v50 =	vperm.xlane v31, v43;
	[tilespmem:s25+$0x1300] =	vst v48  }
0x85: {  	v53 =	vperm.xlane v23, v40;
	v54 =	vperm.xlane v22, v40;
	s26 =	sor.u32 s0, s5;
	s14 =	sadd.s32 $0xA300, s8;
	[tilespmem:s17+$0x0] =	vst v52  }
0x86: {  	s16 =	sadd.s32 $0xA380, s8;
	v55 =	vperm.xlane v21, v40;
	v40 =	vperm.xlane v20, v40;
	s17 =	sor.u32 s2, s14;
	[tilespmem:s26+$0x0] =	vst v50  }
0x87: {  	s21 =	sor.u32 s2, s16;
	v56 =	vperm.xlane v28, v43;
	v52 =	vperm.xlane v30, v43;
	[tilespmem:s17+$0x0] =	vst v53  }
0x88: {  	s20 =	sadd.s32 $0xA400, s8;
	s28 =	sor.u32 s0, s28;
	v58 =	vperm.xlane v26, v43;
	v57 =	vperm.xlane v27, v43;
	vm8 =	vlt.s32 v59, $0x5;
	[tilespmem:s21+$0x0] =	vst v54  }
0x89: {  	s22 =	sor.u32 s2, s20;
	v49 =	vshra.s32 v59, $0x6;
	s8 =	sadd.s32 $0xA480, s8;
	v42 =	vnsel vm8, $0x5, v59;
	v53 =	vshra.s32 v59, $0x3;
	[tilespmem:s28+$0x0] =	vst v52  }
0x8a: {  	s2 =	sor.u32 s2, s8;
	v54 =	vshra.s32 v59, $0x4;
	vm11 =	vlt.s32 v53, $0x1;
	[tilespmem:s22+$0x0] =	vst v55;
	v55 =	vperm.xlane v29, v43  }
0x8b: {  	s29 =	sor.u32 s0, s29;
	v51 =	vshra.s32 v59, $0x5;
	v46 =	vnsel vm11, $0x1, v53;
	vm12 =	vlt.s32 v54, $0x1;
	[tilespmem:s2+$0x0] =	vst v40  }
0x8c: {  	s30 =	sor.u32 s0, s30;
	vm9 =	vlt.s32 v51, $0x1;
	v42 =	vadd.s32 v42, v46;
	v59 =	vnsel vm12, $0x1, v54;
	[tilespmem:s29+$0x0] =	vst v55  }
0x8d: {  	s31 =	sor.u32 s0, s31;
	vm10 =	vlt.s32 v49, $0x1;
	v45 =	vnsel vm9, $0x1, v51;
	v42 =	vadd.s32 v59, v42;
	[tilespmem:s30+$0x0] =	vst v56  }
0x8e: {  	v60 =	vperm.xlane v25, v43;
	s4 =	sor.u32 s0, s11;
	v44 =	vnsel vm10, $0x1, v49;
	v42 =	vadd.s32 v45, v42;
	[tilespmem:s31+$0x0] =	vst v57  }
0x8f: {  	v61 =	vperm.xlane v24, v43;
	s5 =	sor.u32 s0, s12;
	v42 =	vadd.s32 v44, v42;
	[tilespmem:s4+$0x0] =	vst v58  }
0x90: {  	v62 =	vperm.xlane v23, v43;
	s6 =	sor.u32 s0, s13;
	v44 =	vshrl.u32 v42, $0x1B;
	[tilespmem:s5+$0x0] =	vst v60  }
0x91: {  	v63 =	vperm.xlane v22, v43;
	s7 =	sor.u32 s0, s14;
	v44 =	vand.u32 $0x10, v44;
	[tilespmem:s6+$0x0] =	vst v61  }
0x92: {  	s9 =	sor.u32 s0, s16;
	s10 =	simm.s32 $0x20;
	s11 =	simm.s32 $0x100;
	v48 =	vperm.xlane v21, v43;
	v42 =	vadd.s32 v42, v44;
	[tilespmem:s7+$0x0] =	vst v62  }
0x93: {  	s12 =	sor.u32 s0, s20;
	s13 =	sand.u32 $0xFC00, s11;
	s2 =	sand.u32 $0x60, s10;
	v50 =	vperm.xlane v39, v42;
	[tilespmem:s9+$0x0] =	vst v63  }
0x94: {  	s15 =	sor.u32 s2, s13;
	v51 =	vperm.xlane v38, v42;
	[tilespmem:s12+$0x0] =	vst v48  }
0x95: {  	v52 =	vperm.xlane v37, v42;
	[tilespmem:s15+$0x1300] =	vst v50  }
0x96: {  	v53 =	vld [tilespmem:s19+$0x0];
	v54 =	vperm.xlane v36, v42;
	[tilespmem:s15+$0x1380] =	vst v51  }
0x97: {  	s6 =	simm.s32 $0x1;
	v55 =	vperm.xlane v35, v42;
	[tilespmem:s15+$0x1400] =	vst v52  }
0x98: {  	s16 =	sand.u32 $0x3, s6;
	v56 =	vperm.xlane v34, v42;
	[tilespmem:s15+$0x1480] =	vst v54  }
0x99: {  	v49 =	vperm.xlane v20, v43;
	s2 =	sshll.u32 s16, $0x5;
	[tilespmem:s15+$0x1500] =	vst v55  }
0x9a: {  	s14 =	sor.u32 s0, s8;
	v57 =	vperm.xlane v33, v42;
	s2 =	sadd.s32 $0x100, s2;
	[tilespmem:s15+$0x1580] =	vst v56  }
0x9b: {  	v59 =	vshra.s32 v53, $0x6;
	v58 =	vperm.xlane v32, v42;
	[tilespmem:s14+$0x0] =	vst v49;
	s17 =	sor.u32 $0x300, s2  }
0x9c: {  	vm13 =	vlt.s32 v53, $0x5;
	vm15 =	vlt.s32 v59, $0x1;
	v60 =	vperm.xlane v31, v42;
	s2 =	sor.u32 $0x380, s2;
	[tilespmem:s17+$0x1300] =	vst v57  }
0x9d: {  	v43 =	vnsel vm13, $0x5, v53;
	v61 =	vshra.s32 v53, $0x5;
	v62 =	vperm.xlane v30, v42;
	[tilespmem:s2+$0x1300] =	vst v58  }
0x9e: {  	vm14 =	vlt.s32 v61, $0x1;
	v63 =	vshra.s32 v53, $0x3;
	v49 =	vperm.xlane v29, v42;
	[tilespmem:s15+$0x5B00] =	vst v60  }
0x9f: {  	v48 =	vshra.s32 v53, $0x4;
	v50 =	vperm.xlane v28, v42;
	vm4 =	vlt.s32 v63, $0x1;
	[tilespmem:s15+$0x5B80] =	vst v62  }
0xa0: {  	v51 =	vperm.xlane v27, v42;
	v46 =	vnsel vm4, $0x1, v63;
	vm5 =	vlt.s32 v48, $0x1;
	[tilespmem:s15+$0x5C00] =	vst v49  }
0xa1: {  	v52 =	vperm.xlane v26, v42;
	v43 =	vadd.s32 v43, v46;
	v53 =	vnsel vm5, $0x1, v48;
	[tilespmem:s15+$0x5C80] =	vst v50  }
0xa2: {  	v45 =	vnsel vm14, $0x1, v61;
	v54 =	vperm.xlane v25, v42;
	v43 =	vadd.s32 v53, v43;
	[tilespmem:s15+$0x5D00] =	vst v51  }
0xa3: {  	v44 =	vnsel vm15, $0x1, v59;
	v55 =	vperm.xlane v24, v42;
	[tilespmem:s15+$0x5D80] =	vst v52;
	v43 =	vadd.s32 v45, v43  }
0xa4: {  	v56 =	vperm.xlane v23, v42;
	[tilespmem:s15+$0x5E00] =	vst v54;
	v43 =	vadd.s32 v44, v43  }
0xa5: {  	v57 =	vperm.xlane v22, v42;
	[tilespmem:s15+$0x5E80] =	vst v55;
	v44 =	vshrl.u32 v43, $0x1B  }
0xa6: {  	v59 =	vperm.xlane v20, v42;
	[tilespmem:s15+$0xA300] =	vst v56;
	v44 =	vand.u32 $0x10, v44  }
0xa7: {  	s20 =	simm.s32 $0x30;
	s21 =	simm.s32 $0x180;
	v58 =	vperm.xlane v21, v42;
	[tilespmem:s15+$0xA380] =	vst v57;
	v42 =	vadd.s32 v43, v44  }
0xa8: {  	s3 =	sand.u32 $0xFC00, s21;
	s2 =	sand.u32 $0x70, s20;
	[tilespmem:s15+$0xA480] =	vst v59;
	v60 =	vperm.xlane v39, v42  }
0xa9: {  	s2 =	sor.u32 s2, s3;
	[tilespmem:s15+$0xA400] =	vst v58;
	v61 =	vperm.xlane v38, v42  }
0xaa: {  	v63 =	vld [tilespmem:s19+$0x10];
	v62 =	vperm.xlane v37, v42;
	[tilespmem:s2+$0x1300] =	vst v60  }
0xab: {  	s8 =	simm.s32 $0x2;
	v48 =	vperm.xlane v36, v42;
	[tilespmem:s2+$0x1380] =	vst v61  }
0xac: {  	s22 =	sand.u32 $0x7, s8;
	v49 =	vperm.xlane v35, v42;
	[tilespmem:s2+$0x1400] =	vst v62  }
0xad: {  	s0 =	sshll.u32 s22, $0x4;
	v50 =	vperm.xlane v34, v42;
	[tilespmem:s2+$0x1480] =	vst v48  }
0xae: {  	s0 =	sadd.s32 $0x0, s0;
	v51 =	vperm.xlane v33, v42;
	[tilespmem:s2+$0x1500] =	vst v49  }
0xaf: {  	s0 =	sadd.s32 $0x190, s0;
	v53 =	vshra.s32 v63, $0x6;
	v52 =	vperm.xlane v32, v42;
	[tilespmem:s2+$0x1580] =	vst v50  }
0xb0: {  	s0 =	sor.u32 $0x300, s0;
	vm6 =	vlt.s32 v63, $0x5;
	v55 =	vshra.s32 v63, $0x5;
	v54 =	vperm.xlane v31, v42;
	[tilespmem:s2+$0x1600] =	vst v51  }
0xb1: {  	v57 =	vshra.s32 v63, $0x3;
	v58 =	vshra.s32 v63, $0x4;
	v56 =	vperm.xlane v30, v42;
	[tilespmem:s0+$0x1300] =	vst v52  }
0xb2: {  	vm7 =	vlt.s32 v55, $0x1;
	vm8 =	vlt.s32 v53, $0x1;
	v59 =	vperm.xlane v29, v42;
	[tilespmem:s2+$0x5B00] =	vst v54  }
0xb3: {  	vm9 =	vlt.s32 v57, $0x1;
	vm10 =	vlt.s32 v58, $0x1;
	v60 =	vperm.xlane v28, v42;
	[tilespmem:s2+$0x5B80] =	vst v56  }
0xb4: {  	v43 =	vnsel vm6, $0x5, v63;
	v46 =	vnsel vm9, $0x1, v57;
	v61 =	vperm.xlane v27, v42;
	[tilespmem:s2+$0x5C00] =	vst v59  }
0xb5: {  	v63 =	vnsel vm10, $0x1, v58;
	v43 =	vadd.s32 v43, v46;
	v62 =	vperm.xlane v26, v42;
	[tilespmem:s2+$0x5C80] =	vst v60  }
0xb6: {  	v45 =	vnsel vm7, $0x1, v55;
	v43 =	vadd.s32 v63, v43;
	v48 =	vperm.xlane v25, v42;
	[tilespmem:s2+$0x5D00] =	vst v61  }
0xb7: {  	v44 =	vnsel vm8, $0x1, v53;
	v49 =	vperm.xlane v24, v42;
	v43 =	vadd.s32 v45, v43;
	[tilespmem:s2+$0x5D80] =	vst v62  }
0xb8: {  	v50 =	vperm.xlane v23, v42;
	v43 =	vadd.s32 v44, v43;
	[tilespmem:s2+$0x5E00] =	vst v48  }
0xb9: {  	v51 =	vperm.xlane v22, v42;
	[tilespmem:s2+$0x5E80] =	vst v49;
	v44 =	vshrl.u32 v43, $0x1B  }
0xba: {  	v53 =	vperm.xlane v20, v42;
	[tilespmem:s2+$0xA300] =	vst v50;
	v44 =	vand.u32 $0x10, v44  }
0xbb: {  	s23 =	simm.s32 $0x40;
	s24 =	simm.s32 $0x200;
	v52 =	vperm.xlane v21, v42;
	[tilespmem:s2+$0xA380] =	vst v51;
	v42 =	vadd.s32 v43, v44  }
0xbc: {  	s3 =	sand.u32 $0xFC00, s24;
	s0 =	sand.u32 $0x60, s23;
	[tilespmem:s2+$0xA480] =	vst v53;
	v54 =	vperm.xlane v39, v42  }
0xbd: {  	s0 =	sor.u32 s0, s3;
	[tilespmem:s2+$0xA400] =	vst v52;
	v55 =	vperm.xlane v38, v42  }
0xbe: {  	v56 =	vperm.xlane v37, v42;
	[tilespmem:s0+$0x1300] =	vst v54  }
0xbf: {  	v58 =	vperm.xlane v36, v42;
	[tilespmem:s0+$0x1380] =	vst v55  }
0xc0: {  	s25 =	sand.u32 $0x3, s8;
	v59 =	vperm.xlane v35, v42;
	[tilespmem:s0+$0x1400] =	vst v56  }
0xc1: {  	s2 =	sshll.u32 s25, $0x5;
	v60 =	vperm.xlane v34, v42;
	[tilespmem:s0+$0x1480] =	vst v58  }
0xc2: {  	s2 =	sadd.s32 $0x200, s2;
	v61 =	vperm.xlane v33, v42;
	[tilespmem:s0+$0x1500] =	vst v59  }
0xc3: {  	s26 =	sor.u32 $0x300, s2;
	v62 =	vperm.xlane v32, v42;
	[tilespmem:s0+$0x1580] =	vst v60  }
0xc4: {  	s2 =	sor.u32 $0x380, s2;
	v48 =	vperm.xlane v31, v42;
	[tilespmem:s26+$0x1300] =	vst v61  }
0xc5: {  	v57 =	vld [tilespmem:s19+$0x20];
	v50 =	vperm.xlane v30, v42;
	[tilespmem:s2+$0x1300] =	vst v62  }
0xc6: {  	v53 =	vperm.xlane v29, v42;
	[tilespmem:s0+$0x5B00] =	vst v48  }
0xc7: {  	v54 =	vperm.xlane v28, v42;
	[tilespmem:s0+$0x5B80] =	vst v50  }
0xc8: {  	v55 =	vperm.xlane v27, v42;
	[tilespmem:s0+$0x5C00] =	vst v53  }
0xc9: {  	v56 =	vperm.xlane v26, v42;
	[tilespmem:s0+$0x5C80] =	vst v54  }
0xca: {  	v63 =	vshra.s32 v57, $0x6;
	vm11 =	vlt.s32 v57, $0x5;
	[tilespmem:s0+$0x5D00] =	vst v55  }
0xcb: {  	v49 =	vshra.s32 v57, $0x5;
	v51 =	vshra.s32 v57, $0x3;
	v58 =	vperm.xlane v25, v42;
	[tilespmem:s0+$0x5D80] =	vst v56  }
0xcc: {  	v52 =	vshra.s32 v57, $0x4;
	vm12 =	vlt.s32 v49, $0x1;
	vm14 =	vlt.s32 v51, $0x1;
	[smem:$0x7F7] =	sst s18  }
0xcd: {  	v43 =	vnsel vm11, $0x5, v57;
	v46 =	vnsel vm14, $0x1, v51;
	vm15 =	vlt.s32 v52, $0x1;
	[tilespmem:s0+$0x5E00] =	vst v58  }
0xce: {  	s28 =	sshll.u32 s18, $0x6;
	vm13 =	vlt.s32 v63, $0x1;
	v43 =	vadd.s32 v43, v46;
	v57 =	vnsel vm15, $0x1, v52;
	s3 =	rddreg [dreg:$0x1a]  }
0xcf: {  	v45 =	vnsel vm12, $0x1, v49;
	v43 =	vadd.s32 v57, v43;
	v59 =	vperm.xlane v24, v42;
	[smem:$0x7F8] =	sst s28;
	s3 =	sor.u32 s3, s28  }
0xd0: {  	s9 =	simm.s32 $0x4;
	v44 =	vnsel vm13, $0x1, v63;
	v43 =	vadd.s32 v45, v43;
	v60 =	vperm.xlane v23, v42;
	[smem:$0x7F9] =	sst s3  }
0xd1: {  	s11 =	simm.s32 $0x0;
	s29 =	sand.u32 $0x7, s9;
	v43 =	vadd.s32 v44, v43;
	v61 =	vperm.xlane v22, v42;
	[tilespmem:s0+$0x5E80] =	vst v59  }
0xd2: {  	s10 =	simm.s32 $0x2;
	s31 =	simm.s32 $0x280;
	s2 =	sshll.u32 s29, $0x4;
	v44 =	vshrl.u32 v43, $0x1B;
	v62 =	vperm.xlane v21, v42;
	[tilespmem:s0+$0xA300] =	vst v60  }
0xd3: {  	s30 =	simm.s32 $0x50;
	s4 =	sand.u32 $0xFC00, s31;
	v63 =	vperm.xlane v20, v42;
	s2 =	sadd.s32 $0x0, s2;
	v44 =	vand.u32 $0x10, v44;
	[tilespmem:s0+$0xA380] =	vst v61  }
0xd4: {  	s7 =	simm.s32 $0x60;
	s2 =	sadd.s32 $0x290, s2;
	v40 =	vadd.s32 v43, v44;
	s3 =	sand.u32 $0x70, s30;
	[tilespmem:s0+$0xA400] =	vst v62  }
0xd5: {  	s12 =	simm.s32 $0x0;
	s13 =	sor.u32 $0x300, s2;
	v42 =	vperm.xlane v39, v40;
	v41 =	vperm.xlane v38, v40;
	s23 =	sor.u32 s3, s4;
	[tilespmem:s0+$0xA480] =	vst v63  }
.LBB2_3:
0xd6: {  	_ = 	snop  }
0xd7: {  	s29 =	sand.u32 $0x60, s7;
	v57 =	vperm.xlane v37, v40;
	[tilespmem:s23+$0x1300] =	vst v42  }
0xd8: {  	s4 =	sand.u32 $0xF80, s7;
	v58 =	vperm.xlane v36, v40;
	s0 =	sor.u32 $0x10, s29;
	[tilespmem:s23+$0x1380] =	vst v41  }
0xd9: {  	v59 =	vperm.xlane v35, v40;
	s4 =	sor.u32 s0, s4;
	[tilespmem:s23+$0x1400] =	vst v57  }
0xda: {  	v60 =	vperm.xlane v34, v40;
	v44 =	vperm.xlane v33, v40;
	[tilespmem:s23+$0x1480] =	vst v58;
	v43 =	vld [tilespmem:s4+$0x0]  }
0xdb: {  	v61 =	vperm.xlane v32, v40;
	v45 =	vperm.xlane v31, v40;
	[tilespmem:s23+$0x1500] =	vst v59  }
0xdc: {  	v62 =	vperm.xlane v30, v40;
	v46 =	vperm.xlane v29, v40;
	[tilespmem:s23+$0x1580] =	vst v60  }
0xdd: {  	v63 =	vperm.xlane v28, v40;
	v47 =	vperm.xlane v27, v40;
	[tilespmem:s23+$0x1600] =	vst v44  }
0xde: {  	v54 =	vperm.xlane v26, v40;
	v48 =	vperm.xlane v25, v40;
	[tilespmem:s13+$0x1300] =	vst v61  }
0xdf: {  	s2 =	sadd.s32 $0x20, s7;
	s3 =	sadd.s32 $0x30, s7;
	[tilespmem:s23+$0x5B00] =	vst v45;
	v49 =	vshra.s32 v43, $0x3;
	v50 =	vshra.s32 v43, $0x5;
	v51 =	vshra.s32 v43, $0x6  }
0xe0: {  	s5 =	sadd.s32 $0x40, s7;
	s14 =	sadd.s32 $0x50, s7;
	s9 =	sadd.s32 $0x6, s9;
	[tilespmem:s23+$0x5B80] =	vst v62;
	vm0 =	vlt.s32 v43, $0x5;
	v55 =	vshra.s32 v43, $0x4;
	vm1 =	vlt.s32 v49, $0x1  }
0xe1: {  	s8 =	sadd.s32 $0x3, s8;
	s10 =	sadd.s32 $0x6, s10;
	s19 =	sadd.s32 $0x60, s19;
	[tilespmem:s23+$0x5C00] =	vst v46;
	v56 =	vnsel vm0, $0x5, v43;
	vm13 =	vlt.s32 v55, $0x1;
	v57 =	vnsel vm1, $0x1, v49  }
0xe2: {  	s6 =	sadd.s32 $0x3, s6;
	s1 =	sadd.s32 $0x300, s1;
	s12 =	sadd.s32 $0x3, s12;
	[tilespmem:s23+$0x5C80] =	vst v63;
	vm14 =	vlt.s32 v50, $0x1;
	v58 =	vnsel vm13, $0x1, v55;
	v41 =	vadd.s32 v56, v57  }
0xe3: {  	s2 =	sand.u32 $0x60, s2;
	s3 =	sand.u32 $0x70, s3;
	[dreg:$0x4] =	wrdreg s9;
	[tilespmem:s23+$0x5D00] =	vst v47;
	vm15 =	vlt.s32 v51, $0x1;
	v59 =	vnsel vm14, $0x1, v50;
	v41 =	vadd.s32 v58, v41  }
0xe4: {  	s15 =	sand.u32 $0x60, s5;
	[dreg:$0x6] =	wrdreg s10;
	s16 =	sand.u32 $0x7, s9;
	v61 =	vperm.xlane v24, v40;
	[tilespmem:s23+$0x5D80] =	vst v54;
	v60 =	vnsel vm15, $0x1, v51;
	v41 =	vadd.s32 v59, v41  }
0xe5: {  	s17 =	sand.u32 $0x3, s8;
	s18 =	sand.u32 $0x3, s6;
	v53 =	vld [tilespmem:s19+$0xFFFFFFD0];
	[dreg:$0xe] =	wrdreg s2;
	[tilespmem:s23+$0x5E00] =	vst v48;
	v62 =	vperm.xlane v23, v40;
	v41 =	vadd.s32 v60, v41  }
0xe6: {  	s20 =	sand.u32 $0x7, s10;
	s22 =	sadd.s32 $0x100, s1;
	[dreg:$0x10] =	wrdreg s3;
	v48 =	vperm.xlane v22, v40;
	[tilespmem:s23+$0x5E80] =	vst v61;
	v63 =	vshrl.u32 v41, $0x1B  }
0xe7: {  	s24 =	sadd.s32 $0x180, s1;
	[dreg:$0x11] =	wrdreg s15;
	s5 =	sshll.u32 s20, $0x4;
	[tilespmem:s23+$0xA300] =	vst v62;
	v49 =	vperm.xlane v21, v40;
	v44 =	vand.u32 $0x10, v63  }
0xe8: {  	s2 =	sand.u32 $0x70, s14;
	s21 =	sadd.s32 s1, s5;
	s5 =	sand.u32 $0x7C00, s1;
	[tilespmem:s23+$0xA380] =	vst v48;
	v50 =	vperm.xlane v20, v40;
	v41 =	vadd.s32 v41, v44  }
0xe9: {  	s3 =	sshll.u32 s17, $0x5;
	s15 =	sadd.s32 $0x200, s1;
	s31 =	sadd.s32 $0x1300, s5;
	[tilespmem:s23+$0xA400] =	vst v49;
	v51 =	vperm.xlane v39, v41  }
0xea: {  	s17 =	sand.u32 $0x3, s12;
	[dreg:$0x12] =	wrdreg s2;
	s14 =	sor.u32 s0, s31;
	vm2 =	vlt.s32 v53, $0x5;
	[tilespmem:s23+$0xA480] =	vst v50;
	v52 =	vperm.xlane v38, v41  }
0xeb: {  	s4 =	sshll.u32 s18, $0x5;
	s2 =	sshll.u32 s16, $0x4;
	s18 =	sadd.s32 $0x280, s1;
	v61 =	vshra.s32 v53, $0x5;
	v48 =	vshra.s32 v53, $0x4;
	v54 =	vperm.xlane v37, v41;
	[tilespmem:s14+$0x0] =	vst v51  }
0xec: {  	s17 =	sshll.u32 s17, $0x5;
	s16 =	sand.u32 $0xFC00, s22;
	s2 =	sadd.s32 s1, s2;
	vm4 =	vlt.s32 v61, $0x1;
	vm7 =	vlt.s32 v48, $0x1;
	v55 =	vperm.xlane v36, v41;
	[tilespmem:s14+$0x80] =	vst v52  }
0xed: {  	s9 =	sadd.s32 $0x190, s21;
	s4 =	sadd.s32 s4, s22;
	s25 =	sadd.s32 s17, s1;
	v45 =	vnsel vm4, $0x1, v61;
	v63 =	vshra.s32 v53, $0x3;
	v56 =	vperm.xlane v35, v41;
	[tilespmem:s14+$0x100] =	vst v54  }
0xee: {  	s17 =	sand.u32 $0xFC00, s15;
	s21 =	sand.u32 $0xFC00, s18;
	s13 =	sadd.s32 $0x5B80, s5;
	v40 =	vnsel vm2, $0x5, v53;
	vm6 =	vlt.s32 v63, $0x1;
	v57 =	vperm.xlane v34, v41;
	[tilespmem:s14+$0x180] =	vst v55  }
0xef: {  	s20 =	sadd.s32 $0x290, s2;
	s2 =	sadd.s32 s3, s15;
	s26 =	sadd.s32 $0x10, s25;
	v59 =	vshra.s32 v53, $0x6;
	v58 =	vperm.xlane v33, v41;
	v46 =	vnsel vm6, $0x1, v63;
	[tilespmem:s14+$0x200] =	vst v56  }
0xf0: {  	s9 =	sor.u32 $0x300, s9;
	s15 =	sadd.s32 $0x5B00, s5;
	s28 =	sor.u32 $0x300, s26;
	v53 =	vnsel vm7, $0x1, v48;
	v60 =	vperm.xlane v32, v41;
	v40 =	vadd.s32 v40, v46;
	[tilespmem:s14+$0x280] =	vst v57  }
0xf1: {  	s18 =	sor.u32 $0x380, s25;
	s22 =	sor.u32 $0x300, s4;
	s10 =	sor.u32 $0x380, s26;
	vm5 =	vlt.s32 v59, $0x1;
	v62 =	vperm.xlane v31, v41;
	v40 =	vadd.s32 v53, v40;
	[tilespmem:s28+$0x1300] =	vst v58  }
0xf2: {  	[dreg:$0xc] =	wrdreg s9;
	s30 =	sor.u32 $0x300, s20;
	v44 =	vnsel vm5, $0x1, v59;
	v49 =	vperm.xlane v30, v41;
	v40 =	vadd.s32 v45, v40;
	[tilespmem:s10+$0x1300] =	vst v60;
	s10 =	sor.u32 s0, s15  }
0xf3: {  	s20 =	sadd.s32 $0x5C00, s5;
	[dreg:$0x16] =	wrdreg s22;
	v50 =	vperm.xlane v29, v41;
	s14 =	sor.u32 s0, s13;
	v40 =	vadd.s32 v44, v40;
	[tilespmem:s10+$0x0] =	vst v62  }
0xf4: {  	s22 =	sadd.s32 $0x5C80, s5;
	s23 =	sand.u32 $0xFC00, s24;
	s24 =	sor.u32 s0, s20;
	v51 =	vperm.xlane v28, v41;
	v44 =	vshrl.u32 v40, $0x1B;
	[tilespmem:s14+$0x0] =	vst v49  }
0xf5: {  	s9 =	sor.u32 $0x300, s25;
	s26 =	sadd.s32 $0x5D00, s5;
	s25 =	sor.u32 s0, s22;
	v52 =	vperm.xlane v27, v41;
	v44 =	vand.u32 $0x10, v44;
	[tilespmem:s24+$0x0] =	vst v50  }
0xf6: {  	s3 =	sor.u32 s0, s26;
	v54 =	vperm.xlane v26, v41;
	s28 =	sadd.s32 $0x5D80, s5;
	v40 =	vadd.s32 v40, v44;
	[tilespmem:s25+$0x0] =	vst v51  }
0xf7: {  	s10 =	sor.u32 $0x380, s4;
	s4 =	sor.u32 s0, s28;
	v60 =	vperm.xlane v39, v40;
	[tilespmem:s3+$0x0] =	vst v52  }
0xf8: {  	s14 =	sor.u32 s29, s31;
	v61 =	vperm.xlane v38, v40;
	[tilespmem:s4+$0x0] =	vst v54  }
0xf9: {  	v62 =	vperm.xlane v37, v40;
	[tilespmem:s14+$0x0] =	vst v60  }
0xfa: {  	v45 =	vperm.xlane v36, v40;
	[tilespmem:s14+$0x80] =	vst v61  }
0xfb: {  	v46 =	vperm.xlane v35, v40;
	[tilespmem:s14+$0x100] =	vst v62  }
0xfc: {  	[dreg:$0x18] =	wrdreg s30;
	s30 =	sor.u32 $0x300, s2;
	v47 =	vperm.xlane v34, v40;
	[tilespmem:s14+$0x180] =	vst v45  }
0xfd: {  	[dreg:$0x8] =	wrdreg s30;
	s30 =	sadd.s32 $0x5E00, s5;
	v55 =	vperm.xlane v25, v41;
	[tilespmem:s14+$0x200] =	vst v46  }
0xfe: {  	v63 =	vld [tilespmem:s19+$0xFFFFFFF0];
	s24 =	sor.u32 s0, s30;
	v48 =	vperm.xlane v33, v40;
	[tilespmem:s14+$0x280] =	vst v47  }
0xff: {  	s11 =	sadd.s32 $0x6, s11;
	v56 =	vperm.xlane v24, v41;
	s31 =	sor.u32 s29, s15;
	s15 =	sadd.s32 $0x5E80, s5;
	[tilespmem:s24+$0x0] =	vst v55  }
0x100: {  	p2 =	slt.u32 s11, $0x8A;
	s25 =	sor.u32 s0, s15;
	v49 =	vperm.xlane v32, v40;
	[tilespmem:s9+$0x1300] =	vst v48  }
0x101: {  	s2 =	sor.u32 $0x380, s2;
	v57 =	vperm.xlane v23, v41;
	s3 =	sor.u32 s29, s13;
	s13 =	sadd.s32 $0xA300, s5;
	[tilespmem:s25+$0x0] =	vst v56  }
0x102: {  	[dreg:$0xa] =	wrdreg s2;
	v59 =	vperm.xlane v21, v41;
	v51 =	vperm.xlane v31, v40;
	s24 =	sor.u32 s29, s20;
	s20 =	sor.u32 s0, s13;
	[tilespmem:s18+$0x1300] =	vst v49  }
0x103: {  	s2 =	smov.u32 s1;
	s1 =	smov.u32 s11;
	s11 =	sadd.s32 $0xA380, s5;
	v58 =	vperm.xlane v22, v41;
	v41 =	vperm.xlane v20, v41;
	vm8 =	vlt.s32 v63, $0x5;
	[tilespmem:s20+$0x0] =	vst v57  }
0x104: {  	v43 =	vnsel vm8, $0x5, v63;
	v50 =	vshra.s32 v63, $0x6;
	v53 =	vperm.xlane v30, v40;
	s4 =	sor.u32 s29, s22;
	s22 =	sor.u32 s0, s11;
	[tilespmem:s31+$0x0] =	vst v51  }
0x105: {  	vm10 =	vlt.s32 v50, $0x1;
	v52 =	vshra.s32 v63, $0x5;
	v54 =	vshra.s32 v63, $0x3;
	s25 =	sadd.s32 $0xA400, s5;
	[tilespmem:s22+$0x0] =	vst v58  }
0x106: {  	v55 =	vshra.s32 v63, $0x4;
	vm11 =	vlt.s32 v54, $0x1;
	v56 =	vperm.xlane v29, v40;
	s22 =	sor.u32 s0, s25;
	[tilespmem:s3+$0x0] =	vst v53  }
0x107: {  	vm9 =	vlt.s32 v52, $0x1;
	s5 =	sadd.s32 $0xA480, s5;
	v46 =	vnsel vm11, $0x1, v54;
	vm12 =	vlt.s32 v55, $0x1;
	[tilespmem:s22+$0x0] =	vst v59  }
0x108: {  	v57 =	vperm.xlane v28, v40;
	v43 =	vadd.s32 v43, v46;
	v60 =	vnsel vm12, $0x1, v55;
	s0 =	sor.u32 s0, s5;
	[tilespmem:s24+$0x0] =	vst v56  }
0x109: {  	v45 =	vnsel vm9, $0x1, v52;
	v58 =	vperm.xlane v27, v40;
	v43 =	vadd.s32 v60, v43;
	[tilespmem:s0+$0x0] =	vst v41  }
0x10a: {  	s26 =	sor.u32 s29, s26;
	v44 =	vnsel vm10, $0x1, v50;
	v59 =	vperm.xlane v26, v40;
	v43 =	vadd.s32 v45, v43;
	[tilespmem:s4+$0x0] =	vst v57  }
0x10b: {  	s28 =	sor.u32 s29, s28;
	v61 =	vperm.xlane v25, v40;
	v43 =	vadd.s32 v44, v43;
	[tilespmem:s26+$0x0] =	vst v58  }
0x10c: {  	v62 =	vperm.xlane v24, v40;
	s20 =	sor.u32 s29, s30;
	v44 =	vshrl.u32 v43, $0x1B;
	[tilespmem:s28+$0x0] =	vst v59  }
0x10d: {  	v63 =	vperm.xlane v23, v40;
	s22 =	sor.u32 s29, s15;
	v44 =	vand.u32 $0x10, v44;
	[tilespmem:s20+$0x0] =	vst v61  }
0x10e: {  	v48 =	vperm.xlane v22, v40;
	s30 =	sor.u32 s29, s11;
	s15 =	sor.u32 s29, s13;
	v42 =	vadd.s32 v43, v44;
	[tilespmem:s22+$0x0] =	vst v62  }
0x10f: {  	s11 =	smov.u32 s1;
	s1 =	smov.u32 s2;
	s2 =	rddreg [dreg:$0xe];
	v50 =	vperm.xlane v39, v42;
	[tilespmem:s15+$0x0] =	vst v63  }
0x110: {  	s16 =	sor.u32 s2, s16;
	v51 =	vperm.xlane v38, v42;
	[tilespmem:s30+$0x0] =	vst v48  }
0x111: {  	v52 =	vperm.xlane v37, v42;
	[tilespmem:s16+$0x1300] =	vst v50  }
0x112: {  	v54 =	vperm.xlane v36, v42;
	[tilespmem:s16+$0x1380] =	vst v51  }
0x113: {  	v53 =	vld [tilespmem:s19+$0x0];
	v55 =	vperm.xlane v35, v42;
	[tilespmem:s16+$0x1400] =	vst v52  }
0x114: {  	v56 =	vperm.xlane v34, v42;
	[tilespmem:s16+$0x1480] =	vst v54  }
0x115: {  	v49 =	vperm.xlane v21, v40;
	[tilespmem:s16+$0x1500] =	vst v55  }
0x116: {  	s13 =	sor.u32 s29, s25;
	v57 =	vperm.xlane v33, v42;
	[tilespmem:s16+$0x1580] =	vst v56  }
0x117: {  	v40 =	vperm.xlane v20, v40;
	s26 =	rddreg [dreg:$0x16];
	[tilespmem:s13+$0x0] =	vst v49  }
0x118: {  	s5 =	sor.u32 s29, s5;
	v59 =	vshra.s32 v53, $0x6;
	v58 =	vperm.xlane v32, v42;
	[tilespmem:s26+$0x1300] =	vst v57  }
0x119: {  	vm13 =	vlt.s32 v53, $0x5;
	v61 =	vshra.s32 v53, $0x5;
	v60 =	vperm.xlane v31, v42;
	[tilespmem:s5+$0x0] =	vst v40  }
0x11a: {  	v62 =	vperm.xlane v30, v42;
	vm14 =	vlt.s32 v61, $0x1;
	vm15 =	vlt.s32 v59, $0x1;
	[tilespmem:s10+$0x1300] =	vst v58  }
0x11b: {  	v43 =	vnsel vm13, $0x5, v53;
	v63 =	vshra.s32 v53, $0x3;
	v49 =	vperm.xlane v29, v42;
	[tilespmem:s16+$0x5B00] =	vst v60  }
0x11c: {  	v48 =	vshra.s32 v53, $0x4;
	v50 =	vperm.xlane v28, v42;
	vm4 =	vlt.s32 v63, $0x1;
	[tilespmem:s16+$0x5B80] =	vst v62  }
0x11d: {  	v51 =	vperm.xlane v27, v42;
	v46 =	vnsel vm4, $0x1, v63;
	vm5 =	vlt.s32 v48, $0x1;
	[tilespmem:s16+$0x5C00] =	vst v49  }
0x11e: {  	v52 =	vperm.xlane v26, v42;
	v43 =	vadd.s32 v43, v46;
	v53 =	vnsel vm5, $0x1, v48;
	[tilespmem:s16+$0x5C80] =	vst v50  }
0x11f: {  	v45 =	vnsel vm14, $0x1, v61;
	v54 =	vperm.xlane v25, v42;
	[tilespmem:s16+$0x5D00] =	vst v51;
	v43 =	vadd.s32 v53, v43  }
0x120: {  	v44 =	vnsel vm15, $0x1, v59;
	v55 =	vperm.xlane v24, v42;
	[tilespmem:s16+$0x5D80] =	vst v52;
	v43 =	vadd.s32 v45, v43  }
0x121: {  	v56 =	vperm.xlane v23, v42;
	[tilespmem:s16+$0x5E00] =	vst v54;
	v43 =	vadd.s32 v44, v43  }
0x122: {  	v57 =	vperm.xlane v22, v42;
	[tilespmem:s16+$0x5E80] =	vst v55;
	v44 =	vshrl.u32 v43, $0x1B  }
0x123: {  	v59 =	vperm.xlane v20, v42;
	[tilespmem:s16+$0xA300] =	vst v56;
	v44 =	vand.u32 $0x10, v44  }
0x124: {  	v58 =	vperm.xlane v21, v42;
	[tilespmem:s16+$0xA380] =	vst v57;
	v42 =	vadd.s32 v43, v44  }
0x125: {  	s25 =	rddreg [dreg:$0x10];
	[tilespmem:s16+$0xA480] =	vst v59;
	v60 =	vperm.xlane v39, v42  }
0x126: {  	s0 =	sor.u32 s25, s23;
	[tilespmem:s16+$0xA400] =	vst v58;
	v61 =	vperm.xlane v38, v42  }
0x127: {  	v63 =	vld [tilespmem:s19+$0x10];
	v62 =	vperm.xlane v37, v42;
	[tilespmem:s0+$0x1300] =	vst v60  }
0x128: {  	v48 =	vperm.xlane v36, v42;
	[tilespmem:s0+$0x1380] =	vst v61  }
0x129: {  	v49 =	vperm.xlane v35, v42;
	[tilespmem:s0+$0x1400] =	vst v62  }
0x12a: {  	v50 =	vperm.xlane v34, v42;
	[tilespmem:s0+$0x1480] =	vst v48  }
0x12b: {  	v51 =	vperm.xlane v33, v42;
	[tilespmem:s0+$0x1500] =	vst v49  }
0x12c: {  	v53 =	vshra.s32 v63, $0x6;
	v52 =	vperm.xlane v32, v42;
	[tilespmem:s0+$0x1580] =	vst v50  }
0x12d: {  	s28 =	rddreg [dreg:$0xc];
	vm6 =	vlt.s32 v63, $0x5;
	v55 =	vshra.s32 v63, $0x5;
	v54 =	vperm.xlane v31, v42;
	[tilespmem:s0+$0x1600] =	vst v51  }
0x12e: {  	v57 =	vshra.s32 v63, $0x3;
	v58 =	vshra.s32 v63, $0x4;
	v56 =	vperm.xlane v30, v42;
	[tilespmem:s28+$0x1300] =	vst v52  }
0x12f: {  	vm7 =	vlt.s32 v55, $0x1;
	vm8 =	vlt.s32 v53, $0x1;
	v59 =	vperm.xlane v29, v42;
	[tilespmem:s0+$0x5B00] =	vst v54  }
0x130: {  	vm9 =	vlt.s32 v57, $0x1;
	vm10 =	vlt.s32 v58, $0x1;
	v60 =	vperm.xlane v28, v42;
	[tilespmem:s0+$0x5B80] =	vst v56  }
0x131: {  	v43 =	vnsel vm6, $0x5, v63;
	v46 =	vnsel vm9, $0x1, v57;
	v61 =	vperm.xlane v27, v42;
	[tilespmem:s0+$0x5C00] =	vst v59  }
0x132: {  	v63 =	vnsel vm10, $0x1, v58;
	v43 =	vadd.s32 v43, v46;
	v62 =	vperm.xlane v26, v42;
	[tilespmem:s0+$0x5C80] =	vst v60  }
0x133: {  	v45 =	vnsel vm7, $0x1, v55;
	v43 =	vadd.s32 v63, v43;
	v48 =	vperm.xlane v25, v42;
	[tilespmem:s0+$0x5D00] =	vst v61  }
0x134: {  	v44 =	vnsel vm8, $0x1, v53;
	v49 =	vperm.xlane v24, v42;
	v43 =	vadd.s32 v45, v43;
	[tilespmem:s0+$0x5D80] =	vst v62  }
0x135: {  	v50 =	vperm.xlane v23, v42;
	v43 =	vadd.s32 v44, v43;
	[tilespmem:s0+$0x5E00] =	vst v48  }
0x136: {  	v51 =	vperm.xlane v22, v42;
	[tilespmem:s0+$0x5E80] =	vst v49;
	v44 =	vshrl.u32 v43, $0x1B  }
0x137: {  	v53 =	vperm.xlane v20, v42;
	[tilespmem:s0+$0xA300] =	vst v50;
	v44 =	vand.u32 $0x10, v44  }
0x138: {  	v52 =	vperm.xlane v21, v42;
	[tilespmem:s0+$0xA380] =	vst v51;
	v42 =	vadd.s32 v43, v44  }
0x139: {  	s29 =	rddreg [dreg:$0x11];
	[tilespmem:s0+$0xA480] =	vst v53;
	v54 =	vperm.xlane v39, v42  }
0x13a: {  	s17 =	sor.u32 s29, s17;
	[tilespmem:s0+$0xA400] =	vst v52;
	v55 =	vperm.xlane v38, v42  }
0x13b: {  	v56 =	vperm.xlane v37, v42;
	[tilespmem:s17+$0x1300] =	vst v54  }
0x13c: {  	v57 =	vld [tilespmem:s19+$0x20];
	v58 =	vperm.xlane v36, v42;
	[tilespmem:s17+$0x1380] =	vst v55  }
0x13d: {  	v59 =	vperm.xlane v35, v42;
	[tilespmem:s17+$0x1400] =	vst v56  }
0x13e: {  	v60 =	vperm.xlane v34, v42;
	[tilespmem:s17+$0x1480] =	vst v58  }
0x13f: {  	v61 =	vperm.xlane v33, v42;
	[tilespmem:s17+$0x1500] =	vst v59  }
0x140: {  	s30 =	rddreg [dreg:$0x8];
	v62 =	vperm.xlane v32, v42;
	[tilespmem:s17+$0x1580] =	vst v60  }
0x141: {  	s31 =	rddreg [dreg:$0xa];
	v63 =	vshra.s32 v57, $0x6;
	v48 =	vperm.xlane v31, v42;
	[tilespmem:s30+$0x1300] =	vst v61  }
0x142: {  	vm11 =	vlt.s32 v57, $0x5;
	v49 =	vshra.s32 v57, $0x5;
	v50 =	vperm.xlane v30, v42;
	[tilespmem:s31+$0x1300] =	vst v62  }
0x143: {  	v51 =	vshra.s32 v57, $0x3;
	v52 =	vshra.s32 v57, $0x4;
	v53 =	vperm.xlane v29, v42;
	[tilespmem:s17+$0x5B00] =	vst v48  }
0x144: {  	vm12 =	vlt.s32 v49, $0x1;
	vm13 =	vlt.s32 v63, $0x1;
	v54 =	vperm.xlane v28, v42;
	[tilespmem:s17+$0x5B80] =	vst v50  }
0x145: {  	vm14 =	vlt.s32 v51, $0x1;
	v43 =	vnsel vm11, $0x5, v57;
	v55 =	vperm.xlane v27, v42;
	[tilespmem:s17+$0x5C00] =	vst v53  }
0x146: {  	v46 =	vnsel vm14, $0x1, v51;
	vm15 =	vlt.s32 v52, $0x1;
	v56 =	vperm.xlane v26, v42;
	[tilespmem:s17+$0x5C80] =	vst v54  }
0x147: {  	v43 =	vadd.s32 v43, v46;
	v57 =	vnsel vm15, $0x1, v52;
	v58 =	vperm.xlane v25, v42;
	[tilespmem:s17+$0x5D00] =	vst v55  }
0x148: {  	v45 =	vnsel vm12, $0x1, v49;
	v43 =	vadd.s32 v57, v43;
	v59 =	vperm.xlane v24, v42;
	[tilespmem:s17+$0x5D80] =	vst v56  }
0x149: {  	v44 =	vnsel vm13, $0x1, v63;
	v43 =	vadd.s32 v45, v43;
	v60 =	vperm.xlane v23, v42;
	[tilespmem:s17+$0x5E00] =	vst v58  }
.Ltmp2:
0x14a: {  	v43 =	vadd.s32 v44, v43;
	v61 =	vperm.xlane v22, v42;
	[tilespmem:s17+$0x5E80] =	vst v59;
	(pc) =	sbr.rel @p2 .LBB2_3-.Ltmp2, $4  }
0x14b: {  	s9 =	rddreg [dreg:$0x4];
	v63 =	vperm.xlane v20, v42;
	v44 =	vshrl.u32 v43, $0x1B;
	[tilespmem:s17+$0xA300] =	vst v60  }
0x14c: {  	s25 =	rddreg [dreg:$0x12];
	v62 =	vperm.xlane v21, v42;
	v44 =	vand.u32 $0x10, v44;
	[tilespmem:s17+$0xA380] =	vst v61  }
0x14d: {  	s13 =	rddreg [dreg:$0x18];
	[tilespmem:s17+$0xA480] =	vst v63;
	v40 =	vadd.s32 v43, v44  }
0x14e: {  	s7 =	sadd.s32 $0x60, s7;
	s23 =	sor.u32 s25, s21;
	s10 =	rddreg [dreg:$0x6];
	[tilespmem:s17+$0xA400] =	vst v62;
	v42 =	vperm.xlane v39, v40;
	v41 =	vperm.xlane v38, v40  }
0x14f: {  	_ = 	snop  }
0x150: {  	v62 =	vperm.xlane v37, v40;
	[tilespmem:s23+$0x1300] =	vst v42  }
0x151: {  	v63 =	vperm.xlane v36, v40;
	[tilespmem:s23+$0x1380] =	vst v41  }
0x152: {  	v45 =	vperm.xlane v35, v40;
	[tilespmem:s23+$0x1400] =	vst v62  }
0x153: {  	v46 =	vperm.xlane v34, v40;
	[tilespmem:s23+$0x1480] =	vst v63  }
0x154: {  	v43 =	vperm.xlane v33, v40;
	[tilespmem:s23+$0x1500] =	vst v45  }
0x155: {  	v47 =	vperm.xlane v32, v40;
	[tilespmem:s23+$0x1580] =	vst v46  }
0x156: {  	v48 =	vperm.xlane v31, v40;
	[tilespmem:s23+$0x1600] =	vst v43  }
0x157: {  	v49 =	vperm.xlane v30, v40;
	[tilespmem:s13+$0x1300] =	vst v47  }
0x158: {  	v50 =	vperm.xlane v29, v40;
	[tilespmem:s23+$0x5B00] =	vst v48  }
0x159: {  	v51 =	vperm.xlane v28, v40;
	[tilespmem:s23+$0x5B80] =	vst v49  }
0x15a: {  	v52 =	vperm.xlane v27, v40;
	[tilespmem:s23+$0x5C00] =	vst v50  }
0x15b: {  	v53 =	vperm.xlane v26, v40;
	[tilespmem:s23+$0x5C80] =	vst v51  }
0x15c: {  	v54 =	vperm.xlane v25, v40;
	[tilespmem:s23+$0x5D00] =	vst v52  }
0x15d: {  	v55 =	vperm.xlane v24, v40;
	[tilespmem:s23+$0x5D80] =	vst v53  }
0x15e: {  	v56 =	vperm.xlane v23, v40;
	[tilespmem:s23+$0x5E00] =	vst v54  }
0x15f: {  	v57 =	vperm.xlane v22, v40;
	[tilespmem:s23+$0x5E80] =	vst v55  }
0x160: {  	[tilespmem:s23+$0xA300] =	vst v56  }
0x161: {  	s0 =	sld [smem:$0x7F7];
	[tilespmem:s23+$0xA380] =	vst v57  }
0x162: {  	s18 =	sld [smem:$0x7F9]  }
0x163: {  	s2 =	sld [smem:$0x7F8];
	_ =	sdelay $0x1  }
0x164: {  	v58 =	vperm.xlane v21, v40;
	s1 =	rddreg [dreg:$0x1e];
	p2 =	seq.s32 s0, $0x6  }
0x165: {  	v59 =	vperm.xlane v20, v40;
	s10 =	rddreg [dreg:$0x2];
	s9 =	smul.u32 $0x900, s18;
	s1 =	sadd.s32 @!p2 s1, s2  }
0x166: {  	s11 =	simm.s32 $0x4800;
	s3 =	simm.s32 $0x7A1400;
	[tilespmem:s23+$0xA400] =	vst v58;
	s1 =	smin.u32 @!p2 s1, $0x1B1  }
0x167: {  	s4 =	simm.s32 $0x1300;
	[tilespmem:s23+$0xA480] =	vst v59;
	s0 =	sadd.s32 s10, s9;
	s1 =	smul.u32 @!p2 $0x120, s1  }
0x168: {  	[hbm4b:s0+s11] =	stream.strided.scatter [tilespmem:s4], [sflag:$0x3], $0xD800, s3, s11, $0x38;
	[tilespmem:$0x1CF00] =	vst v63  }
0x169: {  	s0 =	rddreg [dreg:$0x0]  }
0x16a: {  	s12 =	simm.s32 $0x2;
	s0 =	sadd.s32 @!p2 s0, s1;
	s1 =	simm.s32 @!p2 $0x0  }
0x16b: {  	[tilespmem:s1], [sflag:$0x1] =	stream.linear.gather @!p2 [hbm4b:s0+s1], $0x900, $0x38;
	[tilespmem:$0x1CF00] =	vst v63  }
0x16c: {  	_ =	swait.ge [sflag:s12], $0x900  }
0x16d: {  	[sflag:s12] =	ssyncset.done $0x0  }
0x16e: {  	s2 =	simm.s32 @!p1 $0x4;
	s1 =	simm.s32 $0x0;
	[sflag:s12] =	ssyncadd.s32 $0xFFFFF700  }
0x16f: {  	s0 =	sand.u32 $0x60, s1;
	_ =	swait.ge @!p1 [sflag:s2], $0xD800  }
0x170: {  	s13 =	sand.u32 $0xF80, s1;
	s3 =	sor.u32 $0x10, s0;
	[sflag:s2] =	ssyncset.done @!p1 $0x0  }
0x171: {  	s14 =	sor.u32 s3, s13;
	[sflag:s2] =	ssyncadd.s32 @!p1 $0xFFFF2800  }
0x172: {  	v60 =	vld [tilespmem:s14+$0x900];
	_ =	sdelay $0x4  }
0x173: {  	v61 =	vshra.s32 v60, $0x3;
	v62 =	vshra.s32 v60, $0x5;
	v63 =	vshra.s32 v60, $0x6  }
0x174: {  	vm0 =	vlt.s32 v60, $0x5;
	v44 =	vshra.s32 v60, $0x4;
	vm1 =	vlt.s32 v61, $0x1  }
0x175: {  	s19 =	simm.s32 $0x930;
	v40 =	vnsel vm0, $0x5, v60;
	vm13 =	vlt.s32 v44, $0x1;
	v41 =	vnsel vm1, $0x1, v61  }
0x176: {  	v52 =	vld [tilespmem:s19+$0xFFFFFFD0];
	vm14 =	vlt.s32 v62, $0x1;
	v48 =	vnsel vm13, $0x1, v44;
	v40 =	vadd.s32 v40, v41  }
0x177: {  	vm15 =	vlt.s32 v63, $0x1;
	v49 =	vnsel vm14, $0x1, v62;
	v40 =	vadd.s32 v48, v40  }
0x178: {  	v50 =	vnsel vm15, $0x1, v63;
	v40 =	vadd.s32 v49, v40  }
0x179: {  	v40 =	vadd.s32 v50, v40  }
0x17a: {  	v41 =	vshrl.u32 v40, $0x1B  }
0x17b: {  	v58 =	vshra.s32 v52, $0x6;
	v41 =	vand.u32 $0x10, v41  }
0x17c: {  	s9 =	sand.u32 $0x7C00, s1;
	vm4 =	vlt.s32 v52, $0x5;
	v45 =	vshra.s32 v52, $0x5;
	v40 =	vadd.s32 v40, v41  }
0x17d: {  	s5 =	sadd.s32 $0xEB00, s9;
	v46 =	vshra.s32 v52, $0x3;
	v47 =	vshra.s32 v52, $0x4;
	v41 =	vperm.xlane v39, v40  }
0x17e: {  	s15 =	sor.u32 s3, s5;
	vm5 =	vlt.s32 v45, $0x1;
	vm2 =	vlt.s32 v58, $0x1;
	v51 =	vperm.xlane v38, v40  }
0x17f: {  	v43 =	vnsel vm4, $0x5, v52;
	vm6 =	vlt.s32 v46, $0x1;
	v53 =	vperm.xlane v37, v40;
	[tilespmem:s15+$0x0] =	vst v41  }
0x180: {  	s16 =	sand.u32 $0x3, s1;
	vm7 =	vlt.s32 v47, $0x1;
	v46 =	vnsel vm6, $0x1, v46;
	v54 =	vperm.xlane v36, v40;
	[tilespmem:s15+$0x80] =	vst v51  }
0x181: {  	s4 =	sshll.u32 s16, $0x5;
	v43 =	vadd.s32 v43, v46;
	v49 =	vnsel vm7, $0x1, v47;
	v55 =	vperm.xlane v35, v40;
	[tilespmem:s15+$0x100] =	vst v53  }
0x182: {  	s4 =	sadd.s32 $0x0, s4;
	v45 =	vnsel vm5, $0x1, v45;
	v43 =	vadd.s32 v49, v43;
	v56 =	vperm.xlane v34, v40;
	[tilespmem:s15+$0x180] =	vst v54  }
0x183: {  	s7 =	sadd.s32 $0x10, s4;
	v44 =	vnsel vm2, $0x1, v58;
	v43 =	vadd.s32 v45, v43;
	v57 =	vperm.xlane v33, v40;
	[tilespmem:s15+$0x200] =	vst v55  }
0x184: {  	s17 =	sor.u32 $0x300, s7;
	v43 =	vadd.s32 v44, v43;
	v59 =	vperm.xlane v32, v40;
	[tilespmem:s15+$0x280] =	vst v56  }
0x185: {  	s6 =	sadd.s32 $0x13300, s9;
	s20 =	sor.u32 $0x380, s7;
	v44 =	vshrl.u32 v43, $0x1B;
	v60 =	vperm.xlane v31, v40;
	[tilespmem:s17+$0xEB00] =	vst v57  }
0x186: {  	s21 =	sor.u32 s3, s6;
	s7 =	sadd.s32 $0x13380, s9;
	v61 =	vperm.xlane v30, v40;
	v44 =	vand.u32 $0x10, v44;
	[tilespmem:s20+$0xEB00] =	vst v59  }
0x187: {  	s8 =	sadd.s32 $0x13400, s9;
	s22 =	sor.u32 s3, s7;
	v62 =	vperm.xlane v29, v40;
	v43 =	vadd.s32 v43, v44;
	[tilespmem:s21+$0x0] =	vst v60  }
0x188: {  	s23 =	sor.u32 s3, s8;
	v56 =	vperm.xlane v39, v43;
	[tilespmem:s22+$0x0] =	vst v61  }
0x189: {  	v57 =	vperm.xlane v38, v43;
	s22 =	sor.u32 s0, s5;
	[tilespmem:s23+$0x0] =	vst v62  }
0x18a: {  	v58 =	vperm.xlane v37, v43;
	[tilespmem:s22+$0x0] =	vst v56  }
0x18b: {  	v60 =	vperm.xlane v36, v43;
	[tilespmem:s22+$0x80] =	vst v57  }
0x18c: {  	s10 =	sadd.s32 $0x13480, s9;
	v63 =	vperm.xlane v28, v40;
	[tilespmem:s22+$0x100] =	vst v58  }
0x18d: {  	s24 =	sor.u32 s3, s10;
	v61 =	vperm.xlane v35, v43;
	[tilespmem:s22+$0x180] =	vst v60  }
0x18e: {  	s11 =	sadd.s32 $0x13500, s9;
	v48 =	vperm.xlane v27, v40;
	[tilespmem:s24+$0x0] =	vst v63  }
0x18f: {  	s25 =	sor.u32 s3, s11;
	v62 =	vperm.xlane v34, v43;
	[tilespmem:s22+$0x200] =	vst v61  }
0x190: {  	s12 =	sadd.s32 $0x13580, s9;
	v50 =	vperm.xlane v26, v40;
	[tilespmem:s25+$0x0] =	vst v48  }
0x191: {  	s26 =	sor.u32 s3, s12;
	v63 =	vperm.xlane v33, v43;
	[tilespmem:s22+$0x280] =	vst v62  }
0x192: {  	s13 =	sadd.s32 $0x13600, s9;
	v51 =	vperm.xlane v25, v40;
	s23 =	sor.u32 $0x300, s4;
	[tilespmem:s26+$0x0] =	vst v50  }
0x193: {  	s28 =	sor.u32 s3, s13;
	v48 =	vperm.xlane v32, v43;
	[tilespmem:s23+$0xEB00] =	vst v63  }
0x194: {  	s14 =	sadd.s32 $0x13680, s9;
	v52 =	vperm.xlane v24, v40;
	v59 =	vld [tilespmem:s19+$0xFFFFFFF0];
	s24 =	sor.u32 $0x380, s4;
	[tilespmem:s28+$0x0] =	vst v51  }
0x195: {  	s29 =	sor.u32 s3, s14;
	v50 =	vperm.xlane v31, v43;
	[tilespmem:s24+$0xEB00] =	vst v48  }
0x196: {  	s15 =	sadd.s32 $0x17B00, s9;
	v53 =	vperm.xlane v23, v40;
	v54 =	vperm.xlane v22, v40;
	s25 =	sor.u32 s0, s6;
	[tilespmem:s29+$0x0] =	vst v52  }
0x197: {  	v55 =	vperm.xlane v21, v40;
	v40 =	vperm.xlane v20, v40;
	s17 =	sadd.s32 $0x17B80, s9;
	s30 =	sor.u32 s3, s15;
	[tilespmem:s25+$0x0] =	vst v50  }
0x198: {  	s31 =	sor.u32 s3, s17;
	v56 =	vperm.xlane v28, v43;
	v52 =	vperm.xlane v30, v43;
	[tilespmem:s30+$0x0] =	vst v53  }
0x199: {  	s16 =	sadd.s32 $0x17C00, s9;
	v57 =	vperm.xlane v27, v43;
	v58 =	vperm.xlane v26, v43;
	vm8 =	vlt.s32 v59, $0x5;
	s26 =	sor.u32 s0, s7;
	[tilespmem:s31+$0x0] =	vst v54  }
0x19a: {  	s9 =	sadd.s32 $0x17C80, s9;
	s20 =	sor.u32 s3, s16;
	v49 =	vshra.s32 v59, $0x6;
	v42 =	vnsel vm8, $0x5, v59;
	v53 =	vshra.s32 v59, $0x3;
	[tilespmem:s26+$0x0] =	vst v52  }
0x19b: {  	s21 =	sor.u32 s3, s9;
	v54 =	vshra.s32 v59, $0x4;
	vm11 =	vlt.s32 v53, $0x1;
	[tilespmem:s20+$0x0] =	vst v55;
	v55 =	vperm.xlane v29, v43  }
0x19c: {  	v51 =	vshra.s32 v59, $0x5;
	s28 =	sor.u32 s0, s8;
	v46 =	vnsel vm11, $0x1, v53;
	vm12 =	vlt.s32 v54, $0x1;
	[tilespmem:s21+$0x0] =	vst v40  }
0x19d: {  	vm9 =	vlt.s32 v51, $0x1;
	s29 =	sor.u32 s0, s10;
	v42 =	vadd.s32 v42, v46;
	v59 =	vnsel vm12, $0x1, v54;
	[tilespmem:s28+$0x0] =	vst v55  }
0x19e: {  	vm10 =	vlt.s32 v49, $0x1;
	s30 =	sor.u32 s0, s11;
	v45 =	vnsel vm9, $0x1, v51;
	v42 =	vadd.s32 v59, v42;
	[tilespmem:s29+$0x0] =	vst v56  }
0x19f: {  	v60 =	vperm.xlane v25, v43;
	v44 =	vnsel vm10, $0x1, v49;
	s31 =	sor.u32 s0, s12;
	v42 =	vadd.s32 v45, v42;
	[tilespmem:s30+$0x0] =	vst v57  }
0x1a0: {  	s4 =	sor.u32 s0, s13;
	v61 =	vperm.xlane v24, v43;
	v42 =	vadd.s32 v44, v42;
	[tilespmem:s31+$0x0] =	vst v58  }
0x1a1: {  	s5 =	sor.u32 s0, s14;
	v62 =	vperm.xlane v23, v43;
	v44 =	vshrl.u32 v42, $0x1B;
	[tilespmem:s4+$0x0] =	vst v60  }
0x1a2: {  	s6 =	sor.u32 s0, s15;
	v63 =	vperm.xlane v22, v43;
	v44 =	vand.u32 $0x10, v44;
	[tilespmem:s5+$0x0] =	vst v61  }
0x1a3: {  	s7 =	sor.u32 s0, s17;
	v48 =	vperm.xlane v21, v43;
	s8 =	simm.s32 $0x20;
	s10 =	simm.s32 $0x100;
	v42 =	vadd.s32 v42, v44;
	[tilespmem:s6+$0x0] =	vst v62  }
0x1a4: {  	s2 =	sand.u32 $0x60, s8;
	s11 =	sor.u32 s0, s16;
	s12 =	sand.u32 $0xFC00, s10;
	v50 =	vperm.xlane v39, v42;
	[tilespmem:s7+$0x0] =	vst v63  }
0x1a5: {  	s14 =	sor.u32 s2, s12;
	v51 =	vperm.xlane v38, v42;
	[tilespmem:s11+$0x0] =	vst v48  }
0x1a6: {  	v52 =	vperm.xlane v37, v42;
	[tilespmem:s14+$0xEB00] =	vst v50  }
0x1a7: {  	v53 =	vld [tilespmem:s19+$0x0];
	v54 =	vperm.xlane v36, v42;
	[tilespmem:s14+$0xEB80] =	vst v51  }
0x1a8: {  	s6 =	simm.s32 $0x1;
	v55 =	vperm.xlane v35, v42;
	[tilespmem:s14+$0xEC00] =	vst v52  }
0x1a9: {  	v56 =	vperm.xlane v34, v42;
	s15 =	sand.u32 $0x3, s6;
	[tilespmem:s14+$0xEC80] =	vst v54  }
0x1aa: {  	v49 =	vperm.xlane v20, v43;
	s2 =	sshll.u32 s15, $0x5;
	[tilespmem:s14+$0xED00] =	vst v55  }
0x1ab: {  	s13 =	sor.u32 s0, s9;
	v57 =	vperm.xlane v33, v42;
	[tilespmem:s14+$0xED80] =	vst v56;
	s2 =	sadd.s32 $0x100, s2  }
0x1ac: {  	v59 =	vshra.s32 v53, $0x6;
	v58 =	vperm.xlane v32, v42;
	[tilespmem:s13+$0x0] =	vst v49;
	s16 =	sor.u32 $0x300, s2  }
0x1ad: {  	vm13 =	vlt.s32 v53, $0x5;
	vm15 =	vlt.s32 v59, $0x1;
	v60 =	vperm.xlane v31, v42;
	s2 =	sor.u32 $0x380, s2;
	[tilespmem:s16+$0xEB00] =	vst v57  }
0x1ae: {  	v43 =	vnsel vm13, $0x5, v53;
	v61 =	vshra.s32 v53, $0x5;
	v62 =	vperm.xlane v30, v42;
	[tilespmem:s2+$0xEB00] =	vst v58  }
0x1af: {  	vm14 =	vlt.s32 v61, $0x1;
	v63 =	vshra.s32 v53, $0x3;
	v49 =	vperm.xlane v29, v42;
	[tilespmem:s14+$0x13300] =	vst v60  }
0x1b0: {  	v48 =	vshra.s32 v53, $0x4;
	v50 =	vperm.xlane v28, v42;
	vm4 =	vlt.s32 v63, $0x1;
	[tilespmem:s14+$0x13380] =	vst v62  }
0x1b1: {  	v51 =	vperm.xlane v27, v42;
	v46 =	vnsel vm4, $0x1, v63;
	vm5 =	vlt.s32 v48, $0x1;
	[tilespmem:s14+$0x13400] =	vst v49  }
0x1b2: {  	v52 =	vperm.xlane v26, v42;
	v43 =	vadd.s32 v43, v46;
	v53 =	vnsel vm5, $0x1, v48;
	[tilespmem:s14+$0x13480] =	vst v50  }
0x1b3: {  	v45 =	vnsel vm14, $0x1, v61;
	v54 =	vperm.xlane v25, v42;
	v43 =	vadd.s32 v53, v43;
	[tilespmem:s14+$0x13500] =	vst v51  }
0x1b4: {  	v44 =	vnsel vm15, $0x1, v59;
	v55 =	vperm.xlane v24, v42;
	v43 =	vadd.s32 v45, v43;
	[tilespmem:s14+$0x13580] =	vst v52  }
0x1b5: {  	v56 =	vperm.xlane v23, v42;
	[tilespmem:s14+$0x13600] =	vst v54;
	v43 =	vadd.s32 v44, v43  }
0x1b6: {  	v57 =	vperm.xlane v22, v42;
	[tilespmem:s14+$0x13680] =	vst v55;
	v44 =	vshrl.u32 v43, $0x1B  }
0x1b7: {  	v59 =	vperm.xlane v20, v42;
	[tilespmem:s14+$0x17B00] =	vst v56;
	v44 =	vand.u32 $0x10, v44  }
0x1b8: {  	s17 =	simm.s32 $0x30;
	s20 =	simm.s32 $0x180;
	v58 =	vperm.xlane v21, v42;
	[tilespmem:s14+$0x17B80] =	vst v57;
	v42 =	vadd.s32 v43, v44  }
0x1b9: {  	s3 =	sand.u32 $0xFC00, s20;
	s2 =	sand.u32 $0x70, s17;
	[tilespmem:s14+$0x17C80] =	vst v59;
	v60 =	vperm.xlane v39, v42  }
0x1ba: {  	s2 =	sor.u32 s2, s3;
	[tilespmem:s14+$0x17C00] =	vst v58;
	v61 =	vperm.xlane v38, v42  }
0x1bb: {  	v63 =	vld [tilespmem:s19+$0x10];
	v62 =	vperm.xlane v37, v42;
	[tilespmem:s2+$0xEB00] =	vst v60  }
0x1bc: {  	s8 =	simm.s32 $0x2;
	v48 =	vperm.xlane v36, v42;
	[tilespmem:s2+$0xEB80] =	vst v61  }
0x1bd: {  	s21 =	sand.u32 $0x7, s8;
	v49 =	vperm.xlane v35, v42;
	[tilespmem:s2+$0xEC00] =	vst v62  }
0x1be: {  	s0 =	sshll.u32 s21, $0x4;
	v50 =	vperm.xlane v34, v42;
	[tilespmem:s2+$0xEC80] =	vst v48  }
0x1bf: {  	s0 =	sadd.s32 $0x0, s0;
	v51 =	vperm.xlane v33, v42;
	[tilespmem:s2+$0xED00] =	vst v49  }
0x1c0: {  	s0 =	sadd.s32 $0x190, s0;
	v53 =	vshra.s32 v63, $0x6;
	v52 =	vperm.xlane v32, v42;
	[tilespmem:s2+$0xED80] =	vst v50  }
0x1c1: {  	s0 =	sor.u32 $0x300, s0;
	vm6 =	vlt.s32 v63, $0x5;
	v55 =	vshra.s32 v63, $0x5;
	v54 =	vperm.xlane v31, v42;
	[tilespmem:s2+$0xEE00] =	vst v51  }
0x1c2: {  	v57 =	vshra.s32 v63, $0x3;
	v58 =	vshra.s32 v63, $0x4;
	v56 =	vperm.xlane v30, v42;
	[tilespmem:s0+$0xEB00] =	vst v52  }
0x1c3: {  	vm7 =	vlt.s32 v55, $0x1;
	vm8 =	vlt.s32 v53, $0x1;
	v59 =	vperm.xlane v29, v42;
	[tilespmem:s2+$0x13300] =	vst v54  }
0x1c4: {  	vm9 =	vlt.s32 v57, $0x1;
	vm10 =	vlt.s32 v58, $0x1;
	v60 =	vperm.xlane v28, v42;
	[tilespmem:s2+$0x13380] =	vst v56  }
0x1c5: {  	v43 =	vnsel vm6, $0x5, v63;
	v46 =	vnsel vm9, $0x1, v57;
	v61 =	vperm.xlane v27, v42;
	[tilespmem:s2+$0x13400] =	vst v59  }
0x1c6: {  	v63 =	vnsel vm10, $0x1, v58;
	v43 =	vadd.s32 v43, v46;
	v62 =	vperm.xlane v26, v42;
	[tilespmem:s2+$0x13480] =	vst v60  }
0x1c7: {  	v45 =	vnsel vm7, $0x1, v55;
	v43 =	vadd.s32 v63, v43;
	v48 =	vperm.xlane v25, v42;
	[tilespmem:s2+$0x13500] =	vst v61  }
0x1c8: {  	v44 =	vnsel vm8, $0x1, v53;
	v49 =	vperm.xlane v24, v42;
	v43 =	vadd.s32 v45, v43;
	[tilespmem:s2+$0x13580] =	vst v62  }
0x1c9: {  	v50 =	vperm.xlane v23, v42;
	v43 =	vadd.s32 v44, v43;
	[tilespmem:s2+$0x13600] =	vst v48  }
0x1ca: {  	v51 =	vperm.xlane v22, v42;
	[tilespmem:s2+$0x13680] =	vst v49;
	v44 =	vshrl.u32 v43, $0x1B  }
0x1cb: {  	v53 =	vperm.xlane v20, v42;
	[tilespmem:s2+$0x17B00] =	vst v50;
	v44 =	vand.u32 $0x10, v44  }
0x1cc: {  	s22 =	simm.s32 $0x40;
	s23 =	simm.s32 $0x200;
	v52 =	vperm.xlane v21, v42;
	[tilespmem:s2+$0x17B80] =	vst v51;
	v42 =	vadd.s32 v43, v44  }
0x1cd: {  	s3 =	sand.u32 $0xFC00, s23;
	s0 =	sand.u32 $0x60, s22;
	[tilespmem:s2+$0x17C80] =	vst v53;
	v54 =	vperm.xlane v39, v42  }
0x1ce: {  	s0 =	sor.u32 s0, s3;
	[tilespmem:s2+$0x17C00] =	vst v52;
	v55 =	vperm.xlane v38, v42  }
0x1cf: {  	v56 =	vperm.xlane v37, v42;
	[tilespmem:s0+$0xEB00] =	vst v54  }
0x1d0: {  	v58 =	vperm.xlane v36, v42;
	[tilespmem:s0+$0xEB80] =	vst v55  }
0x1d1: {  	s24 =	sand.u32 $0x3, s8;
	v59 =	vperm.xlane v35, v42;
	[tilespmem:s0+$0xEC00] =	vst v56  }
0x1d2: {  	v57 =	vld [tilespmem:s19+$0x20];
	s2 =	sshll.u32 s24, $0x5;
	v60 =	vperm.xlane v34, v42;
	[tilespmem:s0+$0xEC80] =	vst v58  }
0x1d3: {  	s2 =	sadd.s32 $0x200, s2;
	v61 =	vperm.xlane v33, v42;
	[tilespmem:s0+$0xED00] =	vst v59  }
0x1d4: {  	s25 =	sor.u32 $0x300, s2;
	v62 =	vperm.xlane v32, v42;
	[tilespmem:s0+$0xED80] =	vst v60  }
0x1d5: {  	s2 =	sor.u32 $0x380, s2;
	v48 =	vperm.xlane v31, v42;
	[tilespmem:s25+$0xEB00] =	vst v61  }
0x1d6: {  	v50 =	vperm.xlane v30, v42;
	[tilespmem:s2+$0xEB00] =	vst v62  }
0x1d7: {  	v63 =	vshra.s32 v57, $0x6;
	vm11 =	vlt.s32 v57, $0x5;
	v53 =	vperm.xlane v29, v42;
	[tilespmem:s0+$0x13300] =	vst v48  }
0x1d8: {  	v49 =	vshra.s32 v57, $0x5;
	v51 =	vshra.s32 v57, $0x3;
	v54 =	vperm.xlane v28, v42;
	[tilespmem:s0+$0x13380] =	vst v50  }
0x1d9: {  	v52 =	vshra.s32 v57, $0x4;
	vm12 =	vlt.s32 v49, $0x1;
	v55 =	vperm.xlane v27, v42;
	[tilespmem:s0+$0x13400] =	vst v53  }
0x1da: {  	vm14 =	vlt.s32 v51, $0x1;
	v43 =	vnsel vm11, $0x5, v57;
	v56 =	vperm.xlane v26, v42;
	[tilespmem:s0+$0x13480] =	vst v54  }
0x1db: {  	v46 =	vnsel vm14, $0x1, v51;
	vm15 =	vlt.s32 v52, $0x1;
	v58 =	vperm.xlane v25, v42;
	[tilespmem:s0+$0x13500] =	vst v55  }
0x1dc: {  	s26 =	sor.u32 $0x20, s18;
	vm13 =	vlt.s32 v63, $0x1;
	v43 =	vadd.s32 v43, v46;
	v57 =	vnsel vm15, $0x1, v52;
	[tilespmem:s0+$0x13580] =	vst v56  }
0x1dd: {  	v45 =	vnsel vm12, $0x1, v49;
	v43 =	vadd.s32 v57, v43;
	v59 =	vperm.xlane v24, v42;
	s2 =	smin.u32 s26, $0x1B1;
	[tilespmem:s0+$0x13600] =	vst v58  }
0x1de: {  	s9 =	simm.s32 $0x4;
	v44 =	vnsel vm13, $0x1, v63;
	v43 =	vadd.s32 v45, v43;
	v60 =	vperm.xlane v23, v42;
	[smem:$0x7F6] =	sst s2  }
0x1df: {  	s10 =	simm.s32 $0x2;
	s28 =	sand.u32 $0x7, s9;
	v43 =	vadd.s32 v44, v43;
	v61 =	vperm.xlane v22, v42;
	[tilespmem:s0+$0x13680] =	vst v59  }
0x1e0: {  	s12 =	simm.s32 $0x0;
	s29 =	sshll.u32 s28, $0x4;
	s31 =	simm.s32 $0x280;
	v44 =	vshrl.u32 v43, $0x1B;
	v62 =	vperm.xlane v21, v42;
	[tilespmem:s0+$0x17B00] =	vst v60  }
0x1e1: {  	s30 =	simm.s32 $0x50;
	s4 =	sand.u32 $0xFC00, s31;
	v63 =	vperm.xlane v20, v42;
	v44 =	vand.u32 $0x10, v44;
	s2 =	sadd.s32 $0x0, s29;
	[tilespmem:s0+$0x17B80] =	vst v61  }
0x1e2: {  	s7 =	simm.s32 $0x60;
	s3 =	sand.u32 $0x70, s30;
	v40 =	vadd.s32 v43, v44;
	s2 =	sadd.s32 $0x290, s2;
	[tilespmem:s0+$0x17C00] =	vst v62  }
0x1e3: {  	s11 =	simm.s32 $0x0;
	s23 =	sor.u32 s3, s4;
	v42 =	vperm.xlane v39, v40;
	[tilespmem:s0+$0x17C80] =	vst v63;
	v41 =	vperm.xlane v38, v40;
	s13 =	sor.u32 $0x300, s2  }
.LBB2_5:
0x1e4: {  	_ = 	snop  }
0x1e5: {  	s29 =	sand.u32 $0x60, s7;
	v57 =	vperm.xlane v37, v40;
	[tilespmem:s23+$0xEB00] =	vst v42  }
0x1e6: {  	s4 =	sand.u32 $0xF80, s7;
	v58 =	vperm.xlane v36, v40;
	s0 =	sor.u32 $0x10, s29;
	[tilespmem:s23+$0xEB80] =	vst v41  }
0x1e7: {  	v59 =	vperm.xlane v35, v40;
	s4 =	sor.u32 s0, s4;
	[tilespmem:s23+$0xEC00] =	vst v57  }
0x1e8: {  	v60 =	vperm.xlane v34, v40;
	v44 =	vperm.xlane v33, v40;
	[tilespmem:s23+$0xEC80] =	vst v58;
	v43 =	vld [tilespmem:s4+$0x900]  }
0x1e9: {  	v61 =	vperm.xlane v32, v40;
	v45 =	vperm.xlane v31, v40;
	[tilespmem:s23+$0xED00] =	vst v59  }
0x1ea: {  	v62 =	vperm.xlane v30, v40;
	v46 =	vperm.xlane v29, v40;
	[tilespmem:s23+$0xED80] =	vst v60  }
0x1eb: {  	v63 =	vperm.xlane v28, v40;
	v47 =	vperm.xlane v27, v40;
	[tilespmem:s23+$0xEE00] =	vst v44  }
0x1ec: {  	v54 =	vperm.xlane v26, v40;
	v48 =	vperm.xlane v25, v40;
	[tilespmem:s13+$0xEB00] =	vst v61  }
0x1ed: {  	s2 =	sadd.s32 $0x20, s7;
	s3 =	sadd.s32 $0x30, s7;
	[tilespmem:s23+$0x13300] =	vst v45;
	v49 =	vshra.s32 v43, $0x3;
	v50 =	vshra.s32 v43, $0x5;
	v51 =	vshra.s32 v43, $0x6  }
0x1ee: {  	s5 =	sadd.s32 $0x40, s7;
	s14 =	sadd.s32 $0x50, s7;
	s9 =	sadd.s32 $0x6, s9;
	[tilespmem:s23+$0x13380] =	vst v62;
	vm0 =	vlt.s32 v43, $0x5;
	v55 =	vshra.s32 v43, $0x4;
	vm1 =	vlt.s32 v49, $0x1  }
0x1ef: {  	s8 =	sadd.s32 $0x3, s8;
	s10 =	sadd.s32 $0x6, s10;
	s19 =	sadd.s32 $0x60, s19;
	[tilespmem:s23+$0x13400] =	vst v46;
	v56 =	vnsel vm0, $0x5, v43;
	vm13 =	vlt.s32 v55, $0x1;
	v57 =	vnsel vm1, $0x1, v49  }
0x1f0: {  	s6 =	sadd.s32 $0x3, s6;
	s1 =	sadd.s32 $0x300, s1;
	s12 =	sadd.s32 $0x3, s12;
	[tilespmem:s23+$0x13480] =	vst v63;
	vm14 =	vlt.s32 v50, $0x1;
	v58 =	vnsel vm13, $0x1, v55;
	v41 =	vadd.s32 v56, v57  }
0x1f1: {  	s2 =	sand.u32 $0x60, s2;
	s3 =	sand.u32 $0x70, s3;
	[dreg:$0x5] =	wrdreg s9;
	[tilespmem:s23+$0x13500] =	vst v47;
	vm15 =	vlt.s32 v51, $0x1;
	v59 =	vnsel vm14, $0x1, v50;
	v41 =	vadd.s32 v58, v41  }
0x1f2: {  	s15 =	sand.u32 $0x60, s5;
	[dreg:$0x7] =	wrdreg s10;
	s16 =	sand.u32 $0x7, s9;
	v61 =	vperm.xlane v24, v40;
	[tilespmem:s23+$0x13580] =	vst v54;
	v60 =	vnsel vm15, $0x1, v51;
	v41 =	vadd.s32 v59, v41  }
0x1f3: {  	s17 =	sand.u32 $0x3, s8;
	s18 =	sand.u32 $0x3, s6;
	v53 =	vld [tilespmem:s19+$0xFFFFFFD0];
	[dreg:$0xf] =	wrdreg s2;
	[tilespmem:s23+$0x13600] =	vst v48;
	v62 =	vperm.xlane v23, v40;
	v41 =	vadd.s32 v60, v41  }
0x1f4: {  	s20 =	sand.u32 $0x7, s10;
	s22 =	sadd.s32 $0x100, s1;
	[dreg:$0x13] =	wrdreg s3;
	v48 =	vperm.xlane v22, v40;
	[tilespmem:s23+$0x13680] =	vst v61;
	v63 =	vshrl.u32 v41, $0x1B  }
0x1f5: {  	s24 =	sadd.s32 $0x180, s1;
	[dreg:$0x14] =	wrdreg s15;
	s5 =	sshll.u32 s20, $0x4;
	[tilespmem:s23+$0x17B00] =	vst v62;
	v49 =	vperm.xlane v21, v40;
	v44 =	vand.u32 $0x10, v63  }
0x1f6: {  	s2 =	sand.u32 $0x70, s14;
	s21 =	sadd.s32 s1, s5;
	s5 =	sand.u32 $0x7C00, s1;
	[tilespmem:s23+$0x17B80] =	vst v48;
	v50 =	vperm.xlane v20, v40;
	v41 =	vadd.s32 v41, v44  }
0x1f7: {  	s3 =	sshll.u32 s17, $0x5;
	s15 =	sadd.s32 $0x200, s1;
	s31 =	sadd.s32 $0xEB00, s5;
	[tilespmem:s23+$0x17C00] =	vst v49;
	v51 =	vperm.xlane v39, v41  }
0x1f8: {  	s17 =	sand.u32 $0x3, s12;
	[dreg:$0x15] =	wrdreg s2;
	s14 =	sor.u32 s0, s31;
	vm2 =	vlt.s32 v53, $0x5;
	[tilespmem:s23+$0x17C80] =	vst v50;
	v52 =	vperm.xlane v38, v41  }
0x1f9: {  	s4 =	sshll.u32 s18, $0x5;
	s2 =	sshll.u32 s16, $0x4;
	s18 =	sadd.s32 $0x280, s1;
	v61 =	vshra.s32 v53, $0x5;
	v48 =	vshra.s32 v53, $0x4;
	v54 =	vperm.xlane v37, v41;
	[tilespmem:s14+$0x0] =	vst v51  }
0x1fa: {  	s17 =	sshll.u32 s17, $0x5;
	s16 =	sand.u32 $0xFC00, s22;
	s2 =	sadd.s32 s1, s2;
	vm4 =	vlt.s32 v61, $0x1;
	vm7 =	vlt.s32 v48, $0x1;
	v55 =	vperm.xlane v36, v41;
	[tilespmem:s14+$0x80] =	vst v52  }
0x1fb: {  	s9 =	sadd.s32 $0x190, s21;
	s4 =	sadd.s32 s4, s22;
	s25 =	sadd.s32 s17, s1;
	v45 =	vnsel vm4, $0x1, v61;
	v63 =	vshra.s32 v53, $0x3;
	v56 =	vperm.xlane v35, v41;
	[tilespmem:s14+$0x100] =	vst v54  }
0x1fc: {  	s17 =	sand.u32 $0xFC00, s15;
	s21 =	sand.u32 $0xFC00, s18;
	s13 =	sadd.s32 $0x13380, s5;
	v40 =	vnsel vm2, $0x5, v53;
	vm6 =	vlt.s32 v63, $0x1;
	v57 =	vperm.xlane v34, v41;
	[tilespmem:s14+$0x180] =	vst v55  }
0x1fd: {  	s20 =	sadd.s32 $0x290, s2;
	s2 =	sadd.s32 s3, s15;
	s26 =	sadd.s32 $0x10, s25;
	v59 =	vshra.s32 v53, $0x6;
	v58 =	vperm.xlane v33, v41;
	v46 =	vnsel vm6, $0x1, v63;
	[tilespmem:s14+$0x200] =	vst v56  }
0x1fe: {  	s9 =	sor.u32 $0x300, s9;
	s15 =	sadd.s32 $0x13300, s5;
	s28 =	sor.u32 $0x300, s26;
	v53 =	vnsel vm7, $0x1, v48;
	v60 =	vperm.xlane v32, v41;
	v40 =	vadd.s32 v40, v46;
	[tilespmem:s14+$0x280] =	vst v57  }
0x1ff: {  	s18 =	sor.u32 $0x380, s25;
	s22 =	sor.u32 $0x300, s4;
	s10 =	sor.u32 $0x380, s26;
	vm5 =	vlt.s32 v59, $0x1;
	v62 =	vperm.xlane v31, v41;
	v40 =	vadd.s32 v53, v40;
	[tilespmem:s28+$0xEB00] =	vst v58  }
0x200: {  	[dreg:$0xd] =	wrdreg s9;
	s30 =	sor.u32 $0x300, s20;
	v44 =	vnsel vm5, $0x1, v59;
	v49 =	vperm.xlane v30, v41;
	v40 =	vadd.s32 v45, v40;
	[tilespmem:s10+$0xEB00] =	vst v60;
	s10 =	sor.u32 s0, s15  }
0x201: {  	s20 =	sadd.s32 $0x13400, s5;
	[dreg:$0x17] =	wrdreg s22;
	v50 =	vperm.xlane v29, v41;
	s14 =	sor.u32 s0, s13;
	v40 =	vadd.s32 v44, v40;
	[tilespmem:s10+$0x0] =	vst v62  }
0x202: {  	s22 =	sadd.s32 $0x13480, s5;
	s23 =	sand.u32 $0xFC00, s24;
	s24 =	sor.u32 s0, s20;
	v51 =	vperm.xlane v28, v41;
	v44 =	vshrl.u32 v40, $0x1B;
	[tilespmem:s14+$0x0] =	vst v49  }
0x203: {  	s9 =	sor.u32 $0x300, s25;
	s26 =	sadd.s32 $0x13500, s5;
	s25 =	sor.u32 s0, s22;
	v52 =	vperm.xlane v27, v41;
	v44 =	vand.u32 $0x10, v44;
	[tilespmem:s24+$0x0] =	vst v50  }
0x204: {  	s3 =	sor.u32 s0, s26;
	v54 =	vperm.xlane v26, v41;
	s28 =	sadd.s32 $0x13580, s5;
	v40 =	vadd.s32 v40, v44;
	[tilespmem:s25+$0x0] =	vst v51  }
0x205: {  	s10 =	sor.u32 $0x380, s4;
	s4 =	sor.u32 s0, s28;
	v60 =	vperm.xlane v39, v40;
	[tilespmem:s3+$0x0] =	vst v52  }
0x206: {  	s14 =	sor.u32 s29, s31;
	v61 =	vperm.xlane v38, v40;
	[tilespmem:s4+$0x0] =	vst v54  }
0x207: {  	v62 =	vperm.xlane v37, v40;
	[tilespmem:s14+$0x0] =	vst v60  }
0x208: {  	v45 =	vperm.xlane v36, v40;
	[tilespmem:s14+$0x80] =	vst v61  }
0x209: {  	v46 =	vperm.xlane v35, v40;
	[tilespmem:s14+$0x100] =	vst v62  }
0x20a: {  	[dreg:$0x19] =	wrdreg s30;
	s30 =	sor.u32 $0x300, s2;
	v47 =	vperm.xlane v34, v40;
	[tilespmem:s14+$0x180] =	vst v45  }
0x20b: {  	[dreg:$0x9] =	wrdreg s30;
	s30 =	sadd.s32 $0x13600, s5;
	v55 =	vperm.xlane v25, v41;
	[tilespmem:s14+$0x200] =	vst v46  }
0x20c: {  	v63 =	vld [tilespmem:s19+$0xFFFFFFF0];
	s24 =	sor.u32 s0, s30;
	v48 =	vperm.xlane v33, v40;
	[tilespmem:s14+$0x280] =	vst v47  }
0x20d: {  	s11 =	sadd.s32 $0x6, s11;
	v56 =	vperm.xlane v24, v41;
	s31 =	sor.u32 s29, s15;
	s15 =	sadd.s32 $0x13680, s5;
	[tilespmem:s24+$0x0] =	vst v55  }
0x20e: {  	p1 =	slt.u32 s11, $0x8A;
	s25 =	sor.u32 s0, s15;
	v49 =	vperm.xlane v32, v40;
	[tilespmem:s9+$0xEB00] =	vst v48  }
0x20f: {  	s2 =	sor.u32 $0x380, s2;
	v57 =	vperm.xlane v23, v41;
	s3 =	sor.u32 s29, s13;
	s13 =	sadd.s32 $0x17B00, s5;
	[tilespmem:s25+$0x0] =	vst v56  }
0x210: {  	[dreg:$0xb] =	wrdreg s2;
	v59 =	vperm.xlane v21, v41;
	v51 =	vperm.xlane v31, v40;
	s24 =	sor.u32 s29, s20;
	s20 =	sor.u32 s0, s13;
	[tilespmem:s18+$0xEB00] =	vst v49  }
0x211: {  	s2 =	smov.u32 s1;
	s1 =	smov.u32 s11;
	s11 =	sadd.s32 $0x17B80, s5;
	v58 =	vperm.xlane v22, v41;
	v41 =	vperm.xlane v20, v41;
	vm8 =	vlt.s32 v63, $0x5;
	[tilespmem:s20+$0x0] =	vst v57  }
0x212: {  	v43 =	vnsel vm8, $0x5, v63;
	v50 =	vshra.s32 v63, $0x6;
	v53 =	vperm.xlane v30, v40;
	s4 =	sor.u32 s29, s22;
	s22 =	sor.u32 s0, s11;
	[tilespmem:s31+$0x0] =	vst v51  }
0x213: {  	vm10 =	vlt.s32 v50, $0x1;
	v52 =	vshra.s32 v63, $0x5;
	v54 =	vshra.s32 v63, $0x3;
	s25 =	sadd.s32 $0x17C00, s5;
	[tilespmem:s22+$0x0] =	vst v58  }
0x214: {  	v55 =	vshra.s32 v63, $0x4;
	vm11 =	vlt.s32 v54, $0x1;
	v56 =	vperm.xlane v29, v40;
	s22 =	sor.u32 s0, s25;
	[tilespmem:s3+$0x0] =	vst v53  }
0x215: {  	vm9 =	vlt.s32 v52, $0x1;
	s5 =	sadd.s32 $0x17C80, s5;
	v46 =	vnsel vm11, $0x1, v54;
	vm12 =	vlt.s32 v55, $0x1;
	[tilespmem:s22+$0x0] =	vst v59  }
0x216: {  	v57 =	vperm.xlane v28, v40;
	v43 =	vadd.s32 v43, v46;
	v60 =	vnsel vm12, $0x1, v55;
	s0 =	sor.u32 s0, s5;
	[tilespmem:s24+$0x0] =	vst v56  }
0x217: {  	v45 =	vnsel vm9, $0x1, v52;
	v58 =	vperm.xlane v27, v40;
	v43 =	vadd.s32 v60, v43;
	[tilespmem:s0+$0x0] =	vst v41  }
0x218: {  	s26 =	sor.u32 s29, s26;
	v44 =	vnsel vm10, $0x1, v50;
	v59 =	vperm.xlane v26, v40;
	v43 =	vadd.s32 v45, v43;
	[tilespmem:s4+$0x0] =	vst v57  }
0x219: {  	s28 =	sor.u32 s29, s28;
	v61 =	vperm.xlane v25, v40;
	v43 =	vadd.s32 v44, v43;
	[tilespmem:s26+$0x0] =	vst v58  }
0x21a: {  	v62 =	vperm.xlane v24, v40;
	s20 =	sor.u32 s29, s30;
	v44 =	vshrl.u32 v43, $0x1B;
	[tilespmem:s28+$0x0] =	vst v59  }
0x21b: {  	v63 =	vperm.xlane v23, v40;
	s22 =	sor.u32 s29, s15;
	v44 =	vand.u32 $0x10, v44;
	[tilespmem:s20+$0x0] =	vst v61  }
0x21c: {  	v48 =	vperm.xlane v22, v40;
	s30 =	sor.u32 s29, s11;
	s15 =	sor.u32 s29, s13;
	v42 =	vadd.s32 v43, v44;
	[tilespmem:s22+$0x0] =	vst v62  }
0x21d: {  	s11 =	smov.u32 s1;
	s1 =	smov.u32 s2;
	s2 =	rddreg [dreg:$0xf];
	v50 =	vperm.xlane v39, v42;
	[tilespmem:s15+$0x0] =	vst v63  }
0x21e: {  	s16 =	sor.u32 s2, s16;
	v51 =	vperm.xlane v38, v42;
	[tilespmem:s30+$0x0] =	vst v48  }
0x21f: {  	v52 =	vperm.xlane v37, v42;
	[tilespmem:s16+$0xEB00] =	vst v50  }
0x220: {  	v54 =	vperm.xlane v36, v42;
	[tilespmem:s16+$0xEB80] =	vst v51  }
0x221: {  	v53 =	vld [tilespmem:s19+$0x0];
	v55 =	vperm.xlane v35, v42;
	[tilespmem:s16+$0xEC00] =	vst v52  }
0x222: {  	v56 =	vperm.xlane v34, v42;
	[tilespmem:s16+$0xEC80] =	vst v54  }
0x223: {  	v49 =	vperm.xlane v21, v40;
	[tilespmem:s16+$0xED00] =	vst v55  }
0x224: {  	s13 =	sor.u32 s29, s25;
	v57 =	vperm.xlane v33, v42;
	[tilespmem:s16+$0xED80] =	vst v56  }
0x225: {  	v40 =	vperm.xlane v20, v40;
	s26 =	rddreg [dreg:$0x17];
	[tilespmem:s13+$0x0] =	vst v49  }
0x226: {  	s5 =	sor.u32 s29, s5;
	v59 =	vshra.s32 v53, $0x6;
	v58 =	vperm.xlane v32, v42;
	[tilespmem:s26+$0xEB00] =	vst v57  }
0x227: {  	vm13 =	vlt.s32 v53, $0x5;
	v61 =	vshra.s32 v53, $0x5;
	v60 =	vperm.xlane v31, v42;
	[tilespmem:s5+$0x0] =	vst v40  }
0x228: {  	v62 =	vperm.xlane v30, v42;
	vm14 =	vlt.s32 v61, $0x1;
	vm15 =	vlt.s32 v59, $0x1;
	[tilespmem:s10+$0xEB00] =	vst v58  }
0x229: {  	v43 =	vnsel vm13, $0x5, v53;
	v63 =	vshra.s32 v53, $0x3;
	v49 =	vperm.xlane v29, v42;
	[tilespmem:s16+$0x13300] =	vst v60  }
0x22a: {  	v48 =	vshra.s32 v53, $0x4;
	v50 =	vperm.xlane v28, v42;
	vm4 =	vlt.s32 v63, $0x1;
	[tilespmem:s16+$0x13380] =	vst v62  }
0x22b: {  	v51 =	vperm.xlane v27, v42;
	v46 =	vnsel vm4, $0x1, v63;
	vm5 =	vlt.s32 v48, $0x1;
	[tilespmem:s16+$0x13400] =	vst v49  }
0x22c: {  	v52 =	vperm.xlane v26, v42;
	v43 =	vadd.s32 v43, v46;
	v53 =	vnsel vm5, $0x1, v48;
	[tilespmem:s16+$0x13480] =	vst v50  }
0x22d: {  	v45 =	vnsel vm14, $0x1, v61;
	v54 =	vperm.xlane v25, v42;
	[tilespmem:s16+$0x13500] =	vst v51;
	v43 =	vadd.s32 v53, v43  }
0x22e: {  	v44 =	vnsel vm15, $0x1, v59;
	v55 =	vperm.xlane v24, v42;
	[tilespmem:s16+$0x13580] =	vst v52;
	v43 =	vadd.s32 v45, v43  }
0x22f: {  	v56 =	vperm.xlane v23, v42;
	[tilespmem:s16+$0x13600] =	vst v54;
	v43 =	vadd.s32 v44, v43  }
0x230: {  	v57 =	vperm.xlane v22, v42;
	[tilespmem:s16+$0x13680] =	vst v55;
	v44 =	vshrl.u32 v43, $0x1B  }
0x231: {  	v59 =	vperm.xlane v20, v42;
	[tilespmem:s16+$0x17B00] =	vst v56;
	v44 =	vand.u32 $0x10, v44  }
0x232: {  	v58 =	vperm.xlane v21, v42;
	[tilespmem:s16+$0x17B80] =	vst v57;
	v42 =	vadd.s32 v43, v44  }
0x233: {  	s25 =	rddreg [dreg:$0x13];
	[tilespmem:s16+$0x17C80] =	vst v59;
	v60 =	vperm.xlane v39, v42  }
0x234: {  	s0 =	sor.u32 s25, s23;
	[tilespmem:s16+$0x17C00] =	vst v58;
	v61 =	vperm.xlane v38, v42  }
0x235: {  	v63 =	vld [tilespmem:s19+$0x10];
	v62 =	vperm.xlane v37, v42;
	[tilespmem:s0+$0xEB00] =	vst v60  }
0x236: {  	v48 =	vperm.xlane v36, v42;
	[tilespmem:s0+$0xEB80] =	vst v61  }
0x237: {  	v49 =	vperm.xlane v35, v42;
	[tilespmem:s0+$0xEC00] =	vst v62  }
0x238: {  	v50 =	vperm.xlane v34, v42;
	[tilespmem:s0+$0xEC80] =	vst v48  }
0x239: {  	v51 =	vperm.xlane v33, v42;
	[tilespmem:s0+$0xED00] =	vst v49  }
0x23a: {  	v53 =	vshra.s32 v63, $0x6;
	v52 =	vperm.xlane v32, v42;
	[tilespmem:s0+$0xED80] =	vst v50  }
0x23b: {  	s28 =	rddreg [dreg:$0xd];
	vm6 =	vlt.s32 v63, $0x5;
	v55 =	vshra.s32 v63, $0x5;
	v54 =	vperm.xlane v31, v42;
	[tilespmem:s0+$0xEE00] =	vst v51  }
0x23c: {  	v57 =	vshra.s32 v63, $0x3;
	v58 =	vshra.s32 v63, $0x4;
	v56 =	vperm.xlane v30, v42;
	[tilespmem:s28+$0xEB00] =	vst v52  }
0x23d: {  	vm7 =	vlt.s32 v55, $0x1;
	vm8 =	vlt.s32 v53, $0x1;
	v59 =	vperm.xlane v29, v42;
	[tilespmem:s0+$0x13300] =	vst v54  }
0x23e: {  	vm9 =	vlt.s32 v57, $0x1;
	vm10 =	vlt.s32 v58, $0x1;
	v60 =	vperm.xlane v28, v42;
	[tilespmem:s0+$0x13380] =	vst v56  }
0x23f: {  	v43 =	vnsel vm6, $0x5, v63;
	v46 =	vnsel vm9, $0x1, v57;
	v61 =	vperm.xlane v27, v42;
	[tilespmem:s0+$0x13400] =	vst v59  }
0x240: {  	v63 =	vnsel vm10, $0x1, v58;
	v43 =	vadd.s32 v43, v46;
	v62 =	vperm.xlane v26, v42;
	[tilespmem:s0+$0x13480] =	vst v60  }
0x241: {  	v45 =	vnsel vm7, $0x1, v55;
	v43 =	vadd.s32 v63, v43;
	v48 =	vperm.xlane v25, v42;
	[tilespmem:s0+$0x13500] =	vst v61  }
0x242: {  	v44 =	vnsel vm8, $0x1, v53;
	v49 =	vperm.xlane v24, v42;
	v43 =	vadd.s32 v45, v43;
	[tilespmem:s0+$0x13580] =	vst v62  }
0x243: {  	v50 =	vperm.xlane v23, v42;
	v43 =	vadd.s32 v44, v43;
	[tilespmem:s0+$0x13600] =	vst v48  }
0x244: {  	v51 =	vperm.xlane v22, v42;
	[tilespmem:s0+$0x13680] =	vst v49;
	v44 =	vshrl.u32 v43, $0x1B  }
0x245: {  	v53 =	vperm.xlane v20, v42;
	[tilespmem:s0+$0x17B00] =	vst v50;
	v44 =	vand.u32 $0x10, v44  }
0x246: {  	v52 =	vperm.xlane v21, v42;
	[tilespmem:s0+$0x17B80] =	vst v51;
	v42 =	vadd.s32 v43, v44  }
0x247: {  	s29 =	rddreg [dreg:$0x14];
	[tilespmem:s0+$0x17C80] =	vst v53;
	v54 =	vperm.xlane v39, v42  }
0x248: {  	s17 =	sor.u32 s29, s17;
	[tilespmem:s0+$0x17C00] =	vst v52;
	v55 =	vperm.xlane v38, v42  }
0x249: {  	v56 =	vperm.xlane v37, v42;
	[tilespmem:s17+$0xEB00] =	vst v54  }
0x24a: {  	v57 =	vld [tilespmem:s19+$0x20];
	v58 =	vperm.xlane v36, v42;
	[tilespmem:s17+$0xEB80] =	vst v55  }
0x24b: {  	v59 =	vperm.xlane v35, v42;
	[tilespmem:s17+$0xEC00] =	vst v56  }
0x24c: {  	v60 =	vperm.xlane v34, v42;
	[tilespmem:s17+$0xEC80] =	vst v58  }
0x24d: {  	v61 =	vperm.xlane v33, v42;
	[tilespmem:s17+$0xED00] =	vst v59  }
0x24e: {  	s30 =	rddreg [dreg:$0x9];
	v62 =	vperm.xlane v32, v42;
	[tilespmem:s17+$0xED80] =	vst v60  }
0x24f: {  	s31 =	rddreg [dreg:$0xb];
	v63 =	vshra.s32 v57, $0x6;
	v48 =	vperm.xlane v31, v42;
	[tilespmem:s30+$0xEB00] =	vst v61  }
0x250: {  	vm11 =	vlt.s32 v57, $0x5;
	v49 =	vshra.s32 v57, $0x5;
	v50 =	vperm.xlane v30, v42;
	[tilespmem:s31+$0xEB00] =	vst v62  }
0x251: {  	v51 =	vshra.s32 v57, $0x3;
	v52 =	vshra.s32 v57, $0x4;
	v53 =	vperm.xlane v29, v42;
	[tilespmem:s17+$0x13300] =	vst v48  }
0x252: {  	vm12 =	vlt.s32 v49, $0x1;
	vm13 =	vlt.s32 v63, $0x1;
	v54 =	vperm.xlane v28, v42;
	[tilespmem:s17+$0x13380] =	vst v50  }
0x253: {  	vm14 =	vlt.s32 v51, $0x1;
	v43 =	vnsel vm11, $0x5, v57;
	v55 =	vperm.xlane v27, v42;
	[tilespmem:s17+$0x13400] =	vst v53  }
0x254: {  	v46 =	vnsel vm14, $0x1, v51;
	vm15 =	vlt.s32 v52, $0x1;
	v56 =	vperm.xlane v26, v42;
	[tilespmem:s17+$0x13480] =	vst v54  }
0x255: {  	v43 =	vadd.s32 v43, v46;
	v57 =	vnsel vm15, $0x1, v52;
	v58 =	vperm.xlane v25, v42;
	[tilespmem:s17+$0x13500] =	vst v55  }
0x256: {  	v45 =	vnsel vm12, $0x1, v49;
	v43 =	vadd.s32 v57, v43;
	v59 =	vperm.xlane v24, v42;
	[tilespmem:s17+$0x13580] =	vst v56  }
0x257: {  	v44 =	vnsel vm13, $0x1, v63;
	v43 =	vadd.s32 v45, v43;
	v60 =	vperm.xlane v23, v42;
	[tilespmem:s17+$0x13600] =	vst v58  }
.Ltmp3:
0x258: {  	v43 =	vadd.s32 v44, v43;
	v61 =	vperm.xlane v22, v42;
	[tilespmem:s17+$0x13680] =	vst v59;
	(pc) =	sbr.rel @p1 .LBB2_5-.Ltmp3, $4  }
0x259: {  	s9 =	rddreg [dreg:$0x5];
	v63 =	vperm.xlane v20, v42;
	v44 =	vshrl.u32 v43, $0x1B;
	[tilespmem:s17+$0x17B00] =	vst v60  }
0x25a: {  	s25 =	rddreg [dreg:$0x15];
	v62 =	vperm.xlane v21, v42;
	v44 =	vand.u32 $0x10, v44;
	[tilespmem:s17+$0x17B80] =	vst v61  }
0x25b: {  	s13 =	rddreg [dreg:$0x19];
	[tilespmem:s17+$0x17C80] =	vst v63;
	v40 =	vadd.s32 v43, v44  }
0x25c: {  	s7 =	sadd.s32 $0x60, s7;
	s23 =	sor.u32 s25, s21;
	s10 =	rddreg [dreg:$0x7];
	[tilespmem:s17+$0x17C00] =	vst v62;
	v42 =	vperm.xlane v39, v40;
	v41 =	vperm.xlane v38, v40  }
0x25d: {  	_ = 	snop  }
0x25e: {  	v47 =	vperm.xlane v37, v40;
	[tilespmem:s23+$0xEB00] =	vst v42  }
0x25f: {  	v48 =	vperm.xlane v36, v40;
	[tilespmem:s23+$0xEB80] =	vst v41  }
0x260: {  	v49 =	vperm.xlane v35, v40;
	[tilespmem:s23+$0xEC00] =	vst v47  }
0x261: {  	v50 =	vperm.xlane v34, v40;
	[tilespmem:s23+$0xEC80] =	vst v48  }
0x262: {  	v43 =	vperm.xlane v33, v40;
	[tilespmem:s23+$0xED00] =	vst v49  }
0x263: {  	v51 =	vperm.xlane v32, v40;
	[tilespmem:s23+$0xED80] =	vst v50  }
0x264: {  	v52 =	vperm.xlane v31, v40;
	[tilespmem:s23+$0xEE00] =	vst v43  }
0x265: {  	v53 =	vperm.xlane v30, v40;
	[tilespmem:s13+$0xEB00] =	vst v51  }
0x266: {  	v54 =	vperm.xlane v29, v40;
	[tilespmem:s23+$0x13300] =	vst v52  }
0x267: {  	v55 =	vperm.xlane v28, v40;
	[tilespmem:s23+$0x13380] =	vst v53  }
0x268: {  	v56 =	vperm.xlane v27, v40;
	[tilespmem:s23+$0x13400] =	vst v54  }
0x269: {  	v57 =	vperm.xlane v26, v40;
	[tilespmem:s23+$0x13480] =	vst v55  }
0x26a: {  	v58 =	vperm.xlane v25, v40;
	[tilespmem:s23+$0x13500] =	vst v56  }
0x26b: {  	v59 =	vperm.xlane v24, v40;
	[tilespmem:s23+$0x13580] =	vst v57  }
0x26c: {  	v60 =	vperm.xlane v23, v40;
	[tilespmem:s23+$0x13600] =	vst v58  }
0x26d: {  	v61 =	vperm.xlane v22, v40;
	[tilespmem:s23+$0x13680] =	vst v59  }
0x26e: {  	[tilespmem:s23+$0x17B00] =	vst v60  }
0x26f: {  	[tilespmem:s23+$0x17B80] =	vst v61  }
0x270: {  	s0 =	sld [smem:$0x7F6];
	_ =	sdelay $0x1  }
.Ltmp4:
0x271: {  	v62 =	vperm.xlane v21, v40;
	(pc) =	sbr.rel @p2 .LBB2_8-.Ltmp4, $4  }
0x272: {  	v63 =	vperm.xlane v20, v40;
	s0 =	smul.u32 $0x900, s0  }
0x273: {  	s1 =	rddreg [dreg:$0x2];
	s31 =	simm.s32 $0x4800;
	[tilespmem:s23+$0x17C00] =	vst v62  }
0x274: {  	s2 =	simm.s32 $0x7A1400;
	s3 =	simm.s32 $0xEB00;
	[tilespmem:s23+$0x17C80] =	vst v63;
	s0 =	sadd.s32 s1, s0  }
0x275: {  	[hbm4b:s0+s31] =	stream.strided.scatter [tilespmem:s3], [sflag:$0x4], $0xD800, s2, s31, $0x38;
	[tilespmem:$0x1CF00] =	vst v63  }
0x276: {  	s1 =	sld [smem:$0x7F8];
	_ =	sdelay $0x1  }
0x277: {  	s0 =	rddreg [dreg:$0x1f]  }
0x278: {  	s0 =	sadd.s32 s0, s1  }
.Ltmp5:
0x279: {  	s18 =	sld [smem:$0x7F7];
	s0 =	smin.u32 s0, $0x1B1;
	(pc) =	sbr.rel .LBB2_2-.Ltmp5, $4  }
0x27a: {  	s0 =	smul.u32 $0x120, s0  }
0x27b: {  	s30 =	rddreg [dreg:$0x0];
	s31 =	simm.s32 $0x0  }
0x27c: {  	s2 =	simm.s32 $0x900;
	s18 =	sadd.s32 $0x1, s18;
	s0 =	sadd.s32 s30, s0  }
0x27d: {  	[tilespmem:s2], [sflag:$0x2] =	stream.linear.gather [hbm4b:s0+s31], $0x900, $0x38;
	[tilespmem:$0x1CF00] =	vst v63  }
.LBB2_8:
0x27e: {  	s0 =	simm.s32 $0x3  }
0x27f: {  	_ =	swait.ge [sflag:s0], $0xD800  }
.Ltmp6:
0x280: {  	[sflag:s0] =	ssyncset.done $0x0;
	(pc) =	sbr.rel @p0 .LBB2_10-.Ltmp6, $4  }
0x281: {  	s31 =	simm.s32 $0x4;
	[sflag:s0] =	ssyncadd.s32 $0xFFFF2800  }
0x282: {  	_ =	swait.ge [sflag:s31], $0xD800  }
0x283: {  	[sflag:s31] =	ssyncset.done $0x0  }
0x284: {  	s6 =	sld [smem:$0x7FA];
	[sflag:s31] =	ssyncadd.s32 $0xFFFF2800  }
0x285: {  	s0 =	sld [smem:$0x7FB];
	_ =	sdelay $0x1  }
0x286: {  	s1 =	simm.s32 $0x0;
	s2 =	simm.s32 $0x5  }
0x287: {  	[tilespmem:s1], [sflag:$0x5] =	stream.linear.gather [hbm4b:s0+s1], $0x40, $0x38;
	[tilespmem:$0x1CF00] =	vst v63  }
0x288: {  	_ =	swait.ge [sflag:s2], $0x40  }
0x289: {  	[sflag:s2] =	ssyncset.done $0x0  }
0x28a: {  	[sflag:s2] =	ssyncadd.s32 $0xFFFFFFC0  }
0x28b: {  	v40 =	vld [tilespmem:$0x0];
	_ =	sdelay $0x4  }
0x28c: {  	v41 =	vshra.s32 v40, $0x3;
	vm0 =	vlt.s32 v40, $0x5;
	v43 =	vshra.s32 v40, $0x4  }
0x28d: {  	v53 =	vshra.s32 v40, $0x5;
	vm1 =	vlt.s32 v41, $0x1;
	v42 =	vnsel vm0, $0x5, v40  }
0x28e: {  	vm10 =	vlt.s32 v43, $0x1;
	vm11 =	vlt.s32 v53, $0x1;
	v41 =	vnsel vm1, $0x1, v41  }
0x28f: {  	v40 =	vshra.s32 v40, $0x6;
	v43 =	vnsel vm10, $0x1, v43;
	v41 =	vadd.s32 v42, v41  }
0x290: {  	vm12 =	vlt.s32 v40, $0x1;
	v42 =	vnsel vm11, $0x1, v53;
	v41 =	vadd.s32 v43, v41  }
0x291: {  	v40 =	vnsel vm12, $0x1, v40;
	v41 =	vadd.s32 v42, v41  }
0x292: {  	v40 =	vadd.s32 v40, v41  }
0x293: {  	v41 =	vshrl.u32 v40, $0x1B  }
0x294: {  	v41 =	vand.u32 $0x10, v41  }
0x295: {  	v40 =	vadd.s32 v40, v41  }
0x296: {  	v41 =	vperm.xlane v39, v40  }
0x297: {  	v54 =	vperm.xlane v38, v40  }
0x298: {  	v58 =	vld [tilespmem:$0x10];
	v55 =	vperm.xlane v37, v40;
	[tilespmem:$0x1C300] =	vst v41  }
0x299: {  	v56 =	vperm.xlane v36, v40;
	[tilespmem:$0x1C380] =	vst v54  }
0x29a: {  	v57 =	vperm.xlane v35, v40;
	[tilespmem:$0x1C400] =	vst v55  }
0x29b: {  	v59 =	vperm.xlane v34, v40;
	[tilespmem:$0x1C480] =	vst v56  }
0x29c: {  	v60 =	vperm.xlane v33, v40;
	[tilespmem:$0x1C500] =	vst v57  }
0x29d: {  	vm13 =	vlt.s32 v58, $0x5;
	v44 =	vperm.xlane v32, v40;
	[tilespmem:$0x1C580] =	vst v59  }
0x29e: {  	v47 =	vshra.s32 v58, $0x3;
	v49 =	vshra.s32 v58, $0x4;
	v61 =	vperm.xlane v31, v40;
	[tilespmem:$0x1C600] =	vst v60  }
0x29f: {  	v48 =	vnsel vm13, $0x5, v58;
	vm14 =	vlt.s32 v47, $0x1;
	v45 =	vperm.xlane v30, v40;
	[tilespmem:$0x1C680] =	vst v44  }
0x2a0: {  	vm15 =	vlt.s32 v49, $0x1;
	v43 =	vshra.s32 v58, $0x6;
	v62 =	vperm.xlane v29, v40;
	[tilespmem:$0x1C700] =	vst v61  }
0x2a1: {  	v47 =	vnsel vm14, $0x1, v47;
	vm5 =	vlt.s32 v43, $0x1;
	v46 =	vperm.xlane v28, v40;
	[tilespmem:$0x1C780] =	vst v45  }
0x2a2: {  	v63 =	vperm.xlane v27, v40;
	v52 =	vperm.xlane v26, v40;
	[tilespmem:$0x1C800] =	vst v62;
	v55 =	vshra.s32 v58, $0x5  }
0x2a3: {  	v54 =	vadd.s32 v48, v47;
	[tilespmem:$0x1C880] =	vst v46;
	v56 =	vnsel vm15, $0x1, v49;
	vm4 =	vlt.s32 v55, $0x1  }
0x2a4: {  	v53 =	vperm.xlane v25, v40;
	[tilespmem:$0x1C900] =	vst v63;
	v41 =	vadd.s32 v56, v54;
	v57 =	vnsel vm4, $0x1, v55  }
0x2a5: {  	v43 =	vnsel vm5, $0x1, v43;
	[tilespmem:$0x1C980] =	vst v52;
	v58 =	vperm.xlane v24, v40;
	v41 =	vadd.s32 v57, v41  }
0x2a6: {  	[tilespmem:$0x1CA00] =	vst v53;
	v59 =	vperm.xlane v23, v40;
	v41 =	vadd.s32 v43, v41  }
0x2a7: {  	v60 =	vperm.xlane v22, v40;
	[tilespmem:$0x1CA80] =	vst v58;
	v43 =	vshrl.u32 v41, $0x1B  }
0x2a8: {  	v61 =	vperm.xlane v21, v40;
	[tilespmem:$0x1CB00] =	vst v59;
	v43 =	vand.u32 $0x10, v43  }
0x2a9: {  	v40 =	vperm.xlane v20, v40;
	[tilespmem:$0x1CB80] =	vst v60;
	v41 =	vadd.s32 v41, v43  }
0x2aa: {  	[tilespmem:$0x1CC00] =	vst v61;
	v62 =	vperm.xlane v39, v41  }
0x2ab: {  	[tilespmem:$0x1CC80] =	vst v40;
	v63 =	vperm.xlane v38, v41  }
0x2ac: {  	v45 =	vperm.xlane v37, v41;
	[tilespmem:$0x1C310] =	vst v62  }
0x2ad: {  	v46 =	vperm.xlane v36, v41;
	[tilespmem:$0x1C390] =	vst v63  }
0x2ae: {  	v47 =	vperm.xlane v35, v41;
	[tilespmem:$0x1C410] =	vst v45  }
0x2af: {  	v43 =	vld [tilespmem:$0x20];
	v48 =	vperm.xlane v34, v41;
	v49 =	vperm.xlane v33, v41;
	[tilespmem:$0x1C490] =	vst v46  }
0x2b0: {  	v50 =	vperm.xlane v32, v41;
	v51 =	vperm.xlane v31, v41;
	[tilespmem:$0x1C510] =	vst v47  }
0x2b1: {  	v52 =	vperm.xlane v30, v41;
	v53 =	vperm.xlane v29, v41;
	[tilespmem:$0x1C590] =	vst v48  }
0x2b2: {  	v54 =	vperm.xlane v28, v41;
	v55 =	vperm.xlane v27, v41;
	[tilespmem:$0x1C610] =	vst v49  }
0x2b3: {  	v57 =	vperm.xlane v26, v41;
	v59 =	vperm.xlane v25, v41;
	[tilespmem:$0x1C690] =	vst v50  }
0x2b4: {  	[tilespmem:$0x1C710] =	vst v51;
	vm6 =	vlt.s32 v43, $0x5;
	v56 =	vshra.s32 v43, $0x3;
	v60 =	vshra.s32 v43, $0x4  }
0x2b5: {  	[tilespmem:$0x1C790] =	vst v52;
	v62 =	vshra.s32 v43, $0x5;
	v58 =	vnsel vm6, $0x5, v43;
	vm7 =	vlt.s32 v56, $0x1  }
0x2b6: {  	[tilespmem:$0x1C810] =	vst v53;
	vm8 =	vlt.s32 v60, $0x1;
	vm9 =	vlt.s32 v62, $0x1;
	v47 =	vnsel vm7, $0x1, v56  }
0x2b7: {  	[tilespmem:$0x1C890] =	vst v54;
	v43 =	vshra.s32 v43, $0x6;
	v63 =	vnsel vm8, $0x1, v60;
	v61 =	vadd.s32 v58, v47  }
0x2b8: {  	[tilespmem:$0x1C910] =	vst v55;
	v48 =	vnsel vm9, $0x1, v62;
	vm10 =	vlt.s32 v43, $0x1;
	v42 =	vadd.s32 v63, v61  }
0x2b9: {  	[tilespmem:$0x1C990] =	vst v57;
	v49 =	vperm.xlane v24, v41;
	v43 =	vnsel vm10, $0x1, v43;
	v42 =	vadd.s32 v48, v42  }
0x2ba: {  	[tilespmem:$0x1CA10] =	vst v59;
	v50 =	vperm.xlane v23, v41;
	v42 =	vadd.s32 v43, v42  }
0x2bb: {  	v51 =	vperm.xlane v22, v41;
	[tilespmem:$0x1CA90] =	vst v49;
	v43 =	vshrl.u32 v42, $0x1B  }
0x2bc: {  	v52 =	vperm.xlane v21, v41;
	[tilespmem:$0x1CB10] =	vst v50;
	v43 =	vand.u32 $0x10, v43  }
0x2bd: {  	v53 =	vperm.xlane v20, v41;
	[tilespmem:$0x1CB90] =	vst v51;
	v41 =	vadd.s32 v42, v43  }
0x2be: {  	[tilespmem:$0x1CC10] =	vst v52;
	v42 =	vperm.xlane v39, v41  }
0x2bf: {  	[tilespmem:$0x1CC90] =	vst v53;
	v54 =	vperm.xlane v38, v41  }
0x2c0: {  	v57 =	vld [tilespmem:$0x30];
	v55 =	vperm.xlane v37, v41;
	[tilespmem:$0x1C320] =	vst v42  }
0x2c1: {  	v56 =	vperm.xlane v36, v41;
	[tilespmem:$0x1C3A0] =	vst v54  }
0x2c2: {  	v58 =	vperm.xlane v35, v41;
	[tilespmem:$0x1C420] =	vst v55  }
0x2c3: {  	v59 =	vperm.xlane v34, v41;
	[tilespmem:$0x1C4A0] =	vst v56  }
0x2c4: {  	v60 =	vperm.xlane v33, v41;
	[tilespmem:$0x1C520] =	vst v58  }
0x2c5: {  	vm11 =	vlt.s32 v57, $0x5;
	v61 =	vperm.xlane v32, v41;
	[tilespmem:$0x1C5A0] =	vst v59  }
0x2c6: {  	v50 =	vshra.s32 v57, $0x4;
	v48 =	vshra.s32 v57, $0x3;
	v62 =	vperm.xlane v31, v41;
	[tilespmem:$0x1C620] =	vst v60  }
0x2c7: {  	v49 =	vnsel vm11, $0x5, v57;
	vm12 =	vlt.s32 v48, $0x1;
	v63 =	vperm.xlane v30, v41;
	[tilespmem:$0x1C6A0] =	vst v61  }
0x2c8: {  	vm13 =	vlt.s32 v50, $0x1;
	v45 =	vnsel vm12, $0x1, v48;
	v51 =	vperm.xlane v29, v41;
	[tilespmem:$0x1C720] =	vst v62  }
0x2c9: {  	v53 =	vnsel vm13, $0x1, v50;
	v40 =	vadd.s32 v49, v45;
	v52 =	vperm.xlane v28, v41;
	[tilespmem:$0x1C7A0] =	vst v63  }
0x2ca: {  	v40 =	vadd.s32 v53, v40;
	[tilespmem:$0x1C820] =	vst v51;
	v54 =	vperm.xlane v27, v41;
	v55 =	vshra.s32 v57, $0x5  }
0x2cb: {  	v43 =	vshra.s32 v57, $0x6;
	[tilespmem:$0x1C8A0] =	vst v52;
	v56 =	vperm.xlane v26, v41;
	vm14 =	vlt.s32 v55, $0x1  }
0x2cc: {  	vm15 =	vlt.s32 v43, $0x1;
	v57 =	vperm.xlane v25, v41;
	[tilespmem:$0x1C920] =	vst v54;
	v45 =	vnsel vm14, $0x1, v55  }
0x2cd: {  	v58 =	vnsel vm15, $0x1, v43;
	v59 =	vperm.xlane v24, v41;
	[tilespmem:$0x1C9A0] =	vst v56;
	v40 =	vadd.s32 v45, v40  }
0x2ce: {  	v60 =	vperm.xlane v23, v41;
	[tilespmem:$0x1CA20] =	vst v57;
	v40 =	vadd.s32 v58, v40  }
0x2cf: {  	v61 =	vperm.xlane v22, v41;
	[tilespmem:$0x1CAA0] =	vst v59;
	v62 =	vshrl.u32 v40, $0x1B  }
0x2d0: {  	v63 =	vperm.xlane v21, v41;
	[tilespmem:$0x1CB20] =	vst v60;
	v43 =	vand.u32 $0x10, v62  }
0x2d1: {  	v41 =	vperm.xlane v20, v41;
	[tilespmem:$0x1CBA0] =	vst v61;
	v40 =	vadd.s32 v40, v43  }
0x2d2: {  	[tilespmem:$0x1CC20] =	vst v63;
	v45 =	vperm.xlane v39, v40  }
0x2d3: {  	[tilespmem:$0x1CCA0] =	vst v41;
	v46 =	vperm.xlane v38, v40  }
0x2d4: {  	v47 =	vperm.xlane v37, v40;
	[tilespmem:$0x1C330] =	vst v45  }
0x2d5: {  	v48 =	vperm.xlane v36, v40;
	[tilespmem:$0x1C3B0] =	vst v46  }
0x2d6: {  	v49 =	vperm.xlane v35, v40;
	[tilespmem:$0x1C430] =	vst v47  }
0x2d7: {  	v50 =	vperm.xlane v34, v40;
	[tilespmem:$0x1C4B0] =	vst v48  }
0x2d8: {  	v51 =	vperm.xlane v33, v40;
	[tilespmem:$0x1C530] =	vst v49  }
0x2d9: {  	v52 =	vperm.xlane v32, v40;
	[tilespmem:$0x1C5B0] =	vst v50  }
0x2da: {  	v53 =	vperm.xlane v31, v40;
	[tilespmem:$0x1C630] =	vst v51  }
0x2db: {  	v54 =	vperm.xlane v30, v40;
	[tilespmem:$0x1C6B0] =	vst v52  }
0x2dc: {  	v55 =	vperm.xlane v29, v40;
	[tilespmem:$0x1C730] =	vst v53  }
0x2dd: {  	v56 =	vperm.xlane v28, v40;
	[tilespmem:$0x1C7B0] =	vst v54  }
0x2de: {  	v57 =	vperm.xlane v27, v40;
	[tilespmem:$0x1C830] =	vst v55  }
0x2df: {  	v58 =	vperm.xlane v26, v40;
	[tilespmem:$0x1C8B0] =	vst v56  }
0x2e0: {  	v59 =	vperm.xlane v25, v40;
	[tilespmem:$0x1C930] =	vst v57  }
0x2e1: {  	v60 =	vperm.xlane v24, v40;
	[tilespmem:$0x1C9B0] =	vst v58  }
0x2e2: {  	v61 =	vperm.xlane v23, v40;
	[tilespmem:$0x1CA30] =	vst v59  }
0x2e3: {  	v62 =	vperm.xlane v22, v40;
	[tilespmem:$0x1CAB0] =	vst v60  }
0x2e4: {  	v63 =	vperm.xlane v21, v40;
	[tilespmem:$0x1CB30] =	vst v61  }
0x2e5: {  	s30 =	sld [smem:$0x7FC];
	v20 =	vperm.xlane v20, v40;
	[tilespmem:$0x1CBB0] =	vst v62  }
0x2e6: {  	[tilespmem:$0x1CC30] =	vst v63  }
0x2e7: {  	s3 =	simm.s32 $0x7A1400;
	s4 =	simm.s32 $0x400;
	s5 =	simm.s32 $0x1C300;
	[tilespmem:$0x1CCB0] =	vst v20  }
0x2e8: {  	[hbm4b:s30+s4] =	stream.strided.scatter [tilespmem:s5], [sflag:$0x5], $0x800, s3, s4, $0x38;
	[tilespmem:$0x1CF00] =	vst v63  }
.Ltmp7:
0x2e9: {  	s31 =	simm.s32 $0x1CB00;
	s0 =	sadd.s32 $0x1E8500, s30;
	(pc) =	sbr.rel .LBB2_10-.Ltmp7, $4  }
0x2ea: {  	[hbm4b:s0+s1] =	stream.linear.scatter [tilespmem:s31], [sflag:$0x5], $0x200, $0x38;
	[tilespmem:$0x1CF00] =	vst v63  }
0x2eb: {  	_ =	swait.ge [sflag:s2], $0xA00  }
0x2ec: {  	[sflag:s2] =	ssyncset.done $0x0  }
0x2ed: {  	[sflag:s2] =	ssyncadd.s32 $0xFFFFF600  }
.LBB2_11:
0x2ee: {  	_ =	sfence.sel $0x180000  }
0x2ef: {  	[bflag:$0x0] =	sbarrier.arrive $0xFFFF  }
0x2f0: {  	_ =	strace $0x90000047  }
0x2f1: {  	s0 =	stileid.u32;
	[bflag:$0x2] =	sbarrier.arrive $0xFFFF  }
0x2f2: {  	p0 =	sne.s32 s0, $0x0;
	s0 =	rddreg [dreg:$0x3]  }
0x2f3: {  	s0 =	sadd.s32 @!p0 $0x100000, s0  }
0x2f4: {  	[sflag:s0] =	ssyncadd.tile.s32 @!p0 $0x1;
	_ =	shalt  }
.Lfunc_end2:
_tile_overlayer_lowered:
.L_overlay_start_2:
0x2f5: {  	(tag) =	ssettag $0x2  }
0x2f6: {  	s0 =	rddreg [dreg:$0x0];
	s2 =	stileid.u32  }
0x2f7: {  	s1 =	rddreg [dreg:$0x1];
	p0 =	sne.s32 s2, $0x0  }
0x2f8: {  	s3 =	rddreg [dreg:$0x2];
	[bflag:$0x3] =	sbarrier.arrive $0xFFFF;
	s2 =	simm.s32 @!p0 $0x1C05  }
0x2f9: {  	[timem:s3], [sflag:s2] =	dma.local @!p0 [hbm:s0], s1  }
0x2fa: {  	s0 =	simm.s32 @!p0 $0x5  }
0x2fb: {  	_ =	swait.ge @!p0 [sflag:s0], s1  }
0x2fc: {  	s1 =	ssub.s32 @!p0 $0x0, s1;
	[sflag:s0] =	ssyncset.done @!p0 $0x0  }
0x2fd: {  	[sflag:s0] =	ssyncadd.s32 @!p0 s1  }
0x2fe: {  	[bflag:$0x3] =	sbarrier.arrive $0xFFFF  }
0x2ff: {  	_ =	shalt  }

</sc_bundles>
